<compile_context>
chip_gen: v7x
topology: tpu7x:2x2x1
jax: 0.10.2.dev20260603
libtpu: 0.0.44.dev20260713+nightly
codegen_flags: <defaults>
</compile_context>

<pallas_src>
import functools

import jax
import jax.numpy as jnp
from jax import lax
from jax.experimental import pallas as pl
from jax.experimental.pallas import tpu as pltpu
from jax.experimental.pallas import tpu_sc as plsc

_ALPHA = 0.25
_LANES = 16

_FOCAL_POLY = (
    -1.2309342320241197e-06,
    0.0008099157247511785,
    0.0005358931983529294,
    -0.007513531863339852,
    -0.011130368555003966,
    0.04802031863585161,
    0.1995721270353091,
    0.2982894167574487,
    0.1732867875219426,
)


def _make_sc_match(B, M, A_pad, n_tiles):
    TPB = n_tiles // B
    CH = A_pad // TPB
    NV = CH // _LANES
    f32 = jnp.float32

    mesh = plsc.VectorSubcoreMesh(core_axis_name="c", subcore_axis_name="s")

    @functools.partial(
        pl.kernel,
        mesh=mesh,
        compiler_params=pltpu.CompilerParams(needs_layout_passes=False),
        out_type=[
            jax.ShapeDtypeStruct((B * A_pad,), f32),
            jax.ShapeDtypeStruct((B * A_pad,), f32),
            jax.ShapeDtypeStruct((B * 4 * A_pad,), f32),
        ],
        scratch_types=(
            [pltpu.VMEM((CH,), f32) for _ in range(4)]
            + [pltpu.VMEM((M * _LANES,), f32) for _ in range(6)]
            + [pltpu.VMEM((CH,), f32) for _ in range(2)]
        ),
    )
    def sc_match(ax1_h, ay1_h, ax2_h, ay2_h,
                 bx1_h, by1_h, bx2_h, by2_h, blab_h,
                 pos_o, lab_o, u_o,
                 ax1_v, ay1_v, ax2_v, ay2_v,
                 bx1_v, by1_v, bx2_v, by2_v, bar_v, blab_v,
                 pos_v, labo_v):
        wid = lax.axis_index("s") * 2 + lax.axis_index("c")
        b = wid // TPB
        part = wid % TPB
        abase = part * CH

        pltpu.sync_copy(ax1_h.at[pl.ds(abase, CH)], ax1_v)
        pltpu.sync_copy(ay1_h.at[pl.ds(abase, CH)], ay1_v)
        pltpu.sync_copy(ax2_h.at[pl.ds(abase, CH)], ax2_v)
        pltpu.sync_copy(ay2_h.at[pl.ds(abase, CH)], ay2_v)
        bbase = b * (M * _LANES)
        pltpu.sync_copy(bx1_h.at[pl.ds(bbase, M * _LANES)], bx1_v)
        pltpu.sync_copy(by1_h.at[pl.ds(bbase, M * _LANES)], by1_v)
        pltpu.sync_copy(bx2_h.at[pl.ds(bbase, M * _LANES)], bx2_v)
        pltpu.sync_copy(by2_h.at[pl.ds(bbase, M * _LANES)], by2_v)
        pltpu.sync_copy(blab_h.at[pl.ds(bbase, M * _LANES)], blab_v)

        for m in range(M):
            sl = pl.ds(m * _LANES, _LANES)
            bar_v[sl] = (bx2_v[sl] - bx1_v[sl]) * (by2_v[sl] - by1_v[sl])

        lanes = lax.iota(jnp.int32, _LANES)

        def step(v, carry):
            sl = pl.ds(v * _LANES, _LANES)
            ax1 = ax1_v[sl]
            ay1 = ay1_v[sl]
            ax2 = ax2_v[sl]
            ay2 = ay2_v[sl]
            aw = ax2 - ax1
            ah = ay2 - ay1
            aarea = aw * ah
            best_in = jnp.full((_LANES,), -1.0, f32)
            best_ua = jnp.full((_LANES,), 1.0, f32)
            bidx = jnp.zeros((_LANES,), jnp.int32)
            for m in range(M):
                s2 = pl.ds(m * _LANES, _LANES)
                iw = jnp.minimum(ax2, bx2_v[s2]) - jnp.maximum(ax1, bx1_v[s2])
                ih = jnp.minimum(ay2, by2_v[s2]) - jnp.maximum(ay1, by1_v[s2])
                iw = jnp.maximum(iw, 0.0)
                ih = jnp.maximum(ih, 0.0)
                inter = iw * ih
                ua = aarea + bar_v[s2] - inter
                gt = inter * best_ua > best_in * ua
                best_in = jnp.where(gt, inter, best_in)
                best_ua = jnp.where(gt, ua, best_ua)
                bidx = jnp.where(gt, m, bidx)
            pos = jnp.where(best_in >= 0.5 * best_ua, 1.0, 0.0)
            gidx = bidx * _LANES + lanes
            gx1 = plsc.load_gather(bx1_v, [gidx])
            gy1 = plsc.load_gather(by1_v, [gidx])
            gx2 = plsc.load_gather(bx2_v, [gidx])
            gy2 = plsc.load_gather(by2_v, [gidx])
            glab = plsc.load_gather(blab_v, [gidx])
            gw = gx2 - gx1
            gh = gy2 - gy1
            gcx = gx1 + 0.5 * gw
            gcy = gy1 + 0.5 * gh
            acx = ax1 + 0.5 * aw
            acy = ay1 + 0.5 * ah
            u0 = (gcx - acx) / aw * 10.0
            u1 = (gcy - acy) / ah * 10.0
            u2 = jnp.maximum(gw, 1.0) / aw
            u3 = jnp.maximum(gh, 1.0) / ah
            pos_v[sl] = pos
            labo_v[sl] = glab
            ax1_v[sl] = u0
            ay1_v[sl] = u1
            ax2_v[sl] = u2
            ay2_v[sl] = u3
            return carry

        lax.fori_loop(0, NV, step, 0)

        obase = b * A_pad + abase
        pltpu.sync_copy(pos_v, pos_o.at[pl.ds(obase, CH)])
        pltpu.sync_copy(labo_v, lab_o.at[pl.ds(obase, CH)])
        for c, src in enumerate((ax1_v, ay1_v, ax2_v, ay2_v)):
            pltpu.sync_copy(src, u_o.at[pl.ds((b * 4 + c) * A_pad + abase, CH)])

    return sc_match


def _reg_body(u_ref, r_ref, p_ref, out_ref, *, B):
    b = pl.program_id(0)
    u = u_ref[0]
    r = r_ref[0]
    p = p_ref[0]
    is_lin = lax.broadcasted_iota(jnp.int32, (4, 1), 0) < 2
    t = jnp.where(is_lin, u, 5.0 * jnp.log(u))
    d = jnp.abs(t - r)
    sl1 = jnp.where(d <= 1.0 / 9.0, 4.5 * d * d, d - 0.5 / 9.0)
    reg_sum = jnp.sum(sl1 * p)
    npos = jnp.sum(p)

    @pl.when(b == 0)
    def _():
        out_ref[...] = jnp.zeros_like(out_ref)

    row = lax.broadcasted_iota(jnp.int32, (2, B), 1) == b
    vals = jnp.concatenate(
        [jnp.full((1, B), reg_sum), jnp.full((1, B), npos)], axis=0)
    out_ref[...] += jnp.where(row, vals, 0.0)


def _focal_body(cls_ref, pos_ref, lab_ref, rn_ref, base_ref, out_ref, acc_ref,
                *, B, K, C, A, AL, NB):
    b = pl.program_id(0)
    k = pl.program_id(1)

    @pl.when(k == 0)
    def _():
        acc_ref[0] = 0.0

    @pl.when((k == 0) & (b == 0))
    def _():
        acc_ref[1] = 0.0
        acc_ref[2] = 0.0

    CW = 512
    ci = lax.broadcasted_iota(jnp.int32, (C, 1), 0).astype(jnp.float32)
    li = lax.broadcasted_iota(jnp.int32, (1, CW), 1)
    sums = []
    for j in range(AL // CW):
        sl = pl.ds(j * CW, CW)
        X = cls_ref[0, :, sl]
        P = pos_ref[0, 0, :, sl]
        L = lab_ref[0, 0, :, sl]
        mask = (P < 0.5) | (ci == L)
        x = jnp.clip(X, 1e-4, 1.0 - 1e-4)
        s = jnp.where(mask, -x, x)
        w = jnp.where(mask, _ALPHA, 1.0 - _ALPHA)
        valid = li + (k * AL + j * CW) < A
        p = jnp.float32(_FOCAL_POLY[0])
        for coef in _FOCAL_POLY[1:]:
            p = p * s + coef
        sums.append(jnp.sum(jnp.where(valid, w * p, 0.0)))
    while len(sums) > 1:
        pairs = [a + b for a, b in zip(sums[0::2], sums[1::2])]
        if len(sums) % 2:
            pairs.append(sums[-1])
        sums = pairs
    acc_ref[0] += sums[0]

    @pl.when(k == K - 1)
    def _():
        reg_sum = rn_ref[0, b]
        npos = rn_ref[1, b]
        cls_img = acc_ref[0] / jnp.maximum(npos, 0.01)
        reg_img = jnp.where(npos > 0.0,
                            reg_sum / jnp.maximum(4.0 * npos, 1.0), 0.0)
        acc_ref[1] += cls_img
        acc_ref[2] += reg_img

        @pl.when(b == B - 1)
        def _():
            out_ref[0] = base_ref[0] + acc_ref[1] / NB
            out_ref[1] = base_ref[1] + acc_ref[2] / NB


def kernel(classifications, regressions, anchors, annotations):
    B, A, C = classifications.shape
    M = annotations.shape[1]
    f32 = jnp.float32

    n_tiles = 32
    TPB = n_tiles // B
    CH = -(-A // (TPB * _LANES)) * _LANES
    A_pad = CH * TPB

    a = anchors[0].astype(f32)
    pad_n = A_pad - A
    ax1 = jnp.pad(a[:, 0], (0, pad_n))
    ay1 = jnp.pad(a[:, 1], (0, pad_n))
    ax2 = jnp.pad(a[:, 2], (0, pad_n), constant_values=1.0)
    ay2 = jnp.pad(a[:, 3], (0, pad_n), constant_values=1.0)

    ann = annotations.astype(f32)

    AL = 3072
    assert A_pad % AL == 0
    KL = A_pad // AL
    cls_t = jnp.swapaxes(classifications.astype(f32), 1, 2)
    regs_p = jnp.pad(regressions.astype(f32).transpose(0, 2, 1),
                     ((0, 0), (0, 0), (0, pad_n)))

    def bcast(col):
        return jnp.broadcast_to(
            ann[:, :, col:col + 1], (B, M, _LANES)).reshape(-1)
    bx1, by1, bx2, by2, blab = (bcast(c) for c in range(5))
    sc_match = _make_sc_match(B, M, A_pad, n_tiles)
    pos_f, lab_f, u_f = sc_match(ax1, ay1, ax2, ay2,
                                 bx1, by1, bx2, by2, blab)

    pos2 = pos_f.reshape(B, A_pad)
    u3 = u_f.reshape(B, 4, A_pad)

    regnp = pl.pallas_call(
        functools.partial(_reg_body, B=B),
        grid=(B,),
        in_specs=[
            pl.BlockSpec((1, 4, A_pad), lambda b: (b, 0, 0)),
            pl.BlockSpec((1, 4, A_pad), lambda b: (b, 0, 0)),
            pl.BlockSpec((1, 1, A_pad), lambda b: (b, 0, 0)),
        ],
        out_specs=pl.BlockSpec((2, B), lambda b: (0, 0)),
        out_shape=jax.ShapeDtypeStruct((2, B), f32),
    )(u3, regs_p, pos2.reshape(B, 1, A_pad))

    pos4 = pos_f.reshape(B, KL, 1, AL)
    lab4 = lab_f.reshape(B, KL, 1, AL)

    out2 = pl.pallas_call(
        functools.partial(_focal_body, B=B, K=KL, C=C, A=A, AL=AL, NB=B),
        grid=(B, KL),
        in_specs=[
            pl.BlockSpec((1, C, AL), lambda b, k: (b, 0, k)),
            pl.BlockSpec((1, 1, 1, AL), lambda b, k: (b, k, 0, 0)),
            pl.BlockSpec((1, 1, 1, AL), lambda b, k: (b, k, 0, 0)),
            pl.BlockSpec(memory_space=pltpu.SMEM),
            pl.BlockSpec(memory_space=pltpu.SMEM),
        ],
        out_specs=pl.BlockSpec(memory_space=pltpu.SMEM),
        out_shape=jax.ShapeDtypeStruct((2,), f32),
        scratch_shapes=[pltpu.SMEM((4,), f32)],
    )(cls_t, pos4, lab4, regnp, jnp.zeros((2,), f32))

    return (out2[0:1], out2[1:2])

# --- scband reference (transcript-rebuilt; emitter-appended) ---
"""Pipeline reference for scband-focal-loss-36163624632413 (READ-ONLY COPY).

The authoritative reference and input builder live on the scoring server;
editing this copy changes nothing except your own understanding.
"""

import jax, jax.numpy as jnp
import numpy as np


def calc_iou(a, b):
    area = (b[:, 2] - b[:, 0]) * (b[:, 3] - b[:, 1])
    iw = jnp.minimum(a[:, 2:3], b[:, 2]) - jnp.maximum(a[:, 0:1], b[:, 0])
    ih = jnp.minimum(a[:, 3:4], b[:, 3]) - jnp.maximum(a[:, 1:2], b[:, 1])
    iw = jnp.clip(iw, 0.0)
    ih = jnp.clip(ih, 0.0)
    ua = ((a[:, 2] - a[:, 0]) * (a[:, 3] - a[:, 1]))[:, None] + area - iw * ih
    ua = jnp.clip(ua, 1e-08)
    intersection = iw * ih
    return intersection / ua


def focal_loss_detectron(target, logit, alpha=0.25, gamma=2.0):
    p = jax.nn.sigmoid(logit)
    term1 = (1.0 - p) ** gamma * jnp.log(p)
    term2 = -p ** gamma * jnp.where(logit >= 0.0, logit + jax.nn.softplus(-logit), jax.nn.softplus(logit))
    # torch.where(target, ...) uses truthiness of the float targets (-1, 0.25, 1 are truthy)
    loss = -jnp.where(target != 0.0, alpha * term1, (1.0 - alpha) * term2)
    return loss


def setup_inputs(seed: int = 0):
    key = jax.random.key(seed)
    ks = jax.random.split(key, 7)
    B, A, C, M = 8, 49104, 80, 32
    classifications = jax.random.uniform(ks[0], (B, A, C), dtype=jnp.float32)
    regressions = jax.random.normal(ks[1], (B, A, 4), dtype=jnp.float32)
    cx = jax.random.uniform(ks[2], (A,), dtype=jnp.float32) * 512.0
    cy = jax.random.uniform(ks[3], (A,), dtype=jnp.float32) * 512.0
    w = jax.random.uniform(ks[4], (A,), dtype=jnp.float32) * 112.0 + 16.0
    h = jax.random.uniform(ks[5], (A,), dtype=jnp.float32) * 112.0 + 16.0
    anchors = jnp.stack([cx - 0.5 * w, cy - 0.5 * h, cx + 0.5 * w, cy + 0.5 * h], axis=1)[None]
    k6 = jax.random.split(ks[6], 5)
    x1 = jax.random.uniform(k6[0], (B, M), dtype=jnp.float32) * 400.0
    y1 = jax.random.uniform(k6[1], (B, M), dtype=jnp.float32) * 400.0
    bw = jax.random.uniform(k6[2], (B, M), dtype=jnp.float32) * 100.0 + 20.0
    bh = jax.random.uniform(k6[3], (B, M), dtype=jnp.float32) * 100.0 + 20.0
    lab = jax.random.randint(k6[4], (B, M), 0, C).astype(jnp.float32)
    annotations = jnp.stack([x1, y1, x1 + bw, y1 + bh, lab], axis=2)
    return {"classifications": classifications, "regressions": regressions, "anchors": anchors, "annotations": annotations}


def reference(classifications, regressions, anchors, annotations):
    alpha, gamma = 0.25, 2.0
    batch_size = classifications.shape[0]
    anchor = anchors[0]
    anchor_widths = anchor[:, 2] - anchor[:, 0]
    anchor_heights = anchor[:, 3] - anchor[:, 1]
    anchor_ctr_x = anchor[:, 0] + 0.5 * anchor_widths
    anchor_ctr_y = anchor[:, 1] + 0.5 * anchor_heights
    classification_losses = []
    regression_losses = []
    for j in range(batch_size):
        classification = jnp.clip(classifications[j], 0.0001, 1.0 - 0.0001)
        regression = regressions[j]
        bbox_annotation = annotations[j]
        valid = bbox_annotation[:, 4] != -1.0  # all valid by construction; mask kept for faithfulness
        IoU = calc_iou(anchor, bbox_annotation[:, :4])
        IoU = jnp.where(valid[None, :], IoU, -1.0)
        IoU_max = jnp.max(IoU, axis=1)
        IoU_argmax = jnp.argmax(IoU, axis=1)
        ge04 = IoU_max >= 0.4
        positive_indices = IoU_max >= 0.5
        num_positive_anchors = positive_indices.sum()
        assigned_annotations = bbox_annotation[IoU_argmax, :]
        targets = jnp.full(classification.shape, -1.0, dtype=jnp.float32)
        targets = jnp.where(ge04[:, None], 0.25, targets)
        targets = jnp.where(positive_indices[:, None], 0.0, targets)
        labels = assigned_annotations[:, 4].astype(jnp.int32)
        onehot = jax.nn.one_hot(labels, classification.shape[1], dtype=jnp.float32)
        targets = jnp.where(positive_indices[:, None] & (onehot > 0.5), 1.0, targets)
        cls_loss = focal_loss_detectron(targets, classification, alpha=alpha, gamma=gamma)
        classification_losses.append(cls_loss.sum() / jnp.clip(num_positive_anchors.astype(jnp.float32), 0.01))
        gt_widths = assigned_annotations[:, 2] - assigned_annotations[:, 0]
        gt_heights = assigned_annotations[:, 3] - assigned_annotations[:, 1]
        gt_ctr_x = assigned_annotations[:, 0] + 0.5 * gt_widths
        gt_ctr_y = assigned_annotations[:, 1] + 0.5 * gt_heights
        gt_widths = jnp.clip(gt_widths, 1.0)
        gt_heights = jnp.clip(gt_heights, 1.0)
        targets_dx = (gt_ctr_x - anchor_ctr_x) / anchor_widths
        targets_dy = (gt_ctr_y - anchor_ctr_y) / anchor_heights
        targets_dw = jnp.log(gt_widths / anchor_widths)
        targets_dh = jnp.log(gt_heights / anchor_heights)
        reg_targets = jnp.stack([targets_dx, targets_dy, targets_dw, targets_dh], axis=1)
        reg_targets = reg_targets / jnp.array([[0.1, 0.1, 0.2, 0.2]], dtype=jnp.float32)
        regression_diff = jnp.abs(reg_targets - regression)
        regression_loss = jnp.where(regression_diff <= 1.0 / 9.0, 0.5 * 9.0 * regression_diff ** 2, regression_diff - 0.5 / 9.0)
        pos_f = positive_indices.astype(jnp.float32)
        denom = jnp.maximum(4.0 * num_positive_anchors.astype(jnp.float32), 1.0)
        reg_mean = (regression_loss * pos_f[:, None]).sum() / denom
        regression_losses.append(jnp.where(num_positive_anchors > 0, reg_mean, 0.0))
    return (jnp.stack(classification_losses).mean(axis=0, keepdims=True), jnp.stack(regression_losses).mean(axis=0, keepdims=True))

if __name__ == "__main__":
    import jax
    _d = setup_inputs()
    print(jax.jit(kernel)(*tuple(_d.values())))

</pallas_src>

<mosaic_0001>
#map = affine_map<(d0, d1) -> (0)>
module attributes {stable_mosaic.version = 14 : i64} {
  func.func @sc_match(%arg0: i32, %arg1: i32, %arg2: memref<49152xf32, #tpu.memory_space<hbm>>, %arg3: memref<49152xf32, #tpu.memory_space<hbm>>, %arg4: memref<49152xf32, #tpu.memory_space<hbm>>, %arg5: memref<49152xf32, #tpu.memory_space<hbm>>, %arg6: memref<4096xf32, #tpu.memory_space<hbm>>, %arg7: memref<4096xf32, #tpu.memory_space<hbm>>, %arg8: memref<4096xf32, #tpu.memory_space<hbm>>, %arg9: memref<4096xf32, #tpu.memory_space<hbm>>, %arg10: memref<4096xf32, #tpu.memory_space<hbm>>, %arg11: memref<393216xf32, #tpu.memory_space<hbm>>, %arg12: memref<393216xf32, #tpu.memory_space<hbm>>, %arg13: memref<1572864xf32, #tpu.memory_space<hbm>>, %arg14: memref<12288xf32, #tpu.memory_space<vmem>>, %arg15: memref<12288xf32, #tpu.memory_space<vmem>>, %arg16: memref<12288xf32, #tpu.memory_space<vmem>>, %arg17: memref<12288xf32, #tpu.memory_space<vmem>>, %arg18: memref<512xf32, #tpu.memory_space<vmem>>, %arg19: memref<512xf32, #tpu.memory_space<vmem>>, %arg20: memref<512xf32, #tpu.memory_space<vmem>>, %arg21: memref<512xf32, #tpu.memory_space<vmem>>, %arg22: memref<512xf32, #tpu.memory_space<vmem>>, %arg23: memref<512xf32, #tpu.memory_space<vmem>>, %arg24: memref<12288xf32, #tpu.memory_space<vmem>>, %arg25: memref<12288xf32, #tpu.memory_space<vmem>>) attributes {dimension_semantics = [#tpu.dimension_semantics<core_parallel>, #tpu.dimension_semantics<subcore_parallel>], iteration_bounds = array<i64: 2, 16>, scalar_prefetch = 0 : i64, scratch_operands = 12 : i64, tpu.core_type = #tpu.core_type<sc_vector_subcore>, window_params = [{transform_indices = #map}, {transform_indices = #map}, {transform_indices = #map}, {transform_indices = #map}, {transform_indices = #map}, {transform_indices = #map}, {transform_indices = #map}, {transform_indices = #map}, {transform_indices = #map}, {transform_indices = #map}, {transform_indices = #map}, {transform_indices = #map}]} {
    %mul3A = arith.constant 2 : i32
    %mul3A_0 = arith.muli %arg1, %mul3A : i32
    %add3A = arith.addi %mul3A_0, %arg0 : i32
    %jit3A = arith.constant 4 : i32
    %div3A = arith.divsi %add3A, %jit3A : i32
    %sign3A = arith.constant 0 : i32
    %sign3A_1 = arith.cmpi sgt, %add3A, %sign3A : i32
    %sign3A_2 = arith.extui %sign3A_1 : i1 to i32
    %sign3A_3 = arith.constant 0 : i32
    %sign3A_4 = arith.cmpi slt, %add3A, %sign3A_3 : i32
    %sign3A_5 = arith.extui %sign3A_4 : i1 to i32
    %sign3A_6 = arith.subi %sign3A_2, %sign3A_5 : i32
    %sign3A_7 = arith.constant 0 : i32
    %sign3A_8 = arith.cmpi sgt, %jit3A, %sign3A_7 : i32
    %sign3A_9 = arith.extui %sign3A_8 : i1 to i32
    %sign3A_10 = arith.constant 0 : i32
    %sign3A_11 = arith.cmpi slt, %jit3A, %sign3A_10 : i32
    %sign3A_12 = arith.extui %sign3A_11 : i1 to i32
    %sign3A_13 = arith.subi %sign3A_9, %sign3A_12 : i32
    %ne3A = arith.cmpi ne, %sign3A_6, %sign3A_13 : i32
    %rem3A = arith.remsi %add3A, %jit3A : i32
    %ne3A_14 = arith.constant 0 : i32
    %ne3A_15 = arith.cmpi ne, %rem3A, %ne3A_14 : i32
    %and3A = arith.andi %ne3A, %ne3A_15 : i1
    %sub3A = arith.constant 1 : i32
    %sub3A_16 = arith.subi %div3A, %sub3A : i32
    %select_n3A = arith.select %and3A, %sub3A_16, %div3A : i32
    %jit3A_17 = arith.constant 4 : i32
    %eq3A = arith.constant 0 : i32
    %eq3A_18 = arith.cmpi eq, %jit3A_17, %eq3A : i32
    %jit3A_19 = arith.constant 1 : i32
    %select_n3A_20 = arith.select %eq3A_18, %jit3A_19, %jit3A_17 : i32
    %rem3A_21 = arith.remsi %add3A, %select_n3A_20 : i32
    %ne3A_22 = arith.constant 0 : i32
    %ne3A_23 = arith.cmpi ne, %rem3A_21, %ne3A_22 : i32
    %lt3A = arith.constant 0 : i32
    %lt3A_24 = arith.cmpi slt, %rem3A_21, %lt3A : i32
    %lt3A_25 = arith.constant 0 : i32
    %lt3A_26 = arith.cmpi slt, %select_n3A_20, %lt3A_25 : i32
    %ne3A_27 = arith.xori %lt3A_24, %lt3A_26 : i1
    %and3A_28 = arith.andi %ne3A_27, %ne3A_23 : i1
    %add3A_29 = arith.addi %rem3A_21, %select_n3A_20 : i32
    %select_n3A_30 = arith.select %and3A_28, %add3A_29, %rem3A_21 : i32
    %mul3A_31 = arith.constant 12288 : i32
    %mul3A_32 = arith.muli %select_n3A_30, %mul3A_31 : i32
    "tpu.region"() ({
      %run_scoped3A = tpu.sem_alloc : memref<!tpu.dma_semaphore, #tpu.memory_space<semaphore_mem>>
      %dma_start3A = tpu.memref_slice %arg2[%mul3A_32] : memref<49152xf32, #tpu.memory_space<hbm>> -> memref<12288xf32, #tpu.memory_space<hbm>>
      %dma_start3A_485 = tpu.memref_slice %arg2[%mul3A_32] : memref<49152xf32, #tpu.memory_space<hbm>> -> memref<12288xf32, #tpu.memory_space<hbm>>
      tpu.enqueue_dma source(%dma_start3A_485 : memref<12288xf32, #tpu.memory_space<hbm>>) target(%arg14 : memref<12288xf32, #tpu.memory_space<vmem>>) target_semaphore(%run_scoped3A : memref<!tpu.dma_semaphore, #tpu.memory_space<semaphore_mem>>)
      %dma_wait3A = tpu.memref_slice %arg2[%mul3A_32] : memref<49152xf32, #tpu.memory_space<hbm>> -> memref<12288xf32, #tpu.memory_space<hbm>>
      %dma_wait3A_486 = tpu.memref_slice %arg2[%mul3A_32] : memref<49152xf32, #tpu.memory_space<hbm>> -> memref<12288xf32, #tpu.memory_space<hbm>>
      tpu.wait_dma2 semaphore(%run_scoped3A : memref<!tpu.dma_semaphore, #tpu.memory_space<semaphore_mem>>) src(%dma_wait3A_486 : memref<12288xf32, #tpu.memory_space<hbm>>) dst(%arg14 : memref<12288xf32, #tpu.memory_space<vmem>>)
      tpu.yield
    }) : () -> ()
    "tpu.region"() ({
      %run_scoped3A = tpu.sem_alloc : memref<!tpu.dma_semaphore, #tpu.memory_space<semaphore_mem>>
      %dma_start3A = tpu.memref_slice %arg3[%mul3A_32] : memref<49152xf32, #tpu.memory_space<hbm>> -> memref<12288xf32, #tpu.memory_space<hbm>>
      %dma_start3A_485 = tpu.memref_slice %arg3[%mul3A_32] : memref<49152xf32, #tpu.memory_space<hbm>> -> memref<12288xf32, #tpu.memory_space<hbm>>
      tpu.enqueue_dma source(%dma_start3A_485 : memref<12288xf32, #tpu.memory_space<hbm>>) target(%arg15 : memref<12288xf32, #tpu.memory_space<vmem>>) target_semaphore(%run_scoped3A : memref<!tpu.dma_semaphore, #tpu.memory_space<semaphore_mem>>)
      %dma_wait3A = tpu.memref_slice %arg3[%mul3A_32] : memref<49152xf32, #tpu.memory_space<hbm>> -> memref<12288xf32, #tpu.memory_space<hbm>>
      %dma_wait3A_486 = tpu.memref_slice %arg3[%mul3A_32] : memref<49152xf32, #tpu.memory_space<hbm>> -> memref<12288xf32, #tpu.memory_space<hbm>>
      tpu.wait_dma2 semaphore(%run_scoped3A : memref<!tpu.dma_semaphore, #tpu.memory_space<semaphore_mem>>) src(%dma_wait3A_486 : memref<12288xf32, #tpu.memory_space<hbm>>) dst(%arg15 : memref<12288xf32, #tpu.memory_space<vmem>>)
      tpu.yield
    }) : () -> ()
    "tpu.region"() ({
      %run_scoped3A = tpu.sem_alloc : memref<!tpu.dma_semaphore, #tpu.memory_space<semaphore_mem>>
      %dma_start3A = tpu.memref_slice %arg4[%mul3A_32] : memref<49152xf32, #tpu.memory_space<hbm>> -> memref<12288xf32, #tpu.memory_space<hbm>>
      %dma_start3A_485 = tpu.memref_slice %arg4[%mul3A_32] : memref<49152xf32, #tpu.memory_space<hbm>> -> memref<12288xf32, #tpu.memory_space<hbm>>
      tpu.enqueue_dma source(%dma_start3A_485 : memref<12288xf32, #tpu.memory_space<hbm>>) target(%arg16 : memref<12288xf32, #tpu.memory_space<vmem>>) target_semaphore(%run_scoped3A : memref<!tpu.dma_semaphore, #tpu.memory_space<semaphore_mem>>)
      %dma_wait3A = tpu.memref_slice %arg4[%mul3A_32] : memref<49152xf32, #tpu.memory_space<hbm>> -> memref<12288xf32, #tpu.memory_space<hbm>>
      %dma_wait3A_486 = tpu.memref_slice %arg4[%mul3A_32] : memref<49152xf32, #tpu.memory_space<hbm>> -> memref<12288xf32, #tpu.memory_space<hbm>>
      tpu.wait_dma2 semaphore(%run_scoped3A : memref<!tpu.dma_semaphore, #tpu.memory_space<semaphore_mem>>) src(%dma_wait3A_486 : memref<12288xf32, #tpu.memory_space<hbm>>) dst(%arg16 : memref<12288xf32, #tpu.memory_space<vmem>>)
      tpu.yield
    }) : () -> ()
    "tpu.region"() ({
      %run_scoped3A = tpu.sem_alloc : memref<!tpu.dma_semaphore, #tpu.memory_space<semaphore_mem>>
      %dma_start3A = tpu.memref_slice %arg5[%mul3A_32] : memref<49152xf32, #tpu.memory_space<hbm>> -> memref<12288xf32, #tpu.memory_space<hbm>>
      %dma_start3A_485 = tpu.memref_slice %arg5[%mul3A_32] : memref<49152xf32, #tpu.memory_space<hbm>> -> memref<12288xf32, #tpu.memory_space<hbm>>
      tpu.enqueue_dma source(%dma_start3A_485 : memref<12288xf32, #tpu.memory_space<hbm>>) target(%arg17 : memref<12288xf32, #tpu.memory_space<vmem>>) target_semaphore(%run_scoped3A : memref<!tpu.dma_semaphore, #tpu.memory_space<semaphore_mem>>)
      %dma_wait3A = tpu.memref_slice %arg5[%mul3A_32] : memref<49152xf32, #tpu.memory_space<hbm>> -> memref<12288xf32, #tpu.memory_space<hbm>>
      %dma_wait3A_486 = tpu.memref_slice %arg5[%mul3A_32] : memref<49152xf32, #tpu.memory_space<hbm>> -> memref<12288xf32, #tpu.memory_space<hbm>>
      tpu.wait_dma2 semaphore(%run_scoped3A : memref<!tpu.dma_semaphore, #tpu.memory_space<semaphore_mem>>) src(%dma_wait3A_486 : memref<12288xf32, #tpu.memory_space<hbm>>) dst(%arg17 : memref<12288xf32, #tpu.memory_space<vmem>>)
      tpu.yield
    }) : () -> ()
    %mul3A_33 = arith.constant 512 : i32
    %mul3A_34 = arith.muli %select_n3A, %mul3A_33 : i32
    "tpu.region"() ({
      %run_scoped3A = tpu.sem_alloc : memref<!tpu.dma_semaphore, #tpu.memory_space<semaphore_mem>>
      %dma_start3A = tpu.memref_slice %arg6[%mul3A_34] : memref<4096xf32, #tpu.memory_space<hbm>> -> memref<512xf32, #tpu.memory_space<hbm>>
      %dma_start3A_485 = tpu.memref_slice %arg6[%mul3A_34] : memref<4096xf32, #tpu.memory_space<hbm>> -> memref<512xf32, #tpu.memory_space<hbm>>
      tpu.enqueue_dma source(%dma_start3A_485 : memref<512xf32, #tpu.memory_space<hbm>>) target(%arg18 : memref<512xf32, #tpu.memory_space<vmem>>) target_semaphore(%run_scoped3A : memref<!tpu.dma_semaphore, #tpu.memory_space<semaphore_mem>>)
      %dma_wait3A = tpu.memref_slice %arg6[%mul3A_34] : memref<4096xf32, #tpu.memory_space<hbm>> -> memref<512xf32, #tpu.memory_space<hbm>>
      %dma_wait3A_486 = tpu.memref_slice %arg6[%mul3A_34] : memref<4096xf32, #tpu.memory_space<hbm>> -> memref<512xf32, #tpu.memory_space<hbm>>
      tpu.wait_dma2 semaphore(%run_scoped3A : memref<!tpu.dma_semaphore, #tpu.memory_space<semaphore_mem>>) src(%dma_wait3A_486 : memref<512xf32, #tpu.memory_space<hbm>>) dst(%arg18 : memref<512xf32, #tpu.memory_space<vmem>>)
      tpu.yield
    }) : () -> ()
    "tpu.region"() ({
      %run_scoped3A = tpu.sem_alloc : memref<!tpu.dma_semaphore, #tpu.memory_space<semaphore_mem>>
      %dma_start3A = tpu.memref_slice %arg7[%mul3A_34] : memref<4096xf32, #tpu.memory_space<hbm>> -> memref<512xf32, #tpu.memory_space<hbm>>
      %dma_start3A_485 = tpu.memref_slice %arg7[%mul3A_34] : memref<4096xf32, #tpu.memory_space<hbm>> -> memref<512xf32, #tpu.memory_space<hbm>>
      tpu.enqueue_dma source(%dma_start3A_485 : memref<512xf32, #tpu.memory_space<hbm>>) target(%arg19 : memref<512xf32, #tpu.memory_space<vmem>>) target_semaphore(%run_scoped3A : memref<!tpu.dma_semaphore, #tpu.memory_space<semaphore_mem>>)
      %dma_wait3A = tpu.memref_slice %arg7[%mul3A_34] : memref<4096xf32, #tpu.memory_space<hbm>> -> memref<512xf32, #tpu.memory_space<hbm>>
      %dma_wait3A_486 = tpu.memref_slice %arg7[%mul3A_34] : memref<4096xf32, #tpu.memory_space<hbm>> -> memref<512xf32, #tpu.memory_space<hbm>>
      tpu.wait_dma2 semaphore(%run_scoped3A : memref<!tpu.dma_semaphore, #tpu.memory_space<semaphore_mem>>) src(%dma_wait3A_486 : memref<512xf32, #tpu.memory_space<hbm>>) dst(%arg19 : memref<512xf32, #tpu.memory_space<vmem>>)
      tpu.yield
    }) : () -> ()
    "tpu.region"() ({
      %run_scoped3A = tpu.sem_alloc : memref<!tpu.dma_semaphore, #tpu.memory_space<semaphore_mem>>
      %dma_start3A = tpu.memref_slice %arg8[%mul3A_34] : memref<4096xf32, #tpu.memory_space<hbm>> -> memref<512xf32, #tpu.memory_space<hbm>>
      %dma_start3A_485 = tpu.memref_slice %arg8[%mul3A_34] : memref<4096xf32, #tpu.memory_space<hbm>> -> memref<512xf32, #tpu.memory_space<hbm>>
      tpu.enqueue_dma source(%dma_start3A_485 : memref<512xf32, #tpu.memory_space<hbm>>) target(%arg20 : memref<512xf32, #tpu.memory_space<vmem>>) target_semaphore(%run_scoped3A : memref<!tpu.dma_semaphore, #tpu.memory_space<semaphore_mem>>)
      %dma_wait3A = tpu.memref_slice %arg8[%mul3A_34] : memref<4096xf32, #tpu.memory_space<hbm>> -> memref<512xf32, #tpu.memory_space<hbm>>
      %dma_wait3A_486 = tpu.memref_slice %arg8[%mul3A_34] : memref<4096xf32, #tpu.memory_space<hbm>> -> memref<512xf32, #tpu.memory_space<hbm>>
      tpu.wait_dma2 semaphore(%run_scoped3A : memref<!tpu.dma_semaphore, #tpu.memory_space<semaphore_mem>>) src(%dma_wait3A_486 : memref<512xf32, #tpu.memory_space<hbm>>) dst(%arg20 : memref<512xf32, #tpu.memory_space<vmem>>)
      tpu.yield
    }) : () -> ()
    "tpu.region"() ({
      %run_scoped3A = tpu.sem_alloc : memref<!tpu.dma_semaphore, #tpu.memory_space<semaphore_mem>>
      %dma_start3A = tpu.memref_slice %arg9[%mul3A_34] : memref<4096xf32, #tpu.memory_space<hbm>> -> memref<512xf32, #tpu.memory_space<hbm>>
      %dma_start3A_485 = tpu.memref_slice %arg9[%mul3A_34] : memref<4096xf32, #tpu.memory_space<hbm>> -> memref<512xf32, #tpu.memory_space<hbm>>
      tpu.enqueue_dma source(%dma_start3A_485 : memref<512xf32, #tpu.memory_space<hbm>>) target(%arg21 : memref<512xf32, #tpu.memory_space<vmem>>) target_semaphore(%run_scoped3A : memref<!tpu.dma_semaphore, #tpu.memory_space<semaphore_mem>>)
      %dma_wait3A = tpu.memref_slice %arg9[%mul3A_34] : memref<4096xf32, #tpu.memory_space<hbm>> -> memref<512xf32, #tpu.memory_space<hbm>>
      %dma_wait3A_486 = tpu.memref_slice %arg9[%mul3A_34] : memref<4096xf32, #tpu.memory_space<hbm>> -> memref<512xf32, #tpu.memory_space<hbm>>
      tpu.wait_dma2 semaphore(%run_scoped3A : memref<!tpu.dma_semaphore, #tpu.memory_space<semaphore_mem>>) src(%dma_wait3A_486 : memref<512xf32, #tpu.memory_space<hbm>>) dst(%arg21 : memref<512xf32, #tpu.memory_space<vmem>>)
      tpu.yield
    }) : () -> ()
    "tpu.region"() ({
      %run_scoped3A = tpu.sem_alloc : memref<!tpu.dma_semaphore, #tpu.memory_space<semaphore_mem>>
      %dma_start3A = tpu.memref_slice %arg10[%mul3A_34] : memref<4096xf32, #tpu.memory_space<hbm>> -> memref<512xf32, #tpu.memory_space<hbm>>
      %dma_start3A_485 = tpu.memref_slice %arg10[%mul3A_34] : memref<4096xf32, #tpu.memory_space<hbm>> -> memref<512xf32, #tpu.memory_space<hbm>>
      tpu.enqueue_dma source(%dma_start3A_485 : memref<512xf32, #tpu.memory_space<hbm>>) target(%arg23 : memref<512xf32, #tpu.memory_space<vmem>>) target_semaphore(%run_scoped3A : memref<!tpu.dma_semaphore, #tpu.memory_space<semaphore_mem>>)
      %dma_wait3A = tpu.memref_slice %arg10[%mul3A_34] : memref<4096xf32, #tpu.memory_space<hbm>> -> memref<512xf32, #tpu.memory_space<hbm>>
      %dma_wait3A_486 = tpu.memref_slice %arg10[%mul3A_34] : memref<4096xf32, #tpu.memory_space<hbm>> -> memref<512xf32, #tpu.memory_space<hbm>>
      tpu.wait_dma2 semaphore(%run_scoped3A : memref<!tpu.dma_semaphore, #tpu.memory_space<semaphore_mem>>) src(%dma_wait3A_486 : memref<512xf32, #tpu.memory_space<hbm>>) dst(%arg23 : memref<512xf32, #tpu.memory_space<vmem>>)
      tpu.yield
    }) : () -> ()
    %get3A = arith.constant 0 : index
    %get3A_35 = tpu.vector_load %arg20[%get3A] {strides = array<i32>} : memref<512xf32, #tpu.memory_space<vmem>>, vector<16xf32>,
    %get3A_36 = arith.constant 0 : index
    %get3A_37 = tpu.vector_load %arg18[%get3A_36] {strides = array<i32>} : memref<512xf32, #tpu.memory_space<vmem>>, vector<16xf32>,
    %sub3A_38 = arith.subf %get3A_35, %get3A_37 : vector<16xf32>
    %get3A_39 = arith.constant 0 : index
    %get3A_40 = tpu.vector_load %arg21[%get3A_39] {strides = array<i32>} : memref<512xf32, #tpu.memory_space<vmem>>, vector<16xf32>,
    %get3A_41 = arith.constant 0 : index
    %get3A_42 = tpu.vector_load %arg19[%get3A_41] {strides = array<i32>} : memref<512xf32, #tpu.memory_space<vmem>>, vector<16xf32>,
    %sub3A_43 = arith.subf %get3A_40, %get3A_42 : vector<16xf32>
    %mul3A_44 = arith.mulf %sub3A_38, %sub3A_43 : vector<16xf32>
    %swap3A = arith.constant 0 : index
    %swap3A_45 = tpu.vector_load %arg22[%swap3A] {strides = array<i32>} : memref<512xf32, #tpu.memory_space<vmem>>, vector<16xf32>,
    tpu.vector_store %arg22[%swap3A], %mul3A_44 {strides = array<i32>} : memref<512xf32, #tpu.memory_space<vmem>>, vector<16xf32>,
    %get3A_46 = arith.constant 16 : index
    %get3A_47 = tpu.vector_load %arg20[%get3A_46] {strides = array<i32>} : memref<512xf32, #tpu.memory_space<vmem>>, vector<16xf32>,
    %get3A_48 = arith.constant 16 : index
    %get3A_49 = tpu.vector_load %arg18[%get3A_48] {strides = array<i32>} : memref<512xf32, #tpu.memory_space<vmem>>, vector<16xf32>,
    %sub3A_50 = arith.subf %get3A_47, %get3A_49 : vector<16xf32>
    %get3A_51 = arith.constant 16 : index
    %get3A_52 = tpu.vector_load %arg21[%get3A_51] {strides = array<i32>} : memref<512xf32, #tpu.memory_space<vmem>>, vector<16xf32>,
    %get3A_53 = arith.constant 16 : index
    %get3A_54 = tpu.vector_load %arg19[%get3A_53] {strides = array<i32>} : memref<512xf32, #tpu.memory_space<vmem>>, vector<16xf32>,
    %sub3A_55 = arith.subf %get3A_52, %get3A_54 : vector<16xf32>
    %mul3A_56 = arith.mulf %sub3A_50, %sub3A_55 : vector<16xf32>
    %swap3A_57 = arith.constant 16 : index
    %swap3A_58 = tpu.vector_load %arg22[%swap3A_57] {strides = array<i32>} : memref<512xf32, #tpu.memory_space<vmem>>, vector<16xf32>,
    tpu.vector_store %arg22[%swap3A_57], %mul3A_56 {strides = array<i32>} : memref<512xf32, #tpu.memory_space<vmem>>, vector<16xf32>,
    %get3A_59 = arith.constant 32 : index
    %get3A_60 = tpu.vector_load %arg20[%get3A_59] {strides = array<i32>} : memref<512xf32, #tpu.memory_space<vmem>>, vector<16xf32>,
    %get3A_61 = arith.constant 32 : index
    %get3A_62 = tpu.vector_load %arg18[%get3A_61] {strides = array<i32>} : memref<512xf32, #tpu.memory_space<vmem>>, vector<16xf32>,
    %sub3A_63 = arith.subf %get3A_60, %get3A_62 : vector<16xf32>
    %get3A_64 = arith.constant 32 : index
    %get3A_65 = tpu.vector_load %arg21[%get3A_64] {strides = array<i32>} : memref<512xf32, #tpu.memory_space<vmem>>, vector<16xf32>,
    %get3A_66 = arith.constant 32 : index
    %get3A_67 = tpu.vector_load %arg19[%get3A_66] {strides = array<i32>} : memref<512xf32, #tpu.memory_space<vmem>>, vector<16xf32>,
    %sub3A_68 = arith.subf %get3A_65, %get3A_67 : vector<16xf32>
    %mul3A_69 = arith.mulf %sub3A_63, %sub3A_68 : vector<16xf32>
    %swap3A_70 = arith.constant 32 : index
    %swap3A_71 = tpu.vector_load %arg22[%swap3A_70] {strides = array<i32>} : memref<512xf32, #tpu.memory_space<vmem>>, vector<16xf32>,
    tpu.vector_store %arg22[%swap3A_70], %mul3A_69 {strides = array<i32>} : memref<512xf32, #tpu.memory_space<vmem>>, vector<16xf32>,
    %get3A_72 = arith.constant 48 : index
    %get3A_73 = tpu.vector_load %arg20[%get3A_72] {strides = array<i32>} : memref<512xf32, #tpu.memory_space<vmem>>, vector<16xf32>,
    %get3A_74 = arith.constant 48 : index
    %get3A_75 = tpu.vector_load %arg18[%get3A_74] {strides = array<i32>} : memref<512xf32, #tpu.memory_space<vmem>>, vector<16xf32>,
    %sub3A_76 = arith.subf %get3A_73, %get3A_75 : vector<16xf32>
    %get3A_77 = arith.constant 48 : index
    %get3A_78 = tpu.vector_load %arg21[%get3A_77] {strides = array<i32>} : memref<512xf32, #tpu.memory_space<vmem>>, vector<16xf32>,
    %get3A_79 = arith.constant 48 : index
    %get3A_80 = tpu.vector_load %arg19[%get3A_79] {strides = array<i32>} : memref<512xf32, #tpu.memory_space<vmem>>, vector<16xf32>,
    %sub3A_81 = arith.subf %get3A_78, %get3A_80 : vector<16xf32>
    %mul3A_82 = arith.mulf %sub3A_76, %sub3A_81 : vector<16xf32>
    %swap3A_83 = arith.constant 48 : index
    %swap3A_84 = tpu.vector_load %arg22[%swap3A_83] {strides = array<i32>} : memref<512xf32, #tpu.memory_space<vmem>>, vector<16xf32>,
    tpu.vector_store %arg22[%swap3A_83], %mul3A_82 {strides = array<i32>} : memref<512xf32, #tpu.memory_space<vmem>>, vector<16xf32>,
    %get3A_85 = arith.constant 64 : index
    %get3A_86 = tpu.vector_load %arg20[%get3A_85] {strides = array<i32>} : memref<512xf32, #tpu.memory_space<vmem>>, vector<16xf32>,
    %get3A_87 = arith.constant 64 : index
    %get3A_88 = tpu.vector_load %arg18[%get3A_87] {strides = array<i32>} : memref<512xf32, #tpu.memory_space<vmem>>, vector<16xf32>,
    %sub3A_89 = arith.subf %get3A_86, %get3A_88 : vector<16xf32>
    %get3A_90 = arith.constant 64 : index
    %get3A_91 = tpu.vector_load %arg21[%get3A_90] {strides = array<i32>} : memref<512xf32, #tpu.memory_space<vmem>>, vector<16xf32>,
    %get3A_92 = arith.constant 64 : index
    %get3A_93 = tpu.vector_load %arg19[%get3A_92] {strides = array<i32>} : memref<512xf32, #tpu.memory_space<vmem>>, vector<16xf32>,
    %sub3A_94 = arith.subf %get3A_91, %get3A_93 : vector<16xf32>
    %mul3A_95 = arith.mulf %sub3A_89, %sub3A_94 : vector<16xf32>
    %swap3A_96 = arith.constant 64 : index
    %swap3A_97 = tpu.vector_load %arg22[%swap3A_96] {strides = array<i32>} : memref<512xf32, #tpu.memory_space<vmem>>, vector<16xf32>,
    tpu.vector_store %arg22[%swap3A_96], %mul3A_95 {strides = array<i32>} : memref<512xf32, #tpu.memory_space<vmem>>, vector<16xf32>,
    %get3A_98 = arith.constant 80 : index
    %get3A_99 = tpu.vector_load %arg20[%get3A_98] {strides = array<i32>} : memref<512xf32, #tpu.memory_space<vmem>>, vector<16xf32>,
    %get3A_100 = arith.constant 80 : index
    %get3A_101 = tpu.vector_load %arg18[%get3A_100] {strides = array<i32>} : memref<512xf32, #tpu.memory_space<vmem>>, vector<16xf32>,
    %sub3A_102 = arith.subf %get3A_99, %get3A_101 : vector<16xf32>
    %get3A_103 = arith.constant 80 : index
    %get3A_104 = tpu.vector_load %arg21[%get3A_103] {strides = array<i32>} : memref<512xf32, #tpu.memory_space<vmem>>, vector<16xf32>,
    %get3A_105 = arith.constant 80 : index
    %get3A_106 = tpu.vector_load %arg19[%get3A_105] {strides = array<i32>} : memref<512xf32, #tpu.memory_space<vmem>>, vector<16xf32>,
    %sub3A_107 = arith.subf %get3A_104, %get3A_106 : vector<16xf32>
    %mul3A_108 = arith.mulf %sub3A_102, %sub3A_107 : vector<16xf32>
    %swap3A_109 = arith.constant 80 : index
    %swap3A_110 = tpu.vector_load %arg22[%swap3A_109] {strides = array<i32>} : memref<512xf32, #tpu.memory_space<vmem>>, vector<16xf32>,
    tpu.vector_store %arg22[%swap3A_109], %mul3A_108 {strides = array<i32>} : memref<512xf32, #tpu.memory_space<vmem>>, vector<16xf32>,
    %get3A_111 = arith.constant 96 : index
    %get3A_112 = tpu.vector_load %arg20[%get3A_111] {strides = array<i32>} : memref<512xf32, #tpu.memory_space<vmem>>, vector<16xf32>,
    %get3A_113 = arith.constant 96 : index
    %get3A_114 = tpu.vector_load %arg18[%get3A_113] {strides = array<i32>} : memref<512xf32, #tpu.memory_space<vmem>>, vector<16xf32>,
    %sub3A_115 = arith.subf %get3A_112, %get3A_114 : vector<16xf32>
    %get3A_116 = arith.constant 96 : index
    %get3A_117 = tpu.vector_load %arg21[%get3A_116] {strides = array<i32>} : memref<512xf32, #tpu.memory_space<vmem>>, vector<16xf32>,
    %get3A_118 = arith.constant 96 : index
    %get3A_119 = tpu.vector_load %arg19[%get3A_118] {strides = array<i32>} : memref<512xf32, #tpu.memory_space<vmem>>, vector<16xf32>,
    %sub3A_120 = arith.subf %get3A_117, %get3A_119 : vector<16xf32>
    %mul3A_121 = arith.mulf %sub3A_115, %sub3A_120 : vector<16xf32>
    %swap3A_122 = arith.constant 96 : index
    %swap3A_123 = tpu.vector_load %arg22[%swap3A_122] {strides = array<i32>} : memref<512xf32, #tpu.memory_space<vmem>>, vector<16xf32>,
    tpu.vector_store %arg22[%swap3A_122], %mul3A_121 {strides = array<i32>} : memref<512xf32, #tpu.memory_space<vmem>>, vector<16xf32>,
    %get3A_124 = arith.constant 112 : index
    %get3A_125 = tpu.vector_load %arg20[%get3A_124] {strides = array<i32>} : memref<512xf32, #tpu.memory_space<vmem>>, vector<16xf32>,
    %get3A_126 = arith.constant 112 : index
    %get3A_127 = tpu.vector_load %arg18[%get3A_126] {strides = array<i32>} : memref<512xf32, #tpu.memory_space<vmem>>, vector<16xf32>,
    %sub3A_128 = arith.subf %get3A_125, %get3A_127 : vector<16xf32>
    %get3A_129 = arith.constant 112 : index
    %get3A_130 = tpu.vector_load %arg21[%get3A_129] {strides = array<i32>} : memref<512xf32, #tpu.memory_space<vmem>>, vector<16xf32>,
    %get3A_131 = arith.constant 112 : index
    %get3A_132 = tpu.vector_load %arg19[%get3A_131] {strides = array<i32>} : memref<512xf32, #tpu.memory_space<vmem>>, vector<16xf32>,
    %sub3A_133 = arith.subf %get3A_130, %get3A_132 : vector<16xf32>
    %mul3A_134 = arith.mulf %sub3A_128, %sub3A_133 : vector<16xf32>
    %swap3A_135 = arith.constant 112 : index
    %swap3A_136 = tpu.vector_load %arg22[%swap3A_135] {strides = array<i32>} : memref<512xf32, #tpu.memory_space<vmem>>, vector<16xf32>,
    tpu.vector_store %arg22[%swap3A_135], %mul3A_134 {strides = array<i32>} : memref<512xf32, #tpu.memory_space<vmem>>, vector<16xf32>,
    %get3A_137 = arith.constant 128 : index
    %get3A_138 = tpu.vector_load %arg20[%get3A_137] {strides = array<i32>} : memref<512xf32, #tpu.memory_space<vmem>>, vector<16xf32>,
    %get3A_139 = arith.constant 128 : index
    %get3A_140 = tpu.vector_load %arg18[%get3A_139] {strides = array<i32>} : memref<512xf32, #tpu.memory_space<vmem>>, vector<16xf32>,
    %sub3A_141 = arith.subf %get3A_138, %get3A_140 : vector<16xf32>
    %get3A_142 = arith.constant 128 : index
    %get3A_143 = tpu.vector_load %arg21[%get3A_142] {strides = array<i32>} : memref<512xf32, #tpu.memory_space<vmem>>, vector<16xf32>,
    %get3A_144 = arith.constant 128 : index
    %get3A_145 = tpu.vector_load %arg19[%get3A_144] {strides = array<i32>} : memref<512xf32, #tpu.memory_space<vmem>>, vector<16xf32>,
    %sub3A_146 = arith.subf %get3A_143, %get3A_145 : vector<16xf32>
    %mul3A_147 = arith.mulf %sub3A_141, %sub3A_146 : vector<16xf32>
    %swap3A_148 = arith.constant 128 : index
    %swap3A_149 = tpu.vector_load %arg22[%swap3A_148] {strides = array<i32>} : memref<512xf32, #tpu.memory_space<vmem>>, vector<16xf32>,
    tpu.vector_store %arg22[%swap3A_148], %mul3A_147 {strides = array<i32>} : memref<512xf32, #tpu.memory_space<vmem>>, vector<16xf32>,
    %get3A_150 = arith.constant 144 : index
    %get3A_151 = tpu.vector_load %arg20[%get3A_150] {strides = array<i32>} : memref<512xf32, #tpu.memory_space<vmem>>, vector<16xf32>,
    %get3A_152 = arith.constant 144 : index
    %get3A_153 = tpu.vector_load %arg18[%get3A_152] {strides = array<i32>} : memref<512xf32, #tpu.memory_space<vmem>>, vector<16xf32>,
    %sub3A_154 = arith.subf %get3A_151, %get3A_153 : vector<16xf32>
    %get3A_155 = arith.constant 144 : index
    %get3A_156 = tpu.vector_load %arg21[%get3A_155] {strides = array<i32>} : memref<512xf32, #tpu.memory_space<vmem>>, vector<16xf32>,
    %get3A_157 = arith.constant 144 : index
    %get3A_158 = tpu.vector_load %arg19[%get3A_157] {strides = array<i32>} : memref<512xf32, #tpu.memory_space<vmem>>, vector<16xf32>,
    %sub3A_159 = arith.subf %get3A_156, %get3A_158 : vector<16xf32>
    %mul3A_160 = arith.mulf %sub3A_154, %sub3A_159 : vector<16xf32>
    %swap3A_161 = arith.constant 144 : index
    %swap3A_162 = tpu.vector_load %arg22[%swap3A_161] {strides = array<i32>} : memref<512xf32, #tpu.memory_space<vmem>>, vector<16xf32>,
    tpu.vector_store %arg22[%swap3A_161], %mul3A_160 {strides = array<i32>} : memref<512xf32, #tpu.memory_space<vmem>>, vector<16xf32>,
    %get3A_163 = arith.constant 160 : index
    %get3A_164 = tpu.vector_load %arg20[%get3A_163] {strides = array<i32>} : memref<512xf32, #tpu.memory_space<vmem>>, vector<16xf32>,
    %get3A_165 = arith.constant 160 : index
    %get3A_166 = tpu.vector_load %arg18[%get3A_165] {strides = array<i32>} : memref<512xf32, #tpu.memory_space<vmem>>, vector<16xf32>,
    %sub3A_167 = arith.subf %get3A_164, %get3A_166 : vector<16xf32>
    %get3A_168 = arith.constant 160 : index
    %get3A_169 = tpu.vector_load %arg21[%get3A_168] {strides = array<i32>} : memref<512xf32, #tpu.memory_space<vmem>>, vector<16xf32>,
    %get3A_170 = arith.constant 160 : index
    %get3A_171 = tpu.vector_load %arg19[%get3A_170] {strides = array<i32>} : memref<512xf32, #tpu.memory_space<vmem>>, vector<16xf32>,
    %sub3A_172 = arith.subf %get3A_169, %get3A_171 : vector<16xf32>
    %mul3A_173 = arith.mulf %sub3A_167, %sub3A_172 : vector<16xf32>
    %swap3A_174 = arith.constant 160 : index
    %swap3A_175 = tpu.vector_load %arg22[%swap3A_174] {strides = array<i32>} : memref<512xf32, #tpu.memory_space<vmem>>, vector<16xf32>,
    tpu.vector_store %arg22[%swap3A_174], %mul3A_173 {strides = array<i32>} : memref<512xf32, #tpu.memory_space<vmem>>, vector<16xf32>,
    %get3A_176 = arith.constant 176 : index
    %get3A_177 = tpu.vector_load %arg20[%get3A_176] {strides = array<i32>} : memref<512xf32, #tpu.memory_space<vmem>>, vector<16xf32>,
    %get3A_178 = arith.constant 176 : index
    %get3A_179 = tpu.vector_load %arg18[%get3A_178] {strides = array<i32>} : memref<512xf32, #tpu.memory_space<vmem>>, vector<16xf32>,
    %sub3A_180 = arith.subf %get3A_177, %get3A_179 : vector<16xf32>
    %get3A_181 = arith.constant 176 : index
    %get3A_182 = tpu.vector_load %arg21[%get3A_181] {strides = array<i32>} : memref<512xf32, #tpu.memory_space<vmem>>, vector<16xf32>,
    %get3A_183 = arith.constant 176 : index
    %get3A_184 = tpu.vector_load %arg19[%get3A_183] {strides = array<i32>} : memref<512xf32, #tpu.memory_space<vmem>>, vector<16xf32>,
    %sub3A_185 = arith.subf %get3A_182, %get3A_184 : vector<16xf32>
    %mul3A_186 = arith.mulf %sub3A_180, %sub3A_185 : vector<16xf32>
    %swap3A_187 = arith.constant 176 : index
    %swap3A_188 = tpu.vector_load %arg22[%swap3A_187] {strides = array<i32>} : memref<512xf32, #tpu.memory_space<vmem>>, vector<16xf32>,
    tpu.vector_store %arg22[%swap3A_187], %mul3A_186 {strides = array<i32>} : memref<512xf32, #tpu.memory_space<vmem>>, vector<16xf32>,
    %get3A_189 = arith.constant 192 : index
    %get3A_190 = tpu.vector_load %arg20[%get3A_189] {strides = array<i32>} : memref<512xf32, #tpu.memory_space<vmem>>, vector<16xf32>,
    %get3A_191 = arith.constant 192 : index
    %get3A_192 = tpu.vector_load %arg18[%get3A_191] {strides = array<i32>} : memref<512xf32, #tpu.memory_space<vmem>>, vector<16xf32>,
    %sub3A_193 = arith.subf %get3A_190, %get3A_192 : vector<16xf32>
    %get3A_194 = arith.constant 192 : index
    %get3A_195 = tpu.vector_load %arg21[%get3A_194] {strides = array<i32>} : memref<512xf32, #tpu.memory_space<vmem>>, vector<16xf32>,
    %get3A_196 = arith.constant 192 : index
    %get3A_197 = tpu.vector_load %arg19[%get3A_196] {strides = array<i32>} : memref<512xf32, #tpu.memory_space<vmem>>, vector<16xf32>,
    %sub3A_198 = arith.subf %get3A_195, %get3A_197 : vector<16xf32>
    %mul3A_199 = arith.mulf %sub3A_193, %sub3A_198 : vector<16xf32>
    %swap3A_200 = arith.constant 192 : index
    %swap3A_201 = tpu.vector_load %arg22[%swap3A_200] {strides = array<i32>} : memref<512xf32, #tpu.memory_space<vmem>>, vector<16xf32>,
    tpu.vector_store %arg22[%swap3A_200], %mul3A_199 {strides = array<i32>} : memref<512xf32, #tpu.memory_space<vmem>>, vector<16xf32>,
    %get3A_202 = arith.constant 208 : index
    %get3A_203 = tpu.vector_load %arg20[%get3A_202] {strides = array<i32>} : memref<512xf32, #tpu.memory_space<vmem>>, vector<16xf32>,
    %get3A_204 = arith.constant 208 : index
    %get3A_205 = tpu.vector_load %arg18[%get3A_204] {strides = array<i32>} : memref<512xf32, #tpu.memory_space<vmem>>, vector<16xf32>,
    %sub3A_206 = arith.subf %get3A_203, %get3A_205 : vector<16xf32>
    %get3A_207 = arith.constant 208 : index
    %get3A_208 = tpu.vector_load %arg21[%get3A_207] {strides = array<i32>} : memref<512xf32, #tpu.memory_space<vmem>>, vector<16xf32>,
    %get3A_209 = arith.constant 208 : index
    %get3A_210 = tpu.vector_load %arg19[%get3A_209] {strides = array<i32>} : memref<512xf32, #tpu.memory_space<vmem>>, vector<16xf32>,
    %sub3A_211 = arith.subf %get3A_208, %get3A_210 : vector<16xf32>
    %mul3A_212 = arith.mulf %sub3A_206, %sub3A_211 : vector<16xf32>
    %swap3A_213 = arith.constant 208 : index
    %swap3A_214 = tpu.vector_load %arg22[%swap3A_213] {strides = array<i32>} : memref<512xf32, #tpu.memory_space<vmem>>, vector<16xf32>,
    tpu.vector_store %arg22[%swap3A_213], %mul3A_212 {strides = array<i32>} : memref<512xf32, #tpu.memory_space<vmem>>, vector<16xf32>,
    %get3A_215 = arith.constant 224 : index
    %get3A_216 = tpu.vector_load %arg20[%get3A_215] {strides = array<i32>} : memref<512xf32, #tpu.memory_space<vmem>>, vector<16xf32>,
    %get3A_217 = arith.constant 224 : index
    %get3A_218 = tpu.vector_load %arg18[%get3A_217] {strides = array<i32>} : memref<512xf32, #tpu.memory_space<vmem>>, vector<16xf32>,
    %sub3A_219 = arith.subf %get3A_216, %get3A_218 : vector<16xf32>
    %get3A_220 = arith.constant 224 : index
    %get3A_221 = tpu.vector_load %arg21[%get3A_220] {strides = array<i32>} : memref<512xf32, #tpu.memory_space<vmem>>, vector<16xf32>,
    %get3A_222 = arith.constant 224 : index
    %get3A_223 = tpu.vector_load %arg19[%get3A_222] {strides = array<i32>} : memref<512xf32, #tpu.memory_space<vmem>>, vector<16xf32>,
    %sub3A_224 = arith.subf %get3A_221, %get3A_223 : vector<16xf32>
    %mul3A_225 = arith.mulf %sub3A_219, %sub3A_224 : vector<16xf32>
    %swap3A_226 = arith.constant 224 : index
    %swap3A_227 = tpu.vector_load %arg22[%swap3A_226] {strides = array<i32>} : memref<512xf32, #tpu.memory_space<vmem>>, vector<16xf32>,
    tpu.vector_store %arg22[%swap3A_226], %mul3A_225 {strides = array<i32>} : memref<512xf32, #tpu.memory_space<vmem>>, vector<16xf32>,
    %get3A_228 = arith.constant 240 : index
    %get3A_229 = tpu.vector_load %arg20[%get3A_228] {strides = array<i32>} : memref<512xf32, #tpu.memory_space<vmem>>, vector<16xf32>,
    %get3A_230 = arith.constant 240 : index
    %get3A_231 = tpu.vector_load %arg18[%get3A_230] {strides = array<i32>} : memref<512xf32, #tpu.memory_space<vmem>>, vector<16xf32>,
    %sub3A_232 = arith.subf %get3A_229, %get3A_231 : vector<16xf32>
    %get3A_233 = arith.constant 240 : index
    %get3A_234 = tpu.vector_load %arg21[%get3A_233] {strides = array<i32>} : memref<512xf32, #tpu.memory_space<vmem>>, vector<16xf32>,
    %get3A_235 = arith.constant 240 : index
    %get3A_236 = tpu.vector_load %arg19[%get3A_235] {strides = array<i32>} : memref<512xf32, #tpu.memory_space<vmem>>, vector<16xf32>,
    %sub3A_237 = arith.subf %get3A_234, %get3A_236 : vector<16xf32>
    %mul3A_238 = arith.mulf %sub3A_232, %sub3A_237 : vector<16xf32>
    %swap3A_239 = arith.constant 240 : index
    %swap3A_240 = tpu.vector_load %arg22[%swap3A_239] {strides = array<i32>} : memref<512xf32, #tpu.memory_space<vmem>>, vector<16xf32>,
    tpu.vector_store %arg22[%swap3A_239], %mul3A_238 {strides = array<i32>} : memref<512xf32, #tpu.memory_space<vmem>>, vector<16xf32>,
    %get3A_241 = arith.constant 256 : index
    %get3A_242 = tpu.vector_load %arg20[%get3A_241] {strides = array<i32>} : memref<512xf32, #tpu.memory_space<vmem>>, vector<16xf32>,
    %get3A_243 = arith.constant 256 : index
    %get3A_244 = tpu.vector_load %arg18[%get3A_243] {strides = array<i32>} : memref<512xf32, #tpu.memory_space<vmem>>, vector<16xf32>,
    %sub3A_245 = arith.subf %get3A_242, %get3A_244 : vector<16xf32>
    %get3A_246 = arith.constant 256 : index
    %get3A_247 = tpu.vector_load %arg21[%get3A_246] {strides = array<i32>} : memref<512xf32, #tpu.memory_space<vmem>>, vector<16xf32>,
    %get3A_248 = arith.constant 256 : index
    %get3A_249 = tpu.vector_load %arg19[%get3A_248] {strides = array<i32>} : memref<512xf32, #tpu.memory_space<vmem>>, vector<16xf32>,
    %sub3A_250 = arith.subf %get3A_247, %get3A_249 : vector<16xf32>
    %mul3A_251 = arith.mulf %sub3A_245, %sub3A_250 : vector<16xf32>
    %swap3A_252 = arith.constant 256 : index
    %swap3A_253 = tpu.vector_load %arg22[%swap3A_252] {strides = array<i32>} : memref<512xf32, #tpu.memory_space<vmem>>, vector<16xf32>,
    tpu.vector_store %arg22[%swap3A_252], %mul3A_251 {strides = array<i32>} : memref<512xf32, #tpu.memory_space<vmem>>, vector<16xf32>,
    %get3A_254 = arith.constant 272 : index
    %get3A_255 = tpu.vector_load %arg20[%get3A_254] {strides = array<i32>} : memref<512xf32, #tpu.memory_space<vmem>>, vector<16xf32>,
    %get3A_256 = arith.constant 272 : index
    %get3A_257 = tpu.vector_load %arg18[%get3A_256] {strides = array<i32>} : memref<512xf32, #tpu.memory_space<vmem>>, vector<16xf32>,
    %sub3A_258 = arith.subf %get3A_255, %get3A_257 : vector<16xf32>
    %get3A_259 = arith.constant 272 : index
    %get3A_260 = tpu.vector_load %arg21[%get3A_259] {strides = array<i32>} : memref<512xf32, #tpu.memory_space<vmem>>, vector<16xf32>,
    %get3A_261 = arith.constant 272 : index
    %get3A_262 = tpu.vector_load %arg19[%get3A_261] {strides = array<i32>} : memref<512xf32, #tpu.memory_space<vmem>>, vector<16xf32>,
    %sub3A_263 = arith.subf %get3A_260, %get3A_262 : vector<16xf32>
    %mul3A_264 = arith.mulf %sub3A_258, %sub3A_263 : vector<16xf32>
    %swap3A_265 = arith.constant 272 : index
    %swap3A_266 = tpu.vector_load %arg22[%swap3A_265] {strides = array<i32>} : memref<512xf32, #tpu.memory_space<vmem>>, vector<16xf32>,
    tpu.vector_store %arg22[%swap3A_265], %mul3A_264 {strides = array<i32>} : memref<512xf32, #tpu.memory_space<vmem>>, vector<16xf32>,
    %get3A_267 = arith.constant 288 : index
    %get3A_268 = tpu.vector_load %arg20[%get3A_267] {strides = array<i32>} : memref<512xf32, #tpu.memory_space<vmem>>, vector<16xf32>,
    %get3A_269 = arith.constant 288 : index
    %get3A_270 = tpu.vector_load %arg18[%get3A_269] {strides = array<i32>} : memref<512xf32, #tpu.memory_space<vmem>>, vector<16xf32>,
    %sub3A_271 = arith.subf %get3A_268, %get3A_270 : vector<16xf32>
    %get3A_272 = arith.constant 288 : index
    %get3A_273 = tpu.vector_load %arg21[%get3A_272] {strides = array<i32>} : memref<512xf32, #tpu.memory_space<vmem>>, vector<16xf32>,
    %get3A_274 = arith.constant 288 : index
    %get3A_275 = tpu.vector_load %arg19[%get3A_274] {strides = array<i32>} : memref<512xf32, #tpu.memory_space<vmem>>, vector<16xf32>,
    %sub3A_276 = arith.subf %get3A_273, %get3A_275 : vector<16xf32>
    %mul3A_277 = arith.mulf %sub3A_271, %sub3A_276 : vector<16xf32>
    %swap3A_278 = arith.constant 288 : index
    %swap3A_279 = tpu.vector_load %arg22[%swap3A_278] {strides = array<i32>} : memref<512xf32, #tpu.memory_space<vmem>>, vector<16xf32>,
    tpu.vector_store %arg22[%swap3A_278], %mul3A_277 {strides = array<i32>} : memref<512xf32, #tpu.memory_space<vmem>>, vector<16xf32>,
    %get3A_280 = arith.constant 304 : index
    %get3A_281 = tpu.vector_load %arg20[%get3A_280] {strides = array<i32>} : memref<512xf32, #tpu.memory_space<vmem>>, vector<16xf32>,
    %get3A_282 = arith.constant 304 : index
    %get3A_283 = tpu.vector_load %arg18[%get3A_282] {strides = array<i32>} : memref<512xf32, #tpu.memory_space<vmem>>, vector<16xf32>,
    %sub3A_284 = arith.subf %get3A_281, %get3A_283 : vector<16xf32>
    %get3A_285 = arith.constant 304 : index
    %get3A_286 = tpu.vector_load %arg21[%get3A_285] {strides = array<i32>} : memref<512xf32, #tpu.memory_space<vmem>>, vector<16xf32>,
    %get3A_287 = arith.constant 304 : index
    %get3A_288 = tpu.vector_load %arg19[%get3A_287] {strides = array<i32>} : memref<512xf32, #tpu.memory_space<vmem>>, vector<16xf32>,
    %sub3A_289 = arith.subf %get3A_286, %get3A_288 : vector<16xf32>
    %mul3A_290 = arith.mulf %sub3A_284, %sub3A_289 : vector<16xf32>
    %swap3A_291 = arith.constant 304 : index
    %swap3A_292 = tpu.vector_load %arg22[%swap3A_291] {strides = array<i32>} : memref<512xf32, #tpu.memory_space<vmem>>, vector<16xf32>,
    tpu.vector_store %arg22[%swap3A_291], %mul3A_290 {strides = array<i32>} : memref<512xf32, #tpu.memory_space<vmem>>, vector<16xf32>,
    %get3A_293 = arith.constant 320 : index
    %get3A_294 = tpu.vector_load %arg20[%get3A_293] {strides = array<i32>} : memref<512xf32, #tpu.memory_space<vmem>>, vector<16xf32>,
    %get3A_295 = arith.constant 320 : index
    %get3A_296 = tpu.vector_load %arg18[%get3A_295] {strides = array<i32>} : memref<512xf32, #tpu.memory_space<vmem>>, vector<16xf32>,
    %sub3A_297 = arith.subf %get3A_294, %get3A_296 : vector<16xf32>
    %get3A_298 = arith.constant 320 : index
    %get3A_299 = tpu.vector_load %arg21[%get3A_298] {strides = array<i32>} : memref<512xf32, #tpu.memory_space<vmem>>, vector<16xf32>,
    %get3A_300 = arith.constant 320 : index
    %get3A_301 = tpu.vector_load %arg19[%get3A_300] {strides = array<i32>} : memref<512xf32, #tpu.memory_space<vmem>>, vector<16xf32>,
    %sub3A_302 = arith.subf %get3A_299, %get3A_301 : vector<16xf32>
    %mul3A_303 = arith.mulf %sub3A_297, %sub3A_302 : vector<16xf32>
    %swap3A_304 = arith.constant 320 : index
    %swap3A_305 = tpu.vector_load %arg22[%swap3A_304] {strides = array<i32>} : memref<512xf32, #tpu.memory_space<vmem>>, vector<16xf32>,
    tpu.vector_store %arg22[%swap3A_304], %mul3A_303 {strides = array<i32>} : memref<512xf32, #tpu.memory_space<vmem>>, vector<16xf32>,
    %get3A_306 = arith.constant 336 : index
    %get3A_307 = tpu.vector_load %arg20[%get3A_306] {strides = array<i32>} : memref<512xf32, #tpu.memory_space<vmem>>, vector<16xf32>,
    %get3A_308 = arith.constant 336 : index
    %get3A_309 = tpu.vector_load %arg18[%get3A_308] {strides = array<i32>} : memref<512xf32, #tpu.memory_space<vmem>>, vector<16xf32>,
    %sub3A_310 = arith.subf %get3A_307, %get3A_309 : vector<16xf32>
    %get3A_311 = arith.constant 336 : index
    %get3A_312 = tpu.vector_load %arg21[%get3A_311] {strides = array<i32>} : memref<512xf32, #tpu.memory_space<vmem>>, vector<16xf32>,
    %get3A_313 = arith.constant 336 : index
    %get3A_314 = tpu.vector_load %arg19[%get3A_313] {strides = array<i32>} : memref<512xf32, #tpu.memory_space<vmem>>, vector<16xf32>,
    %sub3A_315 = arith.subf %get3A_312, %get3A_314 : vector<16xf32>
    %mul3A_316 = arith.mulf %sub3A_310, %sub3A_315 : vector<16xf32>
    %swap3A_317 = arith.constant 336 : index
    %swap3A_318 = tpu.vector_load %arg22[%swap3A_317] {strides = array<i32>} : memref<512xf32, #tpu.memory_space<vmem>>, vector<16xf32>,
    tpu.vector_store %arg22[%swap3A_317], %mul3A_316 {strides = array<i32>} : memref<512xf32, #tpu.memory_space<vmem>>, vector<16xf32>,
    %get3A_319 = arith.constant 352 : index
    %get3A_320 = tpu.vector_load %arg20[%get3A_319] {strides = array<i32>} : memref<512xf32, #tpu.memory_space<vmem>>, vector<16xf32>,
    %get3A_321 = arith.constant 352 : index
    %get3A_322 = tpu.vector_load %arg18[%get3A_321] {strides = array<i32>} : memref<512xf32, #tpu.memory_space<vmem>>, vector<16xf32>,
    %sub3A_323 = arith.subf %get3A_320, %get3A_322 : vector<16xf32>
    %get3A_324 = arith.constant 352 : index
    %get3A_325 = tpu.vector_load %arg21[%get3A_324] {strides = array<i32>} : memref<512xf32, #tpu.memory_space<vmem>>, vector<16xf32>,
    %get3A_326 = arith.constant 352 : index
    %get3A_327 = tpu.vector_load %arg19[%get3A_326] {strides = array<i32>} : memref<512xf32, #tpu.memory_space<vmem>>, vector<16xf32>,
    %sub3A_328 = arith.subf %get3A_325, %get3A_327 : vector<16xf32>
    %mul3A_329 = arith.mulf %sub3A_323, %sub3A_328 : vector<16xf32>
    %swap3A_330 = arith.constant 352 : index
    %swap3A_331 = tpu.vector_load %arg22[%swap3A_330] {strides = array<i32>} : memref<512xf32, #tpu.memory_space<vmem>>, vector<16xf32>,
    tpu.vector_store %arg22[%swap3A_330], %mul3A_329 {strides = array<i32>} : memref<512xf32, #tpu.memory_space<vmem>>, vector<16xf32>,
    %get3A_332 = arith.constant 368 : index
    %get3A_333 = tpu.vector_load %arg20[%get3A_332] {strides = array<i32>} : memref<512xf32, #tpu.memory_space<vmem>>, vector<16xf32>,
    %get3A_334 = arith.constant 368 : index
    %get3A_335 = tpu.vector_load %arg18[%get3A_334] {strides = array<i32>} : memref<512xf32, #tpu.memory_space<vmem>>, vector<16xf32>,
    %sub3A_336 = arith.subf %get3A_333, %get3A_335 : vector<16xf32>
    %get3A_337 = arith.constant 368 : index
    %get3A_338 = tpu.vector_load %arg21[%get3A_337] {strides = array<i32>} : memref<512xf32, #tpu.memory_space<vmem>>, vector<16xf32>,
    %get3A_339 = arith.constant 368 : index
    %get3A_340 = tpu.vector_load %arg19[%get3A_339] {strides = array<i32>} : memref<512xf32, #tpu.memory_space<vmem>>, vector<16xf32>,
    %sub3A_341 = arith.subf %get3A_338, %get3A_340 : vector<16xf32>
    %mul3A_342 = arith.mulf %sub3A_336, %sub3A_341 : vector<16xf32>
    %swap3A_343 = arith.constant 368 : index
    %swap3A_344 = tpu.vector_load %arg22[%swap3A_343] {strides = array<i32>} : memref<512xf32, #tpu.memory_space<vmem>>, vector<16xf32>,
    tpu.vector_store %arg22[%swap3A_343], %mul3A_342 {strides = array<i32>} : memref<512xf32, #tpu.memory_space<vmem>>, vector<16xf32>,
    %get3A_345 = arith.constant 384 : index
    %get3A_346 = tpu.vector_load %arg20[%get3A_345] {strides = array<i32>} : memref<512xf32, #tpu.memory_space<vmem>>, vector<16xf32>,
    %get3A_347 = arith.constant 384 : index
    %get3A_348 = tpu.vector_load %arg18[%get3A_347] {strides = array<i32>} : memref<512xf32, #tpu.memory_space<vmem>>, vector<16xf32>,
    %sub3A_349 = arith.subf %get3A_346, %get3A_348 : vector<16xf32>
    %get3A_350 = arith.constant 384 : index
    %get3A_351 = tpu.vector_load %arg21[%get3A_350] {strides = array<i32>} : memref<512xf32, #tpu.memory_space<vmem>>, vector<16xf32>,
    %get3A_352 = arith.constant 384 : index
    %get3A_353 = tpu.vector_load %arg19[%get3A_352] {strides = array<i32>} : memref<512xf32, #tpu.memory_space<vmem>>, vector<16xf32>,
    %sub3A_354 = arith.subf %get3A_351, %get3A_353 : vector<16xf32>
    %mul3A_355 = arith.mulf %sub3A_349, %sub3A_354 : vector<16xf32>
    %swap3A_356 = arith.constant 384 : index
    %swap3A_357 = tpu.vector_load %arg22[%swap3A_356] {strides = array<i32>} : memref<512xf32, #tpu.memory_space<vmem>>, vector<16xf32>,
    tpu.vector_store %arg22[%swap3A_356], %mul3A_355 {strides = array<i32>} : memref<512xf32, #tpu.memory_space<vmem>>, vector<16xf32>,
    %get3A_358 = arith.constant 400 : index
    %get3A_359 = tpu.vector_load %arg20[%get3A_358] {strides = array<i32>} : memref<512xf32, #tpu.memory_space<vmem>>, vector<16xf32>,
    %get3A_360 = arith.constant 400 : index
    %get3A_361 = tpu.vector_load %arg18[%get3A_360] {strides = array<i32>} : memref<512xf32, #tpu.memory_space<vmem>>, vector<16xf32>,
    %sub3A_362 = arith.subf %get3A_359, %get3A_361 : vector<16xf32>
    %get3A_363 = arith.constant 400 : index
    %get3A_364 = tpu.vector_load %arg21[%get3A_363] {strides = array<i32>} : memref<512xf32, #tpu.memory_space<vmem>>, vector<16xf32>,
    %get3A_365 = arith.constant 400 : index
    %get3A_366 = tpu.vector_load %arg19[%get3A_365] {strides = array<i32>} : memref<512xf32, #tpu.memory_space<vmem>>, vector<16xf32>,
    %sub3A_367 = arith.subf %get3A_364, %get3A_366 : vector<16xf32>
    %mul3A_368 = arith.mulf %sub3A_362, %sub3A_367 : vector<16xf32>
    %swap3A_369 = arith.constant 400 : index
    %swap3A_370 = tpu.vector_load %arg22[%swap3A_369] {strides = array<i32>} : memref<512xf32, #tpu.memory_space<vmem>>, vector<16xf32>,
    tpu.vector_store %arg22[%swap3A_369], %mul3A_368 {strides = array<i32>} : memref<512xf32, #tpu.memory_space<vmem>>, vector<16xf32>,
    %get3A_371 = arith.constant 416 : index
    %get3A_372 = tpu.vector_load %arg20[%get3A_371] {strides = array<i32>} : memref<512xf32, #tpu.memory_space<vmem>>, vector<16xf32>,
    %get3A_373 = arith.constant 416 : index
    %get3A_374 = tpu.vector_load %arg18[%get3A_373] {strides = array<i32>} : memref<512xf32, #tpu.memory_space<vmem>>, vector<16xf32>,
    %sub3A_375 = arith.subf %get3A_372, %get3A_374 : vector<16xf32>
    %get3A_376 = arith.constant 416 : index
    %get3A_377 = tpu.vector_load %arg21[%get3A_376] {strides = array<i32>} : memref<512xf32, #tpu.memory_space<vmem>>, vector<16xf32>,
    %get3A_378 = arith.constant 416 : index
    %get3A_379 = tpu.vector_load %arg19[%get3A_378] {strides = array<i32>} : memref<512xf32, #tpu.memory_space<vmem>>, vector<16xf32>,
    %sub3A_380 = arith.subf %get3A_377, %get3A_379 : vector<16xf32>
    %mul3A_381 = arith.mulf %sub3A_375, %sub3A_380 : vector<16xf32>
    %swap3A_382 = arith.constant 416 : index
    %swap3A_383 = tpu.vector_load %arg22[%swap3A_382] {strides = array<i32>} : memref<512xf32, #tpu.memory_space<vmem>>, vector<16xf32>,
    tpu.vector_store %arg22[%swap3A_382], %mul3A_381 {strides = array<i32>} : memref<512xf32, #tpu.memory_space<vmem>>, vector<16xf32>,
    %get3A_384 = arith.constant 432 : index
    %get3A_385 = tpu.vector_load %arg20[%get3A_384] {strides = array<i32>} : memref<512xf32, #tpu.memory_space<vmem>>, vector<16xf32>,
    %get3A_386 = arith.constant 432 : index
    %get3A_387 = tpu.vector_load %arg18[%get3A_386] {strides = array<i32>} : memref<512xf32, #tpu.memory_space<vmem>>, vector<16xf32>,
    %sub3A_388 = arith.subf %get3A_385, %get3A_387 : vector<16xf32>
    %get3A_389 = arith.constant 432 : index
    %get3A_390 = tpu.vector_load %arg21[%get3A_389] {strides = array<i32>} : memref<512xf32, #tpu.memory_space<vmem>>, vector<16xf32>,
    %get3A_391 = arith.constant 432 : index
    %get3A_392 = tpu.vector_load %arg19[%get3A_391] {strides = array<i32>} : memref<512xf32, #tpu.memory_space<vmem>>, vector<16xf32>,
    %sub3A_393 = arith.subf %get3A_390, %get3A_392 : vector<16xf32>
    %mul3A_394 = arith.mulf %sub3A_388, %sub3A_393 : vector<16xf32>
    %swap3A_395 = arith.constant 432 : index
    %swap3A_396 = tpu.vector_load %arg22[%swap3A_395] {strides = array<i32>} : memref<512xf32, #tpu.memory_space<vmem>>, vector<16xf32>,
    tpu.vector_store %arg22[%swap3A_395], %mul3A_394 {strides = array<i32>} : memref<512xf32, #tpu.memory_space<vmem>>, vector<16xf32>,
    %get3A_397 = arith.constant 448 : index
    %get3A_398 = tpu.vector_load %arg20[%get3A_397] {strides = array<i32>} : memref<512xf32, #tpu.memory_space<vmem>>, vector<16xf32>,
    %get3A_399 = arith.constant 448 : index
    %get3A_400 = tpu.vector_load %arg18[%get3A_399] {strides = array<i32>} : memref<512xf32, #tpu.memory_space<vmem>>, vector<16xf32>,
    %sub3A_401 = arith.subf %get3A_398, %get3A_400 : vector<16xf32>
    %get3A_402 = arith.constant 448 : index
    %get3A_403 = tpu.vector_load %arg21[%get3A_402] {strides = array<i32>} : memref<512xf32, #tpu.memory_space<vmem>>, vector<16xf32>,
    %get3A_404 = arith.constant 448 : index
    %get3A_405 = tpu.vector_load %arg19[%get3A_404] {strides = array<i32>} : memref<512xf32, #tpu.memory_space<vmem>>, vector<16xf32>,
    %sub3A_406 = arith.subf %get3A_403, %get3A_405 : vector<16xf32>
    %mul3A_407 = arith.mulf %sub3A_401, %sub3A_406 : vector<16xf32>
    %swap3A_408 = arith.constant 448 : index
    %swap3A_409 = tpu.vector_load %arg22[%swap3A_408] {strides = array<i32>} : memref<512xf32, #tpu.memory_space<vmem>>, vector<16xf32>,
    tpu.vector_store %arg22[%swap3A_408], %mul3A_407 {strides = array<i32>} : memref<512xf32, #tpu.memory_space<vmem>>, vector<16xf32>,
    %get3A_410 = arith.constant 464 : index
    %get3A_411 = tpu.vector_load %arg20[%get3A_410] {strides = array<i32>} : memref<512xf32, #tpu.memory_space<vmem>>, vector<16xf32>,
    %get3A_412 = arith.constant 464 : index
    %get3A_413 = tpu.vector_load %arg18[%get3A_412] {strides = array<i32>} : memref<512xf32, #tpu.memory_space<vmem>>, vector<16xf32>,
    %sub3A_414 = arith.subf %get3A_411, %get3A_413 : vector<16xf32>
    %get3A_415 = arith.constant 464 : index
    %get3A_416 = tpu.vector_load %arg21[%get3A_415] {strides = array<i32>} : memref<512xf32, #tpu.memory_space<vmem>>, vector<16xf32>,
    %get3A_417 = arith.constant 464 : index
    %get3A_418 = tpu.vector_load %arg19[%get3A_417] {strides = array<i32>} : memref<512xf32, #tpu.memory_space<vmem>>, vector<16xf32>,
    %sub3A_419 = arith.subf %get3A_416, %get3A_418 : vector<16xf32>
    %mul3A_420 = arith.mulf %sub3A_414, %sub3A_419 : vector<16xf32>
    %swap3A_421 = arith.constant 464 : index
    %swap3A_422 = tpu.vector_load %arg22[%swap3A_421] {strides = array<i32>} : memref<512xf32, #tpu.memory_space<vmem>>, vector<16xf32>,
    tpu.vector_store %arg22[%swap3A_421], %mul3A_420 {strides = array<i32>} : memref<512xf32, #tpu.memory_space<vmem>>, vector<16xf32>,
    %get3A_423 = arith.constant 480 : index
    %get3A_424 = tpu.vector_load %arg20[%get3A_423] {strides = array<i32>} : memref<512xf32, #tpu.memory_space<vmem>>, vector<16xf32>,
    %get3A_425 = arith.constant 480 : index
    %get3A_426 = tpu.vector_load %arg18[%get3A_425] {strides = array<i32>} : memref<512xf32, #tpu.memory_space<vmem>>, vector<16xf32>,
    %sub3A_427 = arith.subf %get3A_424, %get3A_426 : vector<16xf32>
    %get3A_428 = arith.constant 480 : index
    %get3A_429 = tpu.vector_load %arg21[%get3A_428] {strides = array<i32>} : memref<512xf32, #tpu.memory_space<vmem>>, vector<16xf32>,
    %get3A_430 = arith.constant 480 : index
    %get3A_431 = tpu.vector_load %arg19[%get3A_430] {strides = array<i32>} : memref<512xf32, #tpu.memory_space<vmem>>, vector<16xf32>,
    %sub3A_432 = arith.subf %get3A_429, %get3A_431 : vector<16xf32>
    %mul3A_433 = arith.mulf %sub3A_427, %sub3A_432 : vector<16xf32>
    %swap3A_434 = arith.constant 480 : index
    %swap3A_435 = tpu.vector_load %arg22[%swap3A_434] {strides = array<i32>} : memref<512xf32, #tpu.memory_space<vmem>>, vector<16xf32>,
    tpu.vector_store %arg22[%swap3A_434], %mul3A_433 {strides = array<i32>} : memref<512xf32, #tpu.memory_space<vmem>>, vector<16xf32>,
    %get3A_436 = arith.constant 496 : index
    %get3A_437 = tpu.vector_load %arg20[%get3A_436] {strides = array<i32>} : memref<512xf32, #tpu.memory_space<vmem>>, vector<16xf32>,
    %get3A_438 = arith.constant 496 : index
    %get3A_439 = tpu.vector_load %arg18[%get3A_438] {strides = array<i32>} : memref<512xf32, #tpu.memory_space<vmem>>, vector<16xf32>,
    %sub3A_440 = arith.subf %get3A_437, %get3A_439 : vector<16xf32>
    %get3A_441 = arith.constant 496 : index
    %get3A_442 = tpu.vector_load %arg21[%get3A_441] {strides = array<i32>} : memref<512xf32, #tpu.memory_space<vmem>>, vector<16xf32>,
    %get3A_443 = arith.constant 496 : index
    %get3A_444 = tpu.vector_load %arg19[%get3A_443] {strides = array<i32>} : memref<512xf32, #tpu.memory_space<vmem>>, vector<16xf32>,
    %sub3A_445 = arith.subf %get3A_442, %get3A_444 : vector<16xf32>
    %mul3A_446 = arith.mulf %sub3A_440, %sub3A_445 : vector<16xf32>
    %swap3A_447 = arith.constant 496 : index
    %swap3A_448 = tpu.vector_load %arg22[%swap3A_447] {strides = array<i32>} : memref<512xf32, #tpu.memory_space<vmem>>, vector<16xf32>,
    tpu.vector_store %arg22[%swap3A_447], %mul3A_446 {strides = array<i32>} : memref<512xf32, #tpu.memory_space<vmem>>, vector<16xf32>,
    %iota3A = tpu.iota {dimensions = array<i32: 0>} : vector<16xi32>
    %scan3A = arith.constant 0 : i32
    %scan3A_449 = arith.constant 0 : i32
    %scan3A_450 = arith.constant 768 : i32
    %scan3A_451 = arith.addi %scan3A_449, %scan3A_450 : i32
    %scan3A_452 = arith.constant 1 : i32
    scf.for %scan3A_485 = %scan3A_449 to %scan3A_451 step %scan3A_452  : i32 {
      %mul3A_486 = arith.constant 16 : i32
      %mul3A_487 = arith.muli %scan3A_485, %mul3A_486 : i32
      %get3A_488 = arith.index_cast %mul3A_487 : i32 to index
      %get3A_489 = tpu.vector_load %arg14[%get3A_488] {strides = array<i32>} : memref<12288xf32, #tpu.memory_space<vmem>>, vector<16xf32>,
      %get3A_490 = arith.index_cast %mul3A_487 : i32 to index
      %get3A_491 = tpu.vector_load %arg15[%get3A_490] {strides = array<i32>} : memref<12288xf32, #tpu.memory_space<vmem>>, vector<16xf32>,
      %get3A_492 = arith.index_cast %mul3A_487 : i32 to index
      %get3A_493 = tpu.vector_load %arg16[%get3A_492] {strides = array<i32>} : memref<12288xf32, #tpu.memory_space<vmem>>, vector<16xf32>,
      %get3A_494 = arith.index_cast %mul3A_487 : i32 to index
      %get3A_495 = tpu.vector_load %arg17[%get3A_494] {strides = array<i32>} : memref<12288xf32, #tpu.memory_space<vmem>>, vector<16xf32>,
      %sub3A_496 = arith.subf %get3A_493, %get3A_489 : vector<16xf32>
      %sub3A_497 = arith.subf %get3A_495, %get3A_491 : vector<16xf32>
      %mul3A_498 = arith.mulf %sub3A_496, %sub3A_497 : vector<16xf32>
      %broadcast_in_dim3A = arith.constant -1.000000e+00 : f32
      %broadcast_in_dim3A_499 = vector.broadcast %broadcast_in_dim3A : f32 to vector<16xf32>
      %broadcast_in_dim3A_500 = arith.constant 1.000000e+00 : f32
      %broadcast_in_dim3A_501 = vector.broadcast %broadcast_in_dim3A_500 : f32 to vector<16xf32>
      %broadcast_in_dim3A_502 = arith.constant 0 : i32
      %broadcast_in_dim3A_503 = vector.broadcast %broadcast_in_dim3A_502 : i32 to vector<16xi32>
      %get3A_504 = arith.constant 0 : index
      %get3A_505 = tpu.vector_load %arg20[%get3A_504] {strides = array<i32>} : memref<512xf32, #tpu.memory_space<vmem>>, vector<16xf32>,
      %min3A = arith.minimumf %get3A_493, %get3A_505 : vector<16xf32>
      %get3A_506 = arith.constant 0 : index
      %get3A_507 = tpu.vector_load %arg18[%get3A_506] {strides = array<i32>} : memref<512xf32, #tpu.memory_space<vmem>>, vector<16xf32>,
      %max3A = arith.maximumf %get3A_489, %get3A_507 : vector<16xf32>
      %sub3A_508 = arith.subf %min3A, %max3A : vector<16xf32>
      %get3A_509 = arith.constant 0 : index
      %get3A_510 = tpu.vector_load %arg21[%get3A_509] {strides = array<i32>} : memref<512xf32, #tpu.memory_space<vmem>>, vector<16xf32>,
      %min3A_511 = arith.minimumf %get3A_495, %get3A_510 : vector<16xf32>
      %get3A_512 = arith.constant 0 : index
      %get3A_513 = tpu.vector_load %arg19[%get3A_512] {strides = array<i32>} : memref<512xf32, #tpu.memory_space<vmem>>, vector<16xf32>,
      %max3A_514 = arith.maximumf %get3A_491, %get3A_513 : vector<16xf32>
      %sub3A_515 = arith.subf %min3A_511, %max3A_514 : vector<16xf32>
      %max3A_516 = arith.constant 0.000000e+00 : f32
      %max3A_517 = vector.broadcast %max3A_516 : f32 to vector<16xf32>
      %max3A_518 = arith.maximumf %sub3A_508, %max3A_517 : vector<16xf32>
      %max3A_519 = arith.constant 0.000000e+00 : f32
      %max3A_520 = vector.broadcast %max3A_519 : f32 to vector<16xf32>
      %max3A_521 = arith.maximumf %sub3A_515, %max3A_520 : vector<16xf32>
      %mul3A_522 = arith.mulf %max3A_518, %max3A_521 : vector<16xf32>
      %get3A_523 = arith.constant 0 : index
      %get3A_524 = tpu.vector_load %arg22[%get3A_523] {strides = array<i32>} : memref<512xf32, #tpu.memory_space<vmem>>, vector<16xf32>,
      %add3A_525 = arith.addf %mul3A_498, %get3A_524 : vector<16xf32>
      %sub3A_526 = arith.subf %add3A_525, %mul3A_522 : vector<16xf32>
      %mul3A_527 = arith.mulf %mul3A_522, %broadcast_in_dim3A_501 : vector<16xf32>
      %mul3A_528 = arith.mulf %broadcast_in_dim3A_499, %sub3A_526 : vector<16xf32>
      %gt3A = arith.cmpf ogt, %mul3A_527, %mul3A_528 : vector<16xf32>
      %select_n3A_529 = arith.select %gt3A, %mul3A_522, %broadcast_in_dim3A_499 : vector<16xi1>, vector<16xf32>
      %select_n3A_530 = arith.select %gt3A, %sub3A_526, %broadcast_in_dim3A_501 : vector<16xi1>, vector<16xf32>
      %jit3A_531 = arith.constant 0 : i32
      %broadcast_in_dim3A_532 = vector.broadcast %jit3A_531 : i32 to vector<16xi32>
      %select_n3A_533 = arith.select %gt3A, %broadcast_in_dim3A_532, %broadcast_in_dim3A_503 : vector<16xi1>, vector<16xi32>
      %get3A_534 = arith.constant 16 : index
      %get3A_535 = tpu.vector_load %arg20[%get3A_534] {strides = array<i32>} : memref<512xf32, #tpu.memory_space<vmem>>, vector<16xf32>,
      %min3A_536 = arith.minimumf %get3A_493, %get3A_535 : vector<16xf32>
      %get3A_537 = arith.constant 16 : index
      %get3A_538 = tpu.vector_load %arg18[%get3A_537] {strides = array<i32>} : memref<512xf32, #tpu.memory_space<vmem>>, vector<16xf32>,
      %max3A_539 = arith.maximumf %get3A_489, %get3A_538 : vector<16xf32>
      %sub3A_540 = arith.subf %min3A_536, %max3A_539 : vector<16xf32>
      %get3A_541 = arith.constant 16 : index
      %get3A_542 = tpu.vector_load %arg21[%get3A_541] {strides = array<i32>} : memref<512xf32, #tpu.memory_space<vmem>>, vector<16xf32>,
      %min3A_543 = arith.minimumf %get3A_495, %get3A_542 : vector<16xf32>
      %get3A_544 = arith.constant 16 : index
      %get3A_545 = tpu.vector_load %arg19[%get3A_544] {strides = array<i32>} : memref<512xf32, #tpu.memory_space<vmem>>, vector<16xf32>,
      %max3A_546 = arith.maximumf %get3A_491, %get3A_545 : vector<16xf32>
      %sub3A_547 = arith.subf %min3A_543, %max3A_546 : vector<16xf32>
      %max3A_548 = arith.constant 0.000000e+00 : f32
      %max3A_549 = vector.broadcast %max3A_548 : f32 to vector<16xf32>
      %max3A_550 = arith.maximumf %sub3A_540, %max3A_549 : vector<16xf32>
      %max3A_551 = arith.constant 0.000000e+00 : f32
      %max3A_552 = vector.broadcast %max3A_551 : f32 to vector<16xf32>
      %max3A_553 = arith.maximumf %sub3A_547, %max3A_552 : vector<16xf32>
      %mul3A_554 = arith.mulf %max3A_550, %max3A_553 : vector<16xf32>
      %get3A_555 = arith.constant 16 : index
      %get3A_556 = tpu.vector_load %arg22[%get3A_555] {strides = array<i32>} : memref<512xf32, #tpu.memory_space<vmem>>, vector<16xf32>,
      %add3A_557 = arith.addf %mul3A_498, %get3A_556 : vector<16xf32>
      %sub3A_558 = arith.subf %add3A_557, %mul3A_554 : vector<16xf32>
      %mul3A_559 = arith.mulf %mul3A_554, %select_n3A_530 : vector<16xf32>
      %mul3A_560 = arith.mulf %select_n3A_529, %sub3A_558 : vector<16xf32>
      %gt3A_561 = arith.cmpf ogt, %mul3A_559, %mul3A_560 : vector<16xf32>
      %select_n3A_562 = arith.select %gt3A_561, %mul3A_554, %select_n3A_529 : vector<16xi1>, vector<16xf32>
      %select_n3A_563 = arith.select %gt3A_561, %sub3A_558, %select_n3A_530 : vector<16xi1>, vector<16xf32>
      %jit3A_564 = arith.constant 1 : i32
      %broadcast_in_dim3A_565 = vector.broadcast %jit3A_564 : i32 to vector<16xi32>
      %select_n3A_566 = arith.select %gt3A_561, %broadcast_in_dim3A_565, %select_n3A_533 : vector<16xi1>, vector<16xi32>
      %get3A_567 = arith.constant 32 : index
      %get3A_568 = tpu.vector_load %arg20[%get3A_567] {strides = array<i32>} : memref<512xf32, #tpu.memory_space<vmem>>, vector<16xf32>,
      %min3A_569 = arith.minimumf %get3A_493, %get3A_568 : vector<16xf32>
      %get3A_570 = arith.constant 32 : index
      %get3A_571 = tpu.vector_load %arg18[%get3A_570] {strides = array<i32>} : memref<512xf32, #tpu.memory_space<vmem>>, vector<16xf32>,
      %max3A_572 = arith.maximumf %get3A_489, %get3A_571 : vector<16xf32>
      %sub3A_573 = arith.subf %min3A_569, %max3A_572 : vector<16xf32>
      %get3A_574 = arith.constant 32 : index
      %get3A_575 = tpu.vector_load %arg21[%get3A_574] {strides = array<i32>} : memref<512xf32, #tpu.memory_space<vmem>>, vector<16xf32>,
      %min3A_576 = arith.minimumf %get3A_495, %get3A_575 : vector<16xf32>
      %get3A_577 = arith.constant 32 : index
      %get3A_578 = tpu.vector_load %arg19[%get3A_577] {strides = array<i32>} : memref<512xf32, #tpu.memory_space<vmem>>, vector<16xf32>,
      %max3A_579 = arith.maximumf %get3A_491, %get3A_578 : vector<16xf32>
      %sub3A_580 = arith.subf %min3A_576, %max3A_579 : vector<16xf32>
      %max3A_581 = arith.constant 0.000000e+00 : f32
      %max3A_582 = vector.broadcast %max3A_581 : f32 to vector<16xf32>
      %max3A_583 = arith.maximumf %sub3A_573, %max3A_582 : vector<16xf32>
      %max3A_584 = arith.constant 0.000000e+00 : f32
      %max3A_585 = vector.broadcast %max3A_584 : f32 to vector<16xf32>
      %max3A_586 = arith.maximumf %sub3A_580, %max3A_585 : vector<16xf32>
      %mul3A_587 = arith.mulf %max3A_583, %max3A_586 : vector<16xf32>
      %get3A_588 = arith.constant 32 : index
      %get3A_589 = tpu.vector_load %arg22[%get3A_588] {strides = array<i32>} : memref<512xf32, #tpu.memory_space<vmem>>, vector<16xf32>,
      %add3A_590 = arith.addf %mul3A_498, %get3A_589 : vector<16xf32>
      %sub3A_591 = arith.subf %add3A_590, %mul3A_587 : vector<16xf32>
      %mul3A_592 = arith.mulf %mul3A_587, %select_n3A_563 : vector<16xf32>
      %mul3A_593 = arith.mulf %select_n3A_562, %sub3A_591 : vector<16xf32>
      %gt3A_594 = arith.cmpf ogt, %mul3A_592, %mul3A_593 : vector<16xf32>
      %select_n3A_595 = arith.select %gt3A_594, %mul3A_587, %select_n3A_562 : vector<16xi1>, vector<16xf32>
      %select_n3A_596 = arith.select %gt3A_594, %sub3A_591, %select_n3A_563 : vector<16xi1>, vector<16xf32>
      %jit3A_597 = arith.constant 2 : i32
      %broadcast_in_dim3A_598 = vector.broadcast %jit3A_597 : i32 to vector<16xi32>
      %select_n3A_599 = arith.select %gt3A_594, %broadcast_in_dim3A_598, %select_n3A_566 : vector<16xi1>, vector<16xi32>
      %get3A_600 = arith.constant 48 : index
      %get3A_601 = tpu.vector_load %arg20[%get3A_600] {strides = array<i32>} : memref<512xf32, #tpu.memory_space<vmem>>, vector<16xf32>,
      %min3A_602 = arith.minimumf %get3A_493, %get3A_601 : vector<16xf32>
      %get3A_603 = arith.constant 48 : index
      %get3A_604 = tpu.vector_load %arg18[%get3A_603] {strides = array<i32>} : memref<512xf32, #tpu.memory_space<vmem>>, vector<16xf32>,
      %max3A_605 = arith.maximumf %get3A_489, %get3A_604 : vector<16xf32>
      %sub3A_606 = arith.subf %min3A_602, %max3A_605 : vector<16xf32>
      %get3A_607 = arith.constant 48 : index
      %get3A_608 = tpu.vector_load %arg21[%get3A_607] {strides = array<i32>} : memref<512xf32, #tpu.memory_space<vmem>>, vector<16xf32>,
      %min3A_609 = arith.minimumf %get3A_495, %get3A_608 : vector<16xf32>
      %get3A_610 = arith.constant 48 : index
      %get3A_611 = tpu.vector_load %arg19[%get3A_610] {strides = array<i32>} : memref<512xf32, #tpu.memory_space<vmem>>, vector<16xf32>,
      %max3A_612 = arith.maximumf %get3A_491, %get3A_611 : vector<16xf32>
      %sub3A_613 = arith.subf %min3A_609, %max3A_612 : vector<16xf32>
      %max3A_614 = arith.constant 0.000000e+00 : f32
      %max3A_615 = vector.broadcast %max3A_614 : f32 to vector<16xf32>
      %max3A_616 = arith.maximumf %sub3A_606, %max3A_615 : vector<16xf32>
      %max3A_617 = arith.constant 0.000000e+00 : f32
      %max3A_618 = vector.broadcast %max3A_617 : f32 to vector<16xf32>
      %max3A_619 = arith.maximumf %sub3A_613, %max3A_618 : vector<16xf32>
      %mul3A_620 = arith.mulf %max3A_616, %max3A_619 : vector<16xf32>
      %get3A_621 = arith.constant 48 : index
      %get3A_622 = tpu.vector_load %arg22[%get3A_621] {strides = array<i32>} : memref<512xf32, #tpu.memory_space<vmem>>, vector<16xf32>,
      %add3A_623 = arith.addf %mul3A_498, %get3A_622 : vector<16xf32>
      %sub3A_624 = arith.subf %add3A_623, %mul3A_620 : vector<16xf32>
      %mul3A_625 = arith.mulf %mul3A_620, %select_n3A_596 : vector<16xf32>
      %mul3A_626 = arith.mulf %select_n3A_595, %sub3A_624 : vector<16xf32>
      %gt3A_627 = arith.cmpf ogt, %mul3A_625, %mul3A_626 : vector<16xf32>
      %select_n3A_628 = arith.select %gt3A_627, %mul3A_620, %select_n3A_595 : vector<16xi1>, vector<16xf32>
      %select_n3A_629 = arith.select %gt3A_627, %sub3A_624, %select_n3A_596 : vector<16xi1>, vector<16xf32>
      %jit3A_630 = arith.constant 3 : i32
      %broadcast_in_dim3A_631 = vector.broadcast %jit3A_630 : i32 to vector<16xi32>
      %select_n3A_632 = arith.select %gt3A_627, %broadcast_in_dim3A_631, %select_n3A_599 : vector<16xi1>, vector<16xi32>
      %get3A_633 = arith.constant 64 : index
      %get3A_634 = tpu.vector_load %arg20[%get3A_633] {strides = array<i32>} : memref<512xf32, #tpu.memory_space<vmem>>, vector<16xf32>,
      %min3A_635 = arith.minimumf %get3A_493, %get3A_634 : vector<16xf32>
      %get3A_636 = arith.constant 64 : index
      %get3A_637 = tpu.vector_load %arg18[%get3A_636] {strides = array<i32>} : memref<512xf32, #tpu.memory_space<vmem>>, vector<16xf32>,
      %max3A_638 = arith.maximumf %get3A_489, %get3A_637 : vector<16xf32>
      %sub3A_639 = arith.subf %min3A_635, %max3A_638 : vector<16xf32>
      %get3A_640 = arith.constant 64 : index
      %get3A_641 = tpu.vector_load %arg21[%get3A_640] {strides = array<i32>} : memref<512xf32, #tpu.memory_space<vmem>>, vector<16xf32>,
      %min3A_642 = arith.minimumf %get3A_495, %get3A_641 : vector<16xf32>
      %get3A_643 = arith.constant 64 : index
      %get3A_644 = tpu.vector_load %arg19[%get3A_643] {strides = array<i32>} : memref<512xf32, #tpu.memory_space<vmem>>, vector<16xf32>,
      %max3A_645 = arith.maximumf %get3A_491, %get3A_644 : vector<16xf32>
      %sub3A_646 = arith.subf %min3A_642, %max3A_645 : vector<16xf32>
      %max3A_647 = arith.constant 0.000000e+00 : f32
      %max3A_648 = vector.broadcast %max3A_647 : f32 to vector<16xf32>
      %max3A_649 = arith.maximumf %sub3A_639, %max3A_648 : vector<16xf32>
      %max3A_650 = arith.constant 0.000000e+00 : f32
      %max3A_651 = vector.broadcast %max3A_650 : f32 to vector<16xf32>
      %max3A_652 = arith.maximumf %sub3A_646, %max3A_651 : vector<16xf32>
      %mul3A_653 = arith.mulf %max3A_649, %max3A_652 : vector<16xf32>
      %get3A_654 = arith.constant 64 : index
      %get3A_655 = tpu.vector_load %arg22[%get3A_654] {strides = array<i32>} : memref<512xf32, #tpu.memory_space<vmem>>, vector<16xf32>,
      %add3A_656 = arith.addf %mul3A_498, %get3A_655 : vector<16xf32>
      %sub3A_657 = arith.subf %add3A_656, %mul3A_653 : vector<16xf32>
      %mul3A_658 = arith.mulf %mul3A_653, %select_n3A_629 : vector<16xf32>
      %mul3A_659 = arith.mulf %select_n3A_628, %sub3A_657 : vector<16xf32>
      %gt3A_660 = arith.cmpf ogt, %mul3A_658, %mul3A_659 : vector<16xf32>
      %select_n3A_661 = arith.select %gt3A_660, %mul3A_653, %select_n3A_628 : vector<16xi1>, vector<16xf32>
      %select_n3A_662 = arith.select %gt3A_660, %sub3A_657, %select_n3A_629 : vector<16xi1>, vector<16xf32>
      %jit3A_663 = arith.constant 4 : i32
      %broadcast_in_dim3A_664 = vector.broadcast %jit3A_663 : i32 to vector<16xi32>
      %select_n3A_665 = arith.select %gt3A_660, %broadcast_in_dim3A_664, %select_n3A_632 : vector<16xi1>, vector<16xi32>
      %get3A_666 = arith.constant 80 : index
      %get3A_667 = tpu.vector_load %arg20[%get3A_666] {strides = array<i32>} : memref<512xf32, #tpu.memory_space<vmem>>, vector<16xf32>,
      %min3A_668 = arith.minimumf %get3A_493, %get3A_667 : vector<16xf32>
      %get3A_669 = arith.constant 80 : index
      %get3A_670 = tpu.vector_load %arg18[%get3A_669] {strides = array<i32>} : memref<512xf32, #tpu.memory_space<vmem>>, vector<16xf32>,
      %max3A_671 = arith.maximumf %get3A_489, %get3A_670 : vector<16xf32>
      %sub3A_672 = arith.subf %min3A_668, %max3A_671 : vector<16xf32>
      %get3A_673 = arith.constant 80 : index
      %get3A_674 = tpu.vector_load %arg21[%get3A_673] {strides = array<i32>} : memref<512xf32, #tpu.memory_space<vmem>>, vector<16xf32>,
      %min3A_675 = arith.minimumf %get3A_495, %get3A_674 : vector<16xf32>
      %get3A_676 = arith.constant 80 : index
      %get3A_677 = tpu.vector_load %arg19[%get3A_676] {strides = array<i32>} : memref<512xf32, #tpu.memory_space<vmem>>, vector<16xf32>,
      %max3A_678 = arith.maximumf %get3A_491, %get3A_677 : vector<16xf32>
      %sub3A_679 = arith.subf %min3A_675, %max3A_678 : vector<16xf32>
      %max3A_680 = arith.constant 0.000000e+00 : f32
      %max3A_681 = vector.broadcast %max3A_680 : f32 to vector<16xf32>
      %max3A_682 = arith.maximumf %sub3A_672, %max3A_681 : vector<16xf32>
      %max3A_683 = arith.constant 0.000000e+00 : f32
      %max3A_684 = vector.broadcast %max3A_683 : f32 to vector<16xf32>
      %max3A_685 = arith.maximumf %sub3A_679, %max3A_684 : vector<16xf32>
      %mul3A_686 = arith.mulf %max3A_682, %max3A_685 : vector<16xf32>
      %get3A_687 = arith.constant 80 : index
      %get3A_688 = tpu.vector_load %arg22[%get3A_687] {strides = array<i32>} : memref<512xf32, #tpu.memory_space<vmem>>, vector<16xf32>,
      %add3A_689 = arith.addf %mul3A_498, %get3A_688 : vector<16xf32>
      %sub3A_690 = arith.subf %add3A_689, %mul3A_686 : vector<16xf32>
      %mul3A_691 = arith.mulf %mul3A_686, %select_n3A_662 : vector<16xf32>
      %mul3A_692 = arith.mulf %select_n3A_661, %sub3A_690 : vector<16xf32>
      %gt3A_693 = arith.cmpf ogt, %mul3A_691, %mul3A_692 : vector<16xf32>
      %select_n3A_694 = arith.select %gt3A_693, %mul3A_686, %select_n3A_661 : vector<16xi1>, vector<16xf32>
      %select_n3A_695 = arith.select %gt3A_693, %sub3A_690, %select_n3A_662 : vector<16xi1>, vector<16xf32>
      %jit3A_696 = arith.constant 5 : i32
      %broadcast_in_dim3A_697 = vector.broadcast %jit3A_696 : i32 to vector<16xi32>
      %select_n3A_698 = arith.select %gt3A_693, %broadcast_in_dim3A_697, %select_n3A_665 : vector<16xi1>, vector<16xi32>
      %get3A_699 = arith.constant 96 : index
      %get3A_700 = tpu.vector_load %arg20[%get3A_699] {strides = array<i32>} : memref<512xf32, #tpu.memory_space<vmem>>, vector<16xf32>,
      %min3A_701 = arith.minimumf %get3A_493, %get3A_700 : vector<16xf32>
      %get3A_702 = arith.constant 96 : index
      %get3A_703 = tpu.vector_load %arg18[%get3A_702] {strides = array<i32>} : memref<512xf32, #tpu.memory_space<vmem>>, vector<16xf32>,
      %max3A_704 = arith.maximumf %get3A_489, %get3A_703 : vector<16xf32>
      %sub3A_705 = arith.subf %min3A_701, %max3A_704 : vector<16xf32>
      %get3A_706 = arith.constant 96 : index
      %get3A_707 = tpu.vector_load %arg21[%get3A_706] {strides = array<i32>} : memref<512xf32, #tpu.memory_space<vmem>>, vector<16xf32>,
      %min3A_708 = arith.minimumf %get3A_495, %get3A_707 : vector<16xf32>
      %get3A_709 = arith.constant 96 : index
      %get3A_710 = tpu.vector_load %arg19[%get3A_709] {strides = array<i32>} : memref<512xf32, #tpu.memory_space<vmem>>, vector<16xf32>,
      %max3A_711 = arith.maximumf %get3A_491, %get3A_710 : vector<16xf32>
      %sub3A_712 = arith.subf %min3A_708, %max3A_711 : vector<16xf32>
      %max3A_713 = arith.constant 0.000000e+00 : f32
      %max3A_714 = vector.broadcast %max3A_713 : f32 to vector<16xf32>
      %max3A_715 = arith.maximumf %sub3A_705, %max3A_714 : vector<16xf32>
      %max3A_716 = arith.constant 0.000000e+00 : f32
      %max3A_717 = vector.broadcast %max3A_716 : f32 to vector<16xf32>
      %max3A_718 = arith.maximumf %sub3A_712, %max3A_717 : vector<16xf32>
      %mul3A_719 = arith.mulf %max3A_715, %max3A_718 : vector<16xf32>
      %get3A_720 = arith.constant 96 : index
      %get3A_721 = tpu.vector_load %arg22[%get3A_720] {strides = array<i32>} : memref<512xf32, #tpu.memory_space<vmem>>, vector<16xf32>,
      %add3A_722 = arith.addf %mul3A_498, %get3A_721 : vector<16xf32>
      %sub3A_723 = arith.subf %add3A_722, %mul3A_719 : vector<16xf32>
      %mul3A_724 = arith.mulf %mul3A_719, %select_n3A_695 : vector<16xf32>
      %mul3A_725 = arith.mulf %select_n3A_694, %sub3A_723 : vector<16xf32>
      %gt3A_726 = arith.cmpf ogt, %mul3A_724, %mul3A_725 : vector<16xf32>
      %select_n3A_727 = arith.select %gt3A_726, %mul3A_719, %select_n3A_694 : vector<16xi1>, vector<16xf32>
      %select_n3A_728 = arith.select %gt3A_726, %sub3A_723, %select_n3A_695 : vector<16xi1>, vector<16xf32>
      %jit3A_729 = arith.constant 6 : i32
      %broadcast_in_dim3A_730 = vector.broadcast %jit3A_729 : i32 to vector<16xi32>
      %select_n3A_731 = arith.select %gt3A_726, %broadcast_in_dim3A_730, %select_n3A_698 : vector<16xi1>, vector<16xi32>
      %get3A_732 = arith.constant 112 : index
      %get3A_733 = tpu.vector_load %arg20[%get3A_732] {strides = array<i32>} : memref<512xf32, #tpu.memory_space<vmem>>, vector<16xf32>,
      %min3A_734 = arith.minimumf %get3A_493, %get3A_733 : vector<16xf32>
      %get3A_735 = arith.constant 112 : index
      %get3A_736 = tpu.vector_load %arg18[%get3A_735] {strides = array<i32>} : memref<512xf32, #tpu.memory_space<vmem>>, vector<16xf32>,
      %max3A_737 = arith.maximumf %get3A_489, %get3A_736 : vector<16xf32>
      %sub3A_738 = arith.subf %min3A_734, %max3A_737 : vector<16xf32>
      %get3A_739 = arith.constant 112 : index
      %get3A_740 = tpu.vector_load %arg21[%get3A_739] {strides = array<i32>} : memref<512xf32, #tpu.memory_space<vmem>>, vector<16xf32>,
      %min3A_741 = arith.minimumf %get3A_495, %get3A_740 : vector<16xf32>
      %get3A_742 = arith.constant 112 : index
      %get3A_743 = tpu.vector_load %arg19[%get3A_742] {strides = array<i32>} : memref<512xf32, #tpu.memory_space<vmem>>, vector<16xf32>,
      %max3A_744 = arith.maximumf %get3A_491, %get3A_743 : vector<16xf32>
      %sub3A_745 = arith.subf %min3A_741, %max3A_744 : vector<16xf32>
      %max3A_746 = arith.constant 0.000000e+00 : f32
      %max3A_747 = vector.broadcast %max3A_746 : f32 to vector<16xf32>
      %max3A_748 = arith.maximumf %sub3A_738, %max3A_747 : vector<16xf32>
      %max3A_749 = arith.constant 0.000000e+00 : f32
      %max3A_750 = vector.broadcast %max3A_749 : f32 to vector<16xf32>
      %max3A_751 = arith.maximumf %sub3A_745, %max3A_750 : vector<16xf32>
      %mul3A_752 = arith.mulf %max3A_748, %max3A_751 : vector<16xf32>
      %get3A_753 = arith.constant 112 : index
      %get3A_754 = tpu.vector_load %arg22[%get3A_753] {strides = array<i32>} : memref<512xf32, #tpu.memory_space<vmem>>, vector<16xf32>,
      %add3A_755 = arith.addf %mul3A_498, %get3A_754 : vector<16xf32>
      %sub3A_756 = arith.subf %add3A_755, %mul3A_752 : vector<16xf32>
      %mul3A_757 = arith.mulf %mul3A_752, %select_n3A_728 : vector<16xf32>
      %mul3A_758 = arith.mulf %select_n3A_727, %sub3A_756 : vector<16xf32>
      %gt3A_759 = arith.cmpf ogt, %mul3A_757, %mul3A_758 : vector<16xf32>
      %select_n3A_760 = arith.select %gt3A_759, %mul3A_752, %select_n3A_727 : vector<16xi1>, vector<16xf32>
      %select_n3A_761 = arith.select %gt3A_759, %sub3A_756, %select_n3A_728 : vector<16xi1>, vector<16xf32>
      %jit3A_762 = arith.constant 7 : i32
      %broadcast_in_dim3A_763 = vector.broadcast %jit3A_762 : i32 to vector<16xi32>
      %select_n3A_764 = arith.select %gt3A_759, %broadcast_in_dim3A_763, %select_n3A_731 : vector<16xi1>, vector<16xi32>
      %get3A_765 = arith.constant 128 : index
      %get3A_766 = tpu.vector_load %arg20[%get3A_765] {strides = array<i32>} : memref<512xf32, #tpu.memory_space<vmem>>, vector<16xf32>,
      %min3A_767 = arith.minimumf %get3A_493, %get3A_766 : vector<16xf32>
      %get3A_768 = arith.constant 128 : index
      %get3A_769 = tpu.vector_load %arg18[%get3A_768] {strides = array<i32>} : memref<512xf32, #tpu.memory_space<vmem>>, vector<16xf32>,
      %max3A_770 = arith.maximumf %get3A_489, %get3A_769 : vector<16xf32>
      %sub3A_771 = arith.subf %min3A_767, %max3A_770 : vector<16xf32>
      %get3A_772 = arith.constant 128 : index
      %get3A_773 = tpu.vector_load %arg21[%get3A_772] {strides = array<i32>} : memref<512xf32, #tpu.memory_space<vmem>>, vector<16xf32>,
      %min3A_774 = arith.minimumf %get3A_495, %get3A_773 : vector<16xf32>
      %get3A_775 = arith.constant 128 : index
      %get3A_776 = tpu.vector_load %arg19[%get3A_775] {strides = array<i32>} : memref<512xf32, #tpu.memory_space<vmem>>, vector<16xf32>,
      %max3A_777 = arith.maximumf %get3A_491, %get3A_776 : vector<16xf32>
      %sub3A_778 = arith.subf %min3A_774, %max3A_777 : vector<16xf32>
      %max3A_779 = arith.constant 0.000000e+00 : f32
      %max3A_780 = vector.broadcast %max3A_779 : f32 to vector<16xf32>
      %max3A_781 = arith.maximumf %sub3A_771, %max3A_780 : vector<16xf32>
      %max3A_782 = arith.constant 0.000000e+00 : f32
      %max3A_783 = vector.broadcast %max3A_782 : f32 to vector<16xf32>
      %max3A_784 = arith.maximumf %sub3A_778, %max3A_783 : vector<16xf32>
      %mul3A_785 = arith.mulf %max3A_781, %max3A_784 : vector<16xf32>
      %get3A_786 = arith.constant 128 : index
      %get3A_787 = tpu.vector_load %arg22[%get3A_786] {strides = array<i32>} : memref<512xf32, #tpu.memory_space<vmem>>, vector<16xf32>,
      %add3A_788 = arith.addf %mul3A_498, %get3A_787 : vector<16xf32>
      %sub3A_789 = arith.subf %add3A_788, %mul3A_785 : vector<16xf32>
      %mul3A_790 = arith.mulf %mul3A_785, %select_n3A_761 : vector<16xf32>
      %mul3A_791 = arith.mulf %select_n3A_760, %sub3A_789 : vector<16xf32>
      %gt3A_792 = arith.cmpf ogt, %mul3A_790, %mul3A_791 : vector<16xf32>
      %select_n3A_793 = arith.select %gt3A_792, %mul3A_785, %select_n3A_760 : vector<16xi1>, vector<16xf32>
      %select_n3A_794 = arith.select %gt3A_792, %sub3A_789, %select_n3A_761 : vector<16xi1>, vector<16xf32>
      %jit3A_795 = arith.constant 8 : i32
      %broadcast_in_dim3A_796 = vector.broadcast %jit3A_795 : i32 to vector<16xi32>
      %select_n3A_797 = arith.select %gt3A_792, %broadcast_in_dim3A_796, %select_n3A_764 : vector<16xi1>, vector<16xi32>
      %get3A_798 = arith.constant 144 : index
      %get3A_799 = tpu.vector_load %arg20[%get3A_798] {strides = array<i32>} : memref<512xf32, #tpu.memory_space<vmem>>, vector<16xf32>,
      %min3A_800 = arith.minimumf %get3A_493, %get3A_799 : vector<16xf32>
      %get3A_801 = arith.constant 144 : index
      %get3A_802 = tpu.vector_load %arg18[%get3A_801] {strides = array<i32>} : memref<512xf32, #tpu.memory_space<vmem>>, vector<16xf32>,
      %max3A_803 = arith.maximumf %get3A_489, %get3A_802 : vector<16xf32>
      %sub3A_804 = arith.subf %min3A_800, %max3A_803 : vector<16xf32>
      %get3A_805 = arith.constant 144 : index
      %get3A_806 = tpu.vector_load %arg21[%get3A_805] {strides = array<i32>} : memref<512xf32, #tpu.memory_space<vmem>>, vector<16xf32>,
      %min3A_807 = arith.minimumf %get3A_495, %get3A_806 : vector<16xf32>
      %get3A_808 = arith.constant 144 : index
      %get3A_809 = tpu.vector_load %arg19[%get3A_808] {strides = array<i32>} : memref<512xf32, #tpu.memory_space<vmem>>, vector<16xf32>,
      %max3A_810 = arith.maximumf %get3A_491, %get3A_809 : vector<16xf32>
      %sub3A_811 = arith.subf %min3A_807, %max3A_810 : vector<16xf32>
      %max3A_812 = arith.constant 0.000000e+00 : f32
      %max3A_813 = vector.broadcast %max3A_812 : f32 to vector<16xf32>
      %max3A_814 = arith.maximumf %sub3A_804, %max3A_813 : vector<16xf32>
      %max3A_815 = arith.constant 0.000000e+00 : f32
      %max3A_816 = vector.broadcast %max3A_815 : f32 to vector<16xf32>
      %max3A_817 = arith.maximumf %sub3A_811, %max3A_816 : vector<16xf32>
      %mul3A_818 = arith.mulf %max3A_814, %max3A_817 : vector<16xf32>
      %get3A_819 = arith.constant 144 : index
      %get3A_820 = tpu.vector_load %arg22[%get3A_819] {strides = array<i32>} : memref<512xf32, #tpu.memory_space<vmem>>, vector<16xf32>,
      %add3A_821 = arith.addf %mul3A_498, %get3A_820 : vector<16xf32>
      %sub3A_822 = arith.subf %add3A_821, %mul3A_818 : vector<16xf32>
      %mul3A_823 = arith.mulf %mul3A_818, %select_n3A_794 : vector<16xf32>
      %mul3A_824 = arith.mulf %select_n3A_793, %sub3A_822 : vector<16xf32>
      %gt3A_825 = arith.cmpf ogt, %mul3A_823, %mul3A_824 : vector<16xf32>
      %select_n3A_826 = arith.select %gt3A_825, %mul3A_818, %select_n3A_793 : vector<16xi1>, vector<16xf32>
      %select_n3A_827 = arith.select %gt3A_825, %sub3A_822, %select_n3A_794 : vector<16xi1>, vector<16xf32>
      %jit3A_828 = arith.constant 9 : i32
      %broadcast_in_dim3A_829 = vector.broadcast %jit3A_828 : i32 to vector<16xi32>
      %select_n3A_830 = arith.select %gt3A_825, %broadcast_in_dim3A_829, %select_n3A_797 : vector<16xi1>, vector<16xi32>
      %get3A_831 = arith.constant 160 : index
      %get3A_832 = tpu.vector_load %arg20[%get3A_831] {strides = array<i32>} : memref<512xf32, #tpu.memory_space<vmem>>, vector<16xf32>,
      %min3A_833 = arith.minimumf %get3A_493, %get3A_832 : vector<16xf32>
      %get3A_834 = arith.constant 160 : index
      %get3A_835 = tpu.vector_load %arg18[%get3A_834] {strides = array<i32>} : memref<512xf32, #tpu.memory_space<vmem>>, vector<16xf32>,
      %max3A_836 = arith.maximumf %get3A_489, %get3A_835 : vector<16xf32>
      %sub3A_837 = arith.subf %min3A_833, %max3A_836 : vector<16xf32>
      %get3A_838 = arith.constant 160 : index
      %get3A_839 = tpu.vector_load %arg21[%get3A_838] {strides = array<i32>} : memref<512xf32, #tpu.memory_space<vmem>>, vector<16xf32>,
      %min3A_840 = arith.minimumf %get3A_495, %get3A_839 : vector<16xf32>
      %get3A_841 = arith.constant 160 : index
      %get3A_842 = tpu.vector_load %arg19[%get3A_841] {strides = array<i32>} : memref<512xf32, #tpu.memory_space<vmem>>, vector<16xf32>,
      %max3A_843 = arith.maximumf %get3A_491, %get3A_842 : vector<16xf32>
      %sub3A_844 = arith.subf %min3A_840, %max3A_843 : vector<16xf32>
      %max3A_845 = arith.constant 0.000000e+00 : f32
      %max3A_846 = vector.broadcast %max3A_845 : f32 to vector<16xf32>
      %max3A_847 = arith.maximumf %sub3A_837, %max3A_846 : vector<16xf32>
      %max3A_848 = arith.constant 0.000000e+00 : f32
      %max3A_849 = vector.broadcast %max3A_848 : f32 to vector<16xf32>
      %max3A_850 = arith.maximumf %sub3A_844, %max3A_849 : vector<16xf32>
      %mul3A_851 = arith.mulf %max3A_847, %max3A_850 : vector<16xf32>
      %get3A_852 = arith.constant 160 : index
      %get3A_853 = tpu.vector_load %arg22[%get3A_852] {strides = array<i32>} : memref<512xf32, #tpu.memory_space<vmem>>, vector<16xf32>,
      %add3A_854 = arith.addf %mul3A_498, %get3A_853 : vector<16xf32>
      %sub3A_855 = arith.subf %add3A_854, %mul3A_851 : vector<16xf32>
      %mul3A_856 = arith.mulf %mul3A_851, %select_n3A_827 : vector<16xf32>
      %mul3A_857 = arith.mulf %select_n3A_826, %sub3A_855 : vector<16xf32>
      %gt3A_858 = arith.cmpf ogt, %mul3A_856, %mul3A_857 : vector<16xf32>
      %select_n3A_859 = arith.select %gt3A_858, %mul3A_851, %select_n3A_826 : vector<16xi1>, vector<16xf32>
      %select_n3A_860 = arith.select %gt3A_858, %sub3A_855, %select_n3A_827 : vector<16xi1>, vector<16xf32>
      %jit3A_861 = arith.constant 10 : i32
      %broadcast_in_dim3A_862 = vector.broadcast %jit3A_861 : i32 to vector<16xi32>
      %select_n3A_863 = arith.select %gt3A_858, %broadcast_in_dim3A_862, %select_n3A_830 : vector<16xi1>, vector<16xi32>
      %get3A_864 = arith.constant 176 : index
      %get3A_865 = tpu.vector_load %arg20[%get3A_864] {strides = array<i32>} : memref<512xf32, #tpu.memory_space<vmem>>, vector<16xf32>,
      %min3A_866 = arith.minimumf %get3A_493, %get3A_865 : vector<16xf32>
      %get3A_867 = arith.constant 176 : index
      %get3A_868 = tpu.vector_load %arg18[%get3A_867] {strides = array<i32>} : memref<512xf32, #tpu.memory_space<vmem>>, vector<16xf32>,
      %max3A_869 = arith.maximumf %get3A_489, %get3A_868 : vector<16xf32>
      %sub3A_870 = arith.subf %min3A_866, %max3A_869 : vector<16xf32>
      %get3A_871 = arith.constant 176 : index
      %get3A_872 = tpu.vector_load %arg21[%get3A_871] {strides = array<i32>} : memref<512xf32, #tpu.memory_space<vmem>>, vector<16xf32>,
      %min3A_873 = arith.minimumf %get3A_495, %get3A_872 : vector<16xf32>
      %get3A_874 = arith.constant 176 : index
      %get3A_875 = tpu.vector_load %arg19[%get3A_874] {strides = array<i32>} : memref<512xf32, #tpu.memory_space<vmem>>, vector<16xf32>,
      %max3A_876 = arith.maximumf %get3A_491, %get3A_875 : vector<16xf32>
      %sub3A_877 = arith.subf %min3A_873, %max3A_876 : vector<16xf32>
      %max3A_878 = arith.constant 0.000000e+00 : f32
      %max3A_879 = vector.broadcast %max3A_878 : f32 to vector<16xf32>
      %max3A_880 = arith.maximumf %sub3A_870, %max3A_879 : vector<16xf32>
      %max3A_881 = arith.constant 0.000000e+00 : f32
      %max3A_882 = vector.broadcast %max3A_881 : f32 to vector<16xf32>
      %max3A_883 = arith.maximumf %sub3A_877, %max3A_882 : vector<16xf32>
      %mul3A_884 = arith.mulf %max3A_880, %max3A_883 : vector<16xf32>
      %get3A_885 = arith.constant 176 : index
      %get3A_886 = tpu.vector_load %arg22[%get3A_885] {strides = array<i32>} : memref<512xf32, #tpu.memory_space<vmem>>, vector<16xf32>,
      %add3A_887 = arith.addf %mul3A_498, %get3A_886 : vector<16xf32>
      %sub3A_888 = arith.subf %add3A_887, %mul3A_884 : vector<16xf32>
      %mul3A_889 = arith.mulf %mul3A_884, %select_n3A_860 : vector<16xf32>
      %mul3A_890 = arith.mulf %select_n3A_859, %sub3A_888 : vector<16xf32>
      %gt3A_891 = arith.cmpf ogt, %mul3A_889, %mul3A_890 : vector<16xf32>
      %select_n3A_892 = arith.select %gt3A_891, %mul3A_884, %select_n3A_859 : vector<16xi1>, vector<16xf32>
      %select_n3A_893 = arith.select %gt3A_891, %sub3A_888, %select_n3A_860 : vector<16xi1>, vector<16xf32>
      %jit3A_894 = arith.constant 11 : i32
      %broadcast_in_dim3A_895 = vector.broadcast %jit3A_894 : i32 to vector<16xi32>
      %select_n3A_896 = arith.select %gt3A_891, %broadcast_in_dim3A_895, %select_n3A_863 : vector<16xi1>, vector<16xi32>
      %get3A_897 = arith.constant 192 : index
      %get3A_898 = tpu.vector_load %arg20[%get3A_897] {strides = array<i32>} : memref<512xf32, #tpu.memory_space<vmem>>, vector<16xf32>,
      %min3A_899 = arith.minimumf %get3A_493, %get3A_898 : vector<16xf32>
      %get3A_900 = arith.constant 192 : index
      %get3A_901 = tpu.vector_load %arg18[%get3A_900] {strides = array<i32>} : memref<512xf32, #tpu.memory_space<vmem>>, vector<16xf32>,
      %max3A_902 = arith.maximumf %get3A_489, %get3A_901 : vector<16xf32>
      %sub3A_903 = arith.subf %min3A_899, %max3A_902 : vector<16xf32>
      %get3A_904 = arith.constant 192 : index
      %get3A_905 = tpu.vector_load %arg21[%get3A_904] {strides = array<i32>} : memref<512xf32, #tpu.memory_space<vmem>>, vector<16xf32>,
      %min3A_906 = arith.minimumf %get3A_495, %get3A_905 : vector<16xf32>
      %get3A_907 = arith.constant 192 : index
      %get3A_908 = tpu.vector_load %arg19[%get3A_907] {strides = array<i32>} : memref<512xf32, #tpu.memory_space<vmem>>, vector<16xf32>,
      %max3A_909 = arith.maximumf %get3A_491, %get3A_908 : vector<16xf32>
      %sub3A_910 = arith.subf %min3A_906, %max3A_909 : vector<16xf32>
      %max3A_911 = arith.constant 0.000000e+00 : f32
      %max3A_912 = vector.broadcast %max3A_911 : f32 to vector<16xf32>
      %max3A_913 = arith.maximumf %sub3A_903, %max3A_912 : vector<16xf32>
      %max3A_914 = arith.constant 0.000000e+00 : f32
      %max3A_915 = vector.broadcast %max3A_914 : f32 to vector<16xf32>
      %max3A_916 = arith.maximumf %sub3A_910, %max3A_915 : vector<16xf32>
      %mul3A_917 = arith.mulf %max3A_913, %max3A_916 : vector<16xf32>
      %get3A_918 = arith.constant 192 : index
      %get3A_919 = tpu.vector_load %arg22[%get3A_918] {strides = array<i32>} : memref<512xf32, #tpu.memory_space<vmem>>, vector<16xf32>,
      %add3A_920 = arith.addf %mul3A_498, %get3A_919 : vector<16xf32>
      %sub3A_921 = arith.subf %add3A_920, %mul3A_917 : vector<16xf32>
      %mul3A_922 = arith.mulf %mul3A_917, %select_n3A_893 : vector<16xf32>
      %mul3A_923 = arith.mulf %select_n3A_892, %sub3A_921 : vector<16xf32>
      %gt3A_924 = arith.cmpf ogt, %mul3A_922, %mul3A_923 : vector<16xf32>
      %select_n3A_925 = arith.select %gt3A_924, %mul3A_917, %select_n3A_892 : vector<16xi1>, vector<16xf32>
      %select_n3A_926 = arith.select %gt3A_924, %sub3A_921, %select_n3A_893 : vector<16xi1>, vector<16xf32>
      %jit3A_927 = arith.constant 12 : i32
      %broadcast_in_dim3A_928 = vector.broadcast %jit3A_927 : i32 to vector<16xi32>
      %select_n3A_929 = arith.select %gt3A_924, %broadcast_in_dim3A_928, %select_n3A_896 : vector<16xi1>, vector<16xi32>
      %get3A_930 = arith.constant 208 : index
      %get3A_931 = tpu.vector_load %arg20[%get3A_930] {strides = array<i32>} : memref<512xf32, #tpu.memory_space<vmem>>, vector<16xf32>,
      %min3A_932 = arith.minimumf %get3A_493, %get3A_931 : vector<16xf32>
      %get3A_933 = arith.constant 208 : index
      %get3A_934 = tpu.vector_load %arg18[%get3A_933] {strides = array<i32>} : memref<512xf32, #tpu.memory_space<vmem>>, vector<16xf32>,
      %max3A_935 = arith.maximumf %get3A_489, %get3A_934 : vector<16xf32>
      %sub3A_936 = arith.subf %min3A_932, %max3A_935 : vector<16xf32>
      %get3A_937 = arith.constant 208 : index
      %get3A_938 = tpu.vector_load %arg21[%get3A_937] {strides = array<i32>} : memref<512xf32, #tpu.memory_space<vmem>>, vector<16xf32>,
      %min3A_939 = arith.minimumf %get3A_495, %get3A_938 : vector<16xf32>
      %get3A_940 = arith.constant 208 : index
      %get3A_941 = tpu.vector_load %arg19[%get3A_940] {strides = array<i32>} : memref<512xf32, #tpu.memory_space<vmem>>, vector<16xf32>,
      %max3A_942 = arith.maximumf %get3A_491, %get3A_941 : vector<16xf32>
      %sub3A_943 = arith.subf %min3A_939, %max3A_942 : vector<16xf32>
      %max3A_944 = arith.constant 0.000000e+00 : f32
      %max3A_945 = vector.broadcast %max3A_944 : f32 to vector<16xf32>
      %max3A_946 = arith.maximumf %sub3A_936, %max3A_945 : vector<16xf32>
      %max3A_947 = arith.constant 0.000000e+00 : f32
      %max3A_948 = vector.broadcast %max3A_947 : f32 to vector<16xf32>
      %max3A_949 = arith.maximumf %sub3A_943, %max3A_948 : vector<16xf32>
      %mul3A_950 = arith.mulf %max3A_946, %max3A_949 : vector<16xf32>
      %get3A_951 = arith.constant 208 : index
      %get3A_952 = tpu.vector_load %arg22[%get3A_951] {strides = array<i32>} : memref<512xf32, #tpu.memory_space<vmem>>, vector<16xf32>,
      %add3A_953 = arith.addf %mul3A_498, %get3A_952 : vector<16xf32>
      %sub3A_954 = arith.subf %add3A_953, %mul3A_950 : vector<16xf32>
      %mul3A_955 = arith.mulf %mul3A_950, %select_n3A_926 : vector<16xf32>
      %mul3A_956 = arith.mulf %select_n3A_925, %sub3A_954 : vector<16xf32>
      %gt3A_957 = arith.cmpf ogt, %mul3A_955, %mul3A_956 : vector<16xf32>
      %select_n3A_958 = arith.select %gt3A_957, %mul3A_950, %select_n3A_925 : vector<16xi1>, vector<16xf32>
      %select_n3A_959 = arith.select %gt3A_957, %sub3A_954, %select_n3A_926 : vector<16xi1>, vector<16xf32>
      %jit3A_960 = arith.constant 13 : i32
      %broadcast_in_dim3A_961 = vector.broadcast %jit3A_960 : i32 to vector<16xi32>
      %select_n3A_962 = arith.select %gt3A_957, %broadcast_in_dim3A_961, %select_n3A_929 : vector<16xi1>, vector<16xi32>
      %get3A_963 = arith.constant 224 : index
      %get3A_964 = tpu.vector_load %arg20[%get3A_963] {strides = array<i32>} : memref<512xf32, #tpu.memory_space<vmem>>, vector<16xf32>,
      %min3A_965 = arith.minimumf %get3A_493, %get3A_964 : vector<16xf32>
      %get3A_966 = arith.constant 224 : index
      %get3A_967 = tpu.vector_load %arg18[%get3A_966] {strides = array<i32>} : memref<512xf32, #tpu.memory_space<vmem>>, vector<16xf32>,
      %max3A_968 = arith.maximumf %get3A_489, %get3A_967 : vector<16xf32>
      %sub3A_969 = arith.subf %min3A_965, %max3A_968 : vector<16xf32>
      %get3A_970 = arith.constant 224 : index
      %get3A_971 = tpu.vector_load %arg21[%get3A_970] {strides = array<i32>} : memref<512xf32, #tpu.memory_space<vmem>>, vector<16xf32>,
      %min3A_972 = arith.minimumf %get3A_495, %get3A_971 : vector<16xf32>
      %get3A_973 = arith.constant 224 : index
      %get3A_974 = tpu.vector_load %arg19[%get3A_973] {strides = array<i32>} : memref<512xf32, #tpu.memory_space<vmem>>, vector<16xf32>,
      %max3A_975 = arith.maximumf %get3A_491, %get3A_974 : vector<16xf32>
      %sub3A_976 = arith.subf %min3A_972, %max3A_975 : vector<16xf32>
      %max3A_977 = arith.constant 0.000000e+00 : f32
      %max3A_978 = vector.broadcast %max3A_977 : f32 to vector<16xf32>
      %max3A_979 = arith.maximumf %sub3A_969, %max3A_978 : vector<16xf32>
      %max3A_980 = arith.constant 0.000000e+00 : f32
      %max3A_981 = vector.broadcast %max3A_980 : f32 to vector<16xf32>
      %max3A_982 = arith.maximumf %sub3A_976, %max3A_981 : vector<16xf32>
      %mul3A_983 = arith.mulf %max3A_979, %max3A_982 : vector<16xf32>
      %get3A_984 = arith.constant 224 : index
      %get3A_985 = tpu.vector_load %arg22[%get3A_984] {strides = array<i32>} : memref<512xf32, #tpu.memory_space<vmem>>, vector<16xf32>,
      %add3A_986 = arith.addf %mul3A_498, %get3A_985 : vector<16xf32>
      %sub3A_987 = arith.subf %add3A_986, %mul3A_983 : vector<16xf32>
      %mul3A_988 = arith.mulf %mul3A_983, %select_n3A_959 : vector<16xf32>
      %mul3A_989 = arith.mulf %select_n3A_958, %sub3A_987 : vector<16xf32>
      %gt3A_990 = arith.cmpf ogt, %mul3A_988, %mul3A_989 : vector<16xf32>
      %select_n3A_991 = arith.select %gt3A_990, %mul3A_983, %select_n3A_958 : vector<16xi1>, vector<16xf32>
      %select_n3A_992 = arith.select %gt3A_990, %sub3A_987, %select_n3A_959 : vector<16xi1>, vector<16xf32>
      %jit3A_993 = arith.constant 14 : i32
      %broadcast_in_dim3A_994 = vector.broadcast %jit3A_993 : i32 to vector<16xi32>
      %select_n3A_995 = arith.select %gt3A_990, %broadcast_in_dim3A_994, %select_n3A_962 : vector<16xi1>, vector<16xi32>
      %get3A_996 = arith.constant 240 : index
      %get3A_997 = tpu.vector_load %arg20[%get3A_996] {strides = array<i32>} : memref<512xf32, #tpu.memory_space<vmem>>, vector<16xf32>,
      %min3A_998 = arith.minimumf %get3A_493, %get3A_997 : vector<16xf32>
      %get3A_999 = arith.constant 240 : index
      %get3A_1000 = tpu.vector_load %arg18[%get3A_999] {strides = array<i32>} : memref<512xf32, #tpu.memory_space<vmem>>, vector<16xf32>,
      %max3A_1001 = arith.maximumf %get3A_489, %get3A_1000 : vector<16xf32>
      %sub3A_1002 = arith.subf %min3A_998, %max3A_1001 : vector<16xf32>
      %get3A_1003 = arith.constant 240 : index
      %get3A_1004 = tpu.vector_load %arg21[%get3A_1003] {strides = array<i32>} : memref<512xf32, #tpu.memory_space<vmem>>, vector<16xf32>,
      %min3A_1005 = arith.minimumf %get3A_495, %get3A_1004 : vector<16xf32>
      %get3A_1006 = arith.constant 240 : index
      %get3A_1007 = tpu.vector_load %arg19[%get3A_1006] {strides = array<i32>} : memref<512xf32, #tpu.memory_space<vmem>>, vector<16xf32>,
      %max3A_1008 = arith.maximumf %get3A_491, %get3A_1007 : vector<16xf32>
      %sub3A_1009 = arith.subf %min3A_1005, %max3A_1008 : vector<16xf32>
      %max3A_1010 = arith.constant 0.000000e+00 : f32
      %max3A_1011 = vector.broadcast %max3A_1010 : f32 to vector<16xf32>
      %max3A_1012 = arith.maximumf %sub3A_1002, %max3A_1011 : vector<16xf32>
      %max3A_1013 = arith.constant 0.000000e+00 : f32
      %max3A_1014 = vector.broadcast %max3A_1013 : f32 to vector<16xf32>
      %max3A_1015 = arith.maximumf %sub3A_1009, %max3A_1014 : vector<16xf32>
      %mul3A_1016 = arith.mulf %max3A_1012, %max3A_1015 : vector<16xf32>
      %get3A_1017 = arith.constant 240 : index
      %get3A_1018 = tpu.vector_load %arg22[%get3A_1017] {strides = array<i32>} : memref<512xf32, #tpu.memory_space<vmem>>, vector<16xf32>,
      %add3A_1019 = arith.addf %mul3A_498, %get3A_1018 : vector<16xf32>
      %sub3A_1020 = arith.subf %add3A_1019, %mul3A_1016 : vector<16xf32>
      %mul3A_1021 = arith.mulf %mul3A_1016, %select_n3A_992 : vector<16xf32>
      %mul3A_1022 = arith.mulf %select_n3A_991, %sub3A_1020 : vector<16xf32>
      %gt3A_1023 = arith.cmpf ogt, %mul3A_1021, %mul3A_1022 : vector<16xf32>
      %select_n3A_1024 = arith.select %gt3A_1023, %mul3A_1016, %select_n3A_991 : vector<16xi1>, vector<16xf32>
      %select_n3A_1025 = arith.select %gt3A_1023, %sub3A_1020, %select_n3A_992 : vector<16xi1>, vector<16xf32>
      %jit3A_1026 = arith.constant 15 : i32
      %broadcast_in_dim3A_1027 = vector.broadcast %jit3A_1026 : i32 to vector<16xi32>
      %select_n3A_1028 = arith.select %gt3A_1023, %broadcast_in_dim3A_1027, %select_n3A_995 : vector<16xi1>, vector<16xi32>
      %get3A_1029 = arith.constant 256 : index
      %get3A_1030 = tpu.vector_load %arg20[%get3A_1029] {strides = array<i32>} : memref<512xf32, #tpu.memory_space<vmem>>, vector<16xf32>,
      %min3A_1031 = arith.minimumf %get3A_493, %get3A_1030 : vector<16xf32>
      %get3A_1032 = arith.constant 256 : index
      %get3A_1033 = tpu.vector_load %arg18[%get3A_1032] {strides = array<i32>} : memref<512xf32, #tpu.memory_space<vmem>>, vector<16xf32>,
      %max3A_1034 = arith.maximumf %get3A_489, %get3A_1033 : vector<16xf32>
      %sub3A_1035 = arith.subf %min3A_1031, %max3A_1034 : vector<16xf32>
      %get3A_1036 = arith.constant 256 : index
      %get3A_1037 = tpu.vector_load %arg21[%get3A_1036] {strides = array<i32>} : memref<512xf32, #tpu.memory_space<vmem>>, vector<16xf32>,
      %min3A_1038 = arith.minimumf %get3A_495, %get3A_1037 : vector<16xf32>
      %get3A_1039 = arith.constant 256 : index
      %get3A_1040 = tpu.vector_load %arg19[%get3A_1039] {strides = array<i32>} : memref<512xf32, #tpu.memory_space<vmem>>, vector<16xf32>,
      %max3A_1041 = arith.maximumf %get3A_491, %get3A_1040 : vector<16xf32>
      %sub3A_1042 = arith.subf %min3A_1038, %max3A_1041 : vector<16xf32>
      %max3A_1043 = arith.constant 0.000000e+00 : f32
      %max3A_1044 = vector.broadcast %max3A_1043 : f32 to vector<16xf32>
      %max3A_1045 = arith.maximumf %sub3A_1035, %max3A_1044 : vector<16xf32>
      %max3A_1046 = arith.constant 0.000000e+00 : f32
      %max3A_1047 = vector.broadcast %max3A_1046 : f32 to vector<16xf32>
      %max3A_1048 = arith.maximumf %sub3A_1042, %max3A_1047 : vector<16xf32>
      %mul3A_1049 = arith.mulf %max3A_1045, %max3A_1048 : vector<16xf32>
      %get3A_1050 = arith.constant 256 : index
      %get3A_1051 = tpu.vector_load %arg22[%get3A_1050] {strides = array<i32>} : memref<512xf32, #tpu.memory_space<vmem>>, vector<16xf32>,
      %add3A_1052 = arith.addf %mul3A_498, %get3A_1051 : vector<16xf32>
      %sub3A_1053 = arith.subf %add3A_1052, %mul3A_1049 : vector<16xf32>
      %mul3A_1054 = arith.mulf %mul3A_1049, %select_n3A_1025 : vector<16xf32>
      %mul3A_1055 = arith.mulf %select_n3A_1024, %sub3A_1053 : vector<16xf32>
      %gt3A_1056 = arith.cmpf ogt, %mul3A_1054, %mul3A_1055 : vector<16xf32>
      %select_n3A_1057 = arith.select %gt3A_1056, %mul3A_1049, %select_n3A_1024 : vector<16xi1>, vector<16xf32>
      %select_n3A_1058 = arith.select %gt3A_1056, %sub3A_1053, %select_n3A_1025 : vector<16xi1>, vector<16xf32>
      %jit3A_1059 = arith.constant 16 : i32
      %broadcast_in_dim3A_1060 = vector.broadcast %jit3A_1059 : i32 to vector<16xi32>
      %select_n3A_1061 = arith.select %gt3A_1056, %broadcast_in_dim3A_1060, %select_n3A_1028 : vector<16xi1>, vector<16xi32>
      %get3A_1062 = arith.constant 272 : index
      %get3A_1063 = tpu.vector_load %arg20[%get3A_1062] {strides = array<i32>} : memref<512xf32, #tpu.memory_space<vmem>>, vector<16xf32>,
      %min3A_1064 = arith.minimumf %get3A_493, %get3A_1063 : vector<16xf32>
      %get3A_1065 = arith.constant 272 : index
      %get3A_1066 = tpu.vector_load %arg18[%get3A_1065] {strides = array<i32>} : memref<512xf32, #tpu.memory_space<vmem>>, vector<16xf32>,
      %max3A_1067 = arith.maximumf %get3A_489, %get3A_1066 : vector<16xf32>
      %sub3A_1068 = arith.subf %min3A_1064, %max3A_1067 : vector<16xf32>
      %get3A_1069 = arith.constant 272 : index
      %get3A_1070 = tpu.vector_load %arg21[%get3A_1069] {strides = array<i32>} : memref<512xf32, #tpu.memory_space<vmem>>, vector<16xf32>,
      %min3A_1071 = arith.minimumf %get3A_495, %get3A_1070 : vector<16xf32>
      %get3A_1072 = arith.constant 272 : index
      %get3A_1073 = tpu.vector_load %arg19[%get3A_1072] {strides = array<i32>} : memref<512xf32, #tpu.memory_space<vmem>>, vector<16xf32>,
      %max3A_1074 = arith.maximumf %get3A_491, %get3A_1073 : vector<16xf32>
      %sub3A_1075 = arith.subf %min3A_1071, %max3A_1074 : vector<16xf32>
      %max3A_1076 = arith.constant 0.000000e+00 : f32
      %max3A_1077 = vector.broadcast %max3A_1076 : f32 to vector<16xf32>
      %max3A_1078 = arith.maximumf %sub3A_1068, %max3A_1077 : vector<16xf32>
      %max3A_1079 = arith.constant 0.000000e+00 : f32
      %max3A_1080 = vector.broadcast %max3A_1079 : f32 to vector<16xf32>
      %max3A_1081 = arith.maximumf %sub3A_1075, %max3A_1080 : vector<16xf32>
      %mul3A_1082 = arith.mulf %max3A_1078, %max3A_1081 : vector<16xf32>
      %get3A_1083 = arith.constant 272 : index
      %get3A_1084 = tpu.vector_load %arg22[%get3A_1083] {strides = array<i32>} : memref<512xf32, #tpu.memory_space<vmem>>, vector<16xf32>,
      %add3A_1085 = arith.addf %mul3A_498, %get3A_1084 : vector<16xf32>
      %sub3A_1086 = arith.subf %add3A_1085, %mul3A_1082 : vector<16xf32>
      %mul3A_1087 = arith.mulf %mul3A_1082, %select_n3A_1058 : vector<16xf32>
      %mul3A_1088 = arith.mulf %select_n3A_1057, %sub3A_1086 : vector<16xf32>
      %gt3A_1089 = arith.cmpf ogt, %mul3A_1087, %mul3A_1088 : vector<16xf32>
      %select_n3A_1090 = arith.select %gt3A_1089, %mul3A_1082, %select_n3A_1057 : vector<16xi1>, vector<16xf32>
      %select_n3A_1091 = arith.select %gt3A_1089, %sub3A_1086, %select_n3A_1058 : vector<16xi1>, vector<16xf32>
      %jit3A_1092 = arith.constant 17 : i32
      %broadcast_in_dim3A_1093 = vector.broadcast %jit3A_1092 : i32 to vector<16xi32>
      %select_n3A_1094 = arith.select %gt3A_1089, %broadcast_in_dim3A_1093, %select_n3A_1061 : vector<16xi1>, vector<16xi32>
      %get3A_1095 = arith.constant 288 : index
      %get3A_1096 = tpu.vector_load %arg20[%get3A_1095] {strides = array<i32>} : memref<512xf32, #tpu.memory_space<vmem>>, vector<16xf32>,
      %min3A_1097 = arith.minimumf %get3A_493, %get3A_1096 : vector<16xf32>
      %get3A_1098 = arith.constant 288 : index
      %get3A_1099 = tpu.vector_load %arg18[%get3A_1098] {strides = array<i32>} : memref<512xf32, #tpu.memory_space<vmem>>, vector<16xf32>,
      %max3A_1100 = arith.maximumf %get3A_489, %get3A_1099 : vector<16xf32>
      %sub3A_1101 = arith.subf %min3A_1097, %max3A_1100 : vector<16xf32>
      %get3A_1102 = arith.constant 288 : index
      %get3A_1103 = tpu.vector_load %arg21[%get3A_1102] {strides = array<i32>} : memref<512xf32, #tpu.memory_space<vmem>>, vector<16xf32>,
      %min3A_1104 = arith.minimumf %get3A_495, %get3A_1103 : vector<16xf32>
      %get3A_1105 = arith.constant 288 : index
      %get3A_1106 = tpu.vector_load %arg19[%get3A_1105] {strides = array<i32>} : memref<512xf32, #tpu.memory_space<vmem>>, vector<16xf32>,
      %max3A_1107 = arith.maximumf %get3A_491, %get3A_1106 : vector<16xf32>
      %sub3A_1108 = arith.subf %min3A_1104, %max3A_1107 : vector<16xf32>
      %max3A_1109 = arith.constant 0.000000e+00 : f32
      %max3A_1110 = vector.broadcast %max3A_1109 : f32 to vector<16xf32>
      %max3A_1111 = arith.maximumf %sub3A_1101, %max3A_1110 : vector<16xf32>
      %max3A_1112 = arith.constant 0.000000e+00 : f32
      %max3A_1113 = vector.broadcast %max3A_1112 : f32 to vector<16xf32>
      %max3A_1114 = arith.maximumf %sub3A_1108, %max3A_1113 : vector<16xf32>
      %mul3A_1115 = arith.mulf %max3A_1111, %max3A_1114 : vector<16xf32>
      %get3A_1116 = arith.constant 288 : index
      %get3A_1117 = tpu.vector_load %arg22[%get3A_1116] {strides = array<i32>} : memref<512xf32, #tpu.memory_space<vmem>>, vector<16xf32>,
      %add3A_1118 = arith.addf %mul3A_498, %get3A_1117 : vector<16xf32>
      %sub3A_1119 = arith.subf %add3A_1118, %mul3A_1115 : vector<16xf32>
      %mul3A_1120 = arith.mulf %mul3A_1115, %select_n3A_1091 : vector<16xf32>
      %mul3A_1121 = arith.mulf %select_n3A_1090, %sub3A_1119 : vector<16xf32>
      %gt3A_1122 = arith.cmpf ogt, %mul3A_1120, %mul3A_1121 : vector<16xf32>
      %select_n3A_1123 = arith.select %gt3A_1122, %mul3A_1115, %select_n3A_1090 : vector<16xi1>, vector<16xf32>
      %select_n3A_1124 = arith.select %gt3A_1122, %sub3A_1119, %select_n3A_1091 : vector<16xi1>, vector<16xf32>
      %jit3A_1125 = arith.constant 18 : i32
      %broadcast_in_dim3A_1126 = vector.broadcast %jit3A_1125 : i32 to vector<16xi32>
      %select_n3A_1127 = arith.select %gt3A_1122, %broadcast_in_dim3A_1126, %select_n3A_1094 : vector<16xi1>, vector<16xi32>
      %get3A_1128 = arith.constant 304 : index
      %get3A_1129 = tpu.vector_load %arg20[%get3A_1128] {strides = array<i32>} : memref<512xf32, #tpu.memory_space<vmem>>, vector<16xf32>,
      %min3A_1130 = arith.minimumf %get3A_493, %get3A_1129 : vector<16xf32>
      %get3A_1131 = arith.constant 304 : index
      %get3A_1132 = tpu.vector_load %arg18[%get3A_1131] {strides = array<i32>} : memref<512xf32, #tpu.memory_space<vmem>>, vector<16xf32>,
      %max3A_1133 = arith.maximumf %get3A_489, %get3A_1132 : vector<16xf32>
      %sub3A_1134 = arith.subf %min3A_1130, %max3A_1133 : vector<16xf32>
      %get3A_1135 = arith.constant 304 : index
      %get3A_1136 = tpu.vector_load %arg21[%get3A_1135] {strides = array<i32>} : memref<512xf32, #tpu.memory_space<vmem>>, vector<16xf32>,
      %min3A_1137 = arith.minimumf %get3A_495, %get3A_1136 : vector<16xf32>
      %get3A_1138 = arith.constant 304 : index
      %get3A_1139 = tpu.vector_load %arg19[%get3A_1138] {strides = array<i32>} : memref<512xf32, #tpu.memory_space<vmem>>, vector<16xf32>,
      %max3A_1140 = arith.maximumf %get3A_491, %get3A_1139 : vector<16xf32>
      %sub3A_1141 = arith.subf %min3A_1137, %max3A_1140 : vector<16xf32>
      %max3A_1142 = arith.constant 0.000000e+00 : f32
      %max3A_1143 = vector.broadcast %max3A_1142 : f32 to vector<16xf32>
      %max3A_1144 = arith.maximumf %sub3A_1134, %max3A_1143 : vector<16xf32>
      %max3A_1145 = arith.constant 0.000000e+00 : f32
      %max3A_1146 = vector.broadcast %max3A_1145 : f32 to vector<16xf32>
      %max3A_1147 = arith.maximumf %sub3A_1141, %max3A_1146 : vector<16xf32>
      %mul3A_1148 = arith.mulf %max3A_1144, %max3A_1147 : vector<16xf32>
      %get3A_1149 = arith.constant 304 : index
      %get3A_1150 = tpu.vector_load %arg22[%get3A_1149] {strides = array<i32>} : memref<512xf32, #tpu.memory_space<vmem>>, vector<16xf32>,
      %add3A_1151 = arith.addf %mul3A_498, %get3A_1150 : vector<16xf32>
      %sub3A_1152 = arith.subf %add3A_1151, %mul3A_1148 : vector<16xf32>
      %mul3A_1153 = arith.mulf %mul3A_1148, %select_n3A_1124 : vector<16xf32>
      %mul3A_1154 = arith.mulf %select_n3A_1123, %sub3A_1152 : vector<16xf32>
      %gt3A_1155 = arith.cmpf ogt, %mul3A_1153, %mul3A_1154 : vector<16xf32>
      %select_n3A_1156 = arith.select %gt3A_1155, %mul3A_1148, %select_n3A_1123 : vector<16xi1>, vector<16xf32>
      %select_n3A_1157 = arith.select %gt3A_1155, %sub3A_1152, %select_n3A_1124 : vector<16xi1>, vector<16xf32>
      %jit3A_1158 = arith.constant 19 : i32
      %broadcast_in_dim3A_1159 = vector.broadcast %jit3A_1158 : i32 to vector<16xi32>
      %select_n3A_1160 = arith.select %gt3A_1155, %broadcast_in_dim3A_1159, %select_n3A_1127 : vector<16xi1>, vector<16xi32>
      %get3A_1161 = arith.constant 320 : index
      %get3A_1162 = tpu.vector_load %arg20[%get3A_1161] {strides = array<i32>} : memref<512xf32, #tpu.memory_space<vmem>>, vector<16xf32>,
      %min3A_1163 = arith.minimumf %get3A_493, %get3A_1162 : vector<16xf32>
      %get3A_1164 = arith.constant 320 : index
      %get3A_1165 = tpu.vector_load %arg18[%get3A_1164] {strides = array<i32>} : memref<512xf32, #tpu.memory_space<vmem>>, vector<16xf32>,
      %max3A_1166 = arith.maximumf %get3A_489, %get3A_1165 : vector<16xf32>
      %sub3A_1167 = arith.subf %min3A_1163, %max3A_1166 : vector<16xf32>
      %get3A_1168 = arith.constant 320 : index
      %get3A_1169 = tpu.vector_load %arg21[%get3A_1168] {strides = array<i32>} : memref<512xf32, #tpu.memory_space<vmem>>, vector<16xf32>,
      %min3A_1170 = arith.minimumf %get3A_495, %get3A_1169 : vector<16xf32>
      %get3A_1171 = arith.constant 320 : index
      %get3A_1172 = tpu.vector_load %arg19[%get3A_1171] {strides = array<i32>} : memref<512xf32, #tpu.memory_space<vmem>>, vector<16xf32>,
      %max3A_1173 = arith.maximumf %get3A_491, %get3A_1172 : vector<16xf32>
      %sub3A_1174 = arith.subf %min3A_1170, %max3A_1173 : vector<16xf32>
      %max3A_1175 = arith.constant 0.000000e+00 : f32
      %max3A_1176 = vector.broadcast %max3A_1175 : f32 to vector<16xf32>
      %max3A_1177 = arith.maximumf %sub3A_1167, %max3A_1176 : vector<16xf32>
      %max3A_1178 = arith.constant 0.000000e+00 : f32
      %max3A_1179 = vector.broadcast %max3A_1178 : f32 to vector<16xf32>
      %max3A_1180 = arith.maximumf %sub3A_1174, %max3A_1179 : vector<16xf32>
      %mul3A_1181 = arith.mulf %max3A_1177, %max3A_1180 : vector<16xf32>
      %get3A_1182 = arith.constant 320 : index
      %get3A_1183 = tpu.vector_load %arg22[%get3A_1182] {strides = array<i32>} : memref<512xf32, #tpu.memory_space<vmem>>, vector<16xf32>,
      %add3A_1184 = arith.addf %mul3A_498, %get3A_1183 : vector<16xf32>
      %sub3A_1185 = arith.subf %add3A_1184, %mul3A_1181 : vector<16xf32>
      %mul3A_1186 = arith.mulf %mul3A_1181, %select_n3A_1157 : vector<16xf32>
      %mul3A_1187 = arith.mulf %select_n3A_1156, %sub3A_1185 : vector<16xf32>
      %gt3A_1188 = arith.cmpf ogt, %mul3A_1186, %mul3A_1187 : vector<16xf32>
      %select_n3A_1189 = arith.select %gt3A_1188, %mul3A_1181, %select_n3A_1156 : vector<16xi1>, vector<16xf32>
      %select_n3A_1190 = arith.select %gt3A_1188, %sub3A_1185, %select_n3A_1157 : vector<16xi1>, vector<16xf32>
      %jit3A_1191 = arith.constant 20 : i32
      %broadcast_in_dim3A_1192 = vector.broadcast %jit3A_1191 : i32 to vector<16xi32>
      %select_n3A_1193 = arith.select %gt3A_1188, %broadcast_in_dim3A_1192, %select_n3A_1160 : vector<16xi1>, vector<16xi32>
      %get3A_1194 = arith.constant 336 : index
      %get3A_1195 = tpu.vector_load %arg20[%get3A_1194] {strides = array<i32>} : memref<512xf32, #tpu.memory_space<vmem>>, vector<16xf32>,
      %min3A_1196 = arith.minimumf %get3A_493, %get3A_1195 : vector<16xf32>
      %get3A_1197 = arith.constant 336 : index
      %get3A_1198 = tpu.vector_load %arg18[%get3A_1197] {strides = array<i32>} : memref<512xf32, #tpu.memory_space<vmem>>, vector<16xf32>,
      %max3A_1199 = arith.maximumf %get3A_489, %get3A_1198 : vector<16xf32>
      %sub3A_1200 = arith.subf %min3A_1196, %max3A_1199 : vector<16xf32>
      %get3A_1201 = arith.constant 336 : index
      %get3A_1202 = tpu.vector_load %arg21[%get3A_1201] {strides = array<i32>} : memref<512xf32, #tpu.memory_space<vmem>>, vector<16xf32>,
      %min3A_1203 = arith.minimumf %get3A_495, %get3A_1202 : vector<16xf32>
      %get3A_1204 = arith.constant 336 : index
      %get3A_1205 = tpu.vector_load %arg19[%get3A_1204] {strides = array<i32>} : memref<512xf32, #tpu.memory_space<vmem>>, vector<16xf32>,
      %max3A_1206 = arith.maximumf %get3A_491, %get3A_1205 : vector<16xf32>
      %sub3A_1207 = arith.subf %min3A_1203, %max3A_1206 : vector<16xf32>
      %max3A_1208 = arith.constant 0.000000e+00 : f32
      %max3A_1209 = vector.broadcast %max3A_1208 : f32 to vector<16xf32>
      %max3A_1210 = arith.maximumf %sub3A_1200, %max3A_1209 : vector<16xf32>
      %max3A_1211 = arith.constant 0.000000e+00 : f32
      %max3A_1212 = vector.broadcast %max3A_1211 : f32 to vector<16xf32>
      %max3A_1213 = arith.maximumf %sub3A_1207, %max3A_1212 : vector<16xf32>
      %mul3A_1214 = arith.mulf %max3A_1210, %max3A_1213 : vector<16xf32>
      %get3A_1215 = arith.constant 336 : index
      %get3A_1216 = tpu.vector_load %arg22[%get3A_1215] {strides = array<i32>} : memref<512xf32, #tpu.memory_space<vmem>>, vector<16xf32>,
      %add3A_1217 = arith.addf %mul3A_498, %get3A_1216 : vector<16xf32>
      %sub3A_1218 = arith.subf %add3A_1217, %mul3A_1214 : vector<16xf32>
      %mul3A_1219 = arith.mulf %mul3A_1214, %select_n3A_1190 : vector<16xf32>
      %mul3A_1220 = arith.mulf %select_n3A_1189, %sub3A_1218 : vector<16xf32>
      %gt3A_1221 = arith.cmpf ogt, %mul3A_1219, %mul3A_1220 : vector<16xf32>
      %select_n3A_1222 = arith.select %gt3A_1221, %mul3A_1214, %select_n3A_1189 : vector<16xi1>, vector<16xf32>
      %select_n3A_1223 = arith.select %gt3A_1221, %sub3A_1218, %select_n3A_1190 : vector<16xi1>, vector<16xf32>
      %jit3A_1224 = arith.constant 21 : i32
      %broadcast_in_dim3A_1225 = vector.broadcast %jit3A_1224 : i32 to vector<16xi32>
      %select_n3A_1226 = arith.select %gt3A_1221, %broadcast_in_dim3A_1225, %select_n3A_1193 : vector<16xi1>, vector<16xi32>
      %get3A_1227 = arith.constant 352 : index
      %get3A_1228 = tpu.vector_load %arg20[%get3A_1227] {strides = array<i32>} : memref<512xf32, #tpu.memory_space<vmem>>, vector<16xf32>,
      %min3A_1229 = arith.minimumf %get3A_493, %get3A_1228 : vector<16xf32>
      %get3A_1230 = arith.constant 352 : index
      %get3A_1231 = tpu.vector_load %arg18[%get3A_1230] {strides = array<i32>} : memref<512xf32, #tpu.memory_space<vmem>>, vector<16xf32>,
      %max3A_1232 = arith.maximumf %get3A_489, %get3A_1231 : vector<16xf32>
      %sub3A_1233 = arith.subf %min3A_1229, %max3A_1232 : vector<16xf32>
      %get3A_1234 = arith.constant 352 : index
      %get3A_1235 = tpu.vector_load %arg21[%get3A_1234] {strides = array<i32>} : memref<512xf32, #tpu.memory_space<vmem>>, vector<16xf32>,
      %min3A_1236 = arith.minimumf %get3A_495, %get3A_1235 : vector<16xf32>
      %get3A_1237 = arith.constant 352 : index
      %get3A_1238 = tpu.vector_load %arg19[%get3A_1237] {strides = array<i32>} : memref<512xf32, #tpu.memory_space<vmem>>, vector<16xf32>,
      %max3A_1239 = arith.maximumf %get3A_491, %get3A_1238 : vector<16xf32>
      %sub3A_1240 = arith.subf %min3A_1236, %max3A_1239 : vector<16xf32>
      %max3A_1241 = arith.constant 0.000000e+00 : f32
      %max3A_1242 = vector.broadcast %max3A_1241 : f32 to vector<16xf32>
      %max3A_1243 = arith.maximumf %sub3A_1233, %max3A_1242 : vector<16xf32>
      %max3A_1244 = arith.constant 0.000000e+00 : f32
      %max3A_1245 = vector.broadcast %max3A_1244 : f32 to vector<16xf32>
      %max3A_1246 = arith.maximumf %sub3A_1240, %max3A_1245 : vector<16xf32>
      %mul3A_1247 = arith.mulf %max3A_1243, %max3A_1246 : vector<16xf32>
      %get3A_1248 = arith.constant 352 : index
      %get3A_1249 = tpu.vector_load %arg22[%get3A_1248] {strides = array<i32>} : memref<512xf32, #tpu.memory_space<vmem>>, vector<16xf32>,
      %add3A_1250 = arith.addf %mul3A_498, %get3A_1249 : vector<16xf32>
      %sub3A_1251 = arith.subf %add3A_1250, %mul3A_1247 : vector<16xf32>
      %mul3A_1252 = arith.mulf %mul3A_1247, %select_n3A_1223 : vector<16xf32>
      %mul3A_1253 = arith.mulf %select_n3A_1222, %sub3A_1251 : vector<16xf32>
      %gt3A_1254 = arith.cmpf ogt, %mul3A_1252, %mul3A_1253 : vector<16xf32>
      %select_n3A_1255 = arith.select %gt3A_1254, %mul3A_1247, %select_n3A_1222 : vector<16xi1>, vector<16xf32>
      %select_n3A_1256 = arith.select %gt3A_1254, %sub3A_1251, %select_n3A_1223 : vector<16xi1>, vector<16xf32>
      %jit3A_1257 = arith.constant 22 : i32
      %broadcast_in_dim3A_1258 = vector.broadcast %jit3A_1257 : i32 to vector<16xi32>
      %select_n3A_1259 = arith.select %gt3A_1254, %broadcast_in_dim3A_1258, %select_n3A_1226 : vector<16xi1>, vector<16xi32>
      %get3A_1260 = arith.constant 368 : index
      %get3A_1261 = tpu.vector_load %arg20[%get3A_1260] {strides = array<i32>} : memref<512xf32, #tpu.memory_space<vmem>>, vector<16xf32>,
      %min3A_1262 = arith.minimumf %get3A_493, %get3A_1261 : vector<16xf32>
      %get3A_1263 = arith.constant 368 : index
      %get3A_1264 = tpu.vector_load %arg18[%get3A_1263] {strides = array<i32>} : memref<512xf32, #tpu.memory_space<vmem>>, vector<16xf32>,
      %max3A_1265 = arith.maximumf %get3A_489, %get3A_1264 : vector<16xf32>
      %sub3A_1266 = arith.subf %min3A_1262, %max3A_1265 : vector<16xf32>
      %get3A_1267 = arith.constant 368 : index
      %get3A_1268 = tpu.vector_load %arg21[%get3A_1267] {strides = array<i32>} : memref<512xf32, #tpu.memory_space<vmem>>, vector<16xf32>,
      %min3A_1269 = arith.minimumf %get3A_495, %get3A_1268 : vector<16xf32>
      %get3A_1270 = arith.constant 368 : index
      %get3A_1271 = tpu.vector_load %arg19[%get3A_1270] {strides = array<i32>} : memref<512xf32, #tpu.memory_space<vmem>>, vector<16xf32>,
      %max3A_1272 = arith.maximumf %get3A_491, %get3A_1271 : vector<16xf32>
      %sub3A_1273 = arith.subf %min3A_1269, %max3A_1272 : vector<16xf32>
      %max3A_1274 = arith.constant 0.000000e+00 : f32
      %max3A_1275 = vector.broadcast %max3A_1274 : f32 to vector<16xf32>
      %max3A_1276 = arith.maximumf %sub3A_1266, %max3A_1275 : vector<16xf32>
      %max3A_1277 = arith.constant 0.000000e+00 : f32
      %max3A_1278 = vector.broadcast %max3A_1277 : f32 to vector<16xf32>
      %max3A_1279 = arith.maximumf %sub3A_1273, %max3A_1278 : vector<16xf32>
      %mul3A_1280 = arith.mulf %max3A_1276, %max3A_1279 : vector<16xf32>
      %get3A_1281 = arith.constant 368 : index
      %get3A_1282 = tpu.vector_load %arg22[%get3A_1281] {strides = array<i32>} : memref<512xf32, #tpu.memory_space<vmem>>, vector<16xf32>,
      %add3A_1283 = arith.addf %mul3A_498, %get3A_1282 : vector<16xf32>
      %sub3A_1284 = arith.subf %add3A_1283, %mul3A_1280 : vector<16xf32>
      %mul3A_1285 = arith.mulf %mul3A_1280, %select_n3A_1256 : vector<16xf32>
      %mul3A_1286 = arith.mulf %select_n3A_1255, %sub3A_1284 : vector<16xf32>
      %gt3A_1287 = arith.cmpf ogt, %mul3A_1285, %mul3A_1286 : vector<16xf32>
      %select_n3A_1288 = arith.select %gt3A_1287, %mul3A_1280, %select_n3A_1255 : vector<16xi1>, vector<16xf32>
      %select_n3A_1289 = arith.select %gt3A_1287, %sub3A_1284, %select_n3A_1256 : vector<16xi1>, vector<16xf32>
      %jit3A_1290 = arith.constant 23 : i32
      %broadcast_in_dim3A_1291 = vector.broadcast %jit3A_1290 : i32 to vector<16xi32>
      %select_n3A_1292 = arith.select %gt3A_1287, %broadcast_in_dim3A_1291, %select_n3A_1259 : vector<16xi1>, vector<16xi32>
      %get3A_1293 = arith.constant 384 : index
      %get3A_1294 = tpu.vector_load %arg20[%get3A_1293] {strides = array<i32>} : memref<512xf32, #tpu.memory_space<vmem>>, vector<16xf32>,
      %min3A_1295 = arith.minimumf %get3A_493, %get3A_1294 : vector<16xf32>
      %get3A_1296 = arith.constant 384 : index
      %get3A_1297 = tpu.vector_load %arg18[%get3A_1296] {strides = array<i32>} : memref<512xf32, #tpu.memory_space<vmem>>, vector<16xf32>,
      %max3A_1298 = arith.maximumf %get3A_489, %get3A_1297 : vector<16xf32>
      %sub3A_1299 = arith.subf %min3A_1295, %max3A_1298 : vector<16xf32>
      %get3A_1300 = arith.constant 384 : index
      %get3A_1301 = tpu.vector_load %arg21[%get3A_1300] {strides = array<i32>} : memref<512xf32, #tpu.memory_space<vmem>>, vector<16xf32>,
      %min3A_1302 = arith.minimumf %get3A_495, %get3A_1301 : vector<16xf32>
      %get3A_1303 = arith.constant 384 : index
      %get3A_1304 = tpu.vector_load %arg19[%get3A_1303] {strides = array<i32>} : memref<512xf32, #tpu.memory_space<vmem>>, vector<16xf32>,
      %max3A_1305 = arith.maximumf %get3A_491, %get3A_1304 : vector<16xf32>
      %sub3A_1306 = arith.subf %min3A_1302, %max3A_1305 : vector<16xf32>
      %max3A_1307 = arith.constant 0.000000e+00 : f32
      %max3A_1308 = vector.broadcast %max3A_1307 : f32 to vector<16xf32>
      %max3A_1309 = arith.maximumf %sub3A_1299, %max3A_1308 : vector<16xf32>
      %max3A_1310 = arith.constant 0.000000e+00 : f32
      %max3A_1311 = vector.broadcast %max3A_1310 : f32 to vector<16xf32>
      %max3A_1312 = arith.maximumf %sub3A_1306, %max3A_1311 : vector<16xf32>
      %mul3A_1313 = arith.mulf %max3A_1309, %max3A_1312 : vector<16xf32>
      %get3A_1314 = arith.constant 384 : index
      %get3A_1315 = tpu.vector_load %arg22[%get3A_1314] {strides = array<i32>} : memref<512xf32, #tpu.memory_space<vmem>>, vector<16xf32>,
      %add3A_1316 = arith.addf %mul3A_498, %get3A_1315 : vector<16xf32>
      %sub3A_1317 = arith.subf %add3A_1316, %mul3A_1313 : vector<16xf32>
      %mul3A_1318 = arith.mulf %mul3A_1313, %select_n3A_1289 : vector<16xf32>
      %mul3A_1319 = arith.mulf %select_n3A_1288, %sub3A_1317 : vector<16xf32>
      %gt3A_1320 = arith.cmpf ogt, %mul3A_1318, %mul3A_1319 : vector<16xf32>
      %select_n3A_1321 = arith.select %gt3A_1320, %mul3A_1313, %select_n3A_1288 : vector<16xi1>, vector<16xf32>
      %select_n3A_1322 = arith.select %gt3A_1320, %sub3A_1317, %select_n3A_1289 : vector<16xi1>, vector<16xf32>
      %jit3A_1323 = arith.constant 24 : i32
      %broadcast_in_dim3A_1324 = vector.broadcast %jit3A_1323 : i32 to vector<16xi32>
      %select_n3A_1325 = arith.select %gt3A_1320, %broadcast_in_dim3A_1324, %select_n3A_1292 : vector<16xi1>, vector<16xi32>
      %get3A_1326 = arith.constant 400 : index
      %get3A_1327 = tpu.vector_load %arg20[%get3A_1326] {strides = array<i32>} : memref<512xf32, #tpu.memory_space<vmem>>, vector<16xf32>,
      %min3A_1328 = arith.minimumf %get3A_493, %get3A_1327 : vector<16xf32>
      %get3A_1329 = arith.constant 400 : index
      %get3A_1330 = tpu.vector_load %arg18[%get3A_1329] {strides = array<i32>} : memref<512xf32, #tpu.memory_space<vmem>>, vector<16xf32>,
      %max3A_1331 = arith.maximumf %get3A_489, %get3A_1330 : vector<16xf32>
      %sub3A_1332 = arith.subf %min3A_1328, %max3A_1331 : vector<16xf32>
      %get3A_1333 = arith.constant 400 : index
      %get3A_1334 = tpu.vector_load %arg21[%get3A_1333] {strides = array<i32>} : memref<512xf32, #tpu.memory_space<vmem>>, vector<16xf32>,
      %min3A_1335 = arith.minimumf %get3A_495, %get3A_1334 : vector<16xf32>
      %get3A_1336 = arith.constant 400 : index
      %get3A_1337 = tpu.vector_load %arg19[%get3A_1336] {strides = array<i32>} : memref<512xf32, #tpu.memory_space<vmem>>, vector<16xf32>,
      %max3A_1338 = arith.maximumf %get3A_491, %get3A_1337 : vector<16xf32>
      %sub3A_1339 = arith.subf %min3A_1335, %max3A_1338 : vector<16xf32>
      %max3A_1340 = arith.constant 0.000000e+00 : f32
      %max3A_1341 = vector.broadcast %max3A_1340 : f32 to vector<16xf32>
      %max3A_1342 = arith.maximumf %sub3A_1332, %max3A_1341 : vector<16xf32>
      %max3A_1343 = arith.constant 0.000000e+00 : f32
      %max3A_1344 = vector.broadcast %max3A_1343 : f32 to vector<16xf32>
      %max3A_1345 = arith.maximumf %sub3A_1339, %max3A_1344 : vector<16xf32>
      %mul3A_1346 = arith.mulf %max3A_1342, %max3A_1345 : vector<16xf32>
      %get3A_1347 = arith.constant 400 : index
      %get3A_1348 = tpu.vector_load %arg22[%get3A_1347] {strides = array<i32>} : memref<512xf32, #tpu.memory_space<vmem>>, vector<16xf32>,
      %add3A_1349 = arith.addf %mul3A_498, %get3A_1348 : vector<16xf32>
      %sub3A_1350 = arith.subf %add3A_1349, %mul3A_1346 : vector<16xf32>
      %mul3A_1351 = arith.mulf %mul3A_1346, %select_n3A_1322 : vector<16xf32>
      %mul3A_1352 = arith.mulf %select_n3A_1321, %sub3A_1350 : vector<16xf32>
      %gt3A_1353 = arith.cmpf ogt, %mul3A_1351, %mul3A_1352 : vector<16xf32>
      %select_n3A_1354 = arith.select %gt3A_1353, %mul3A_1346, %select_n3A_1321 : vector<16xi1>, vector<16xf32>
      %select_n3A_1355 = arith.select %gt3A_1353, %sub3A_1350, %select_n3A_1322 : vector<16xi1>, vector<16xf32>
      %jit3A_1356 = arith.constant 25 : i32
      %broadcast_in_dim3A_1357 = vector.broadcast %jit3A_1356 : i32 to vector<16xi32>
      %select_n3A_1358 = arith.select %gt3A_1353, %broadcast_in_dim3A_1357, %select_n3A_1325 : vector<16xi1>, vector<16xi32>
      %get3A_1359 = arith.constant 416 : index
      %get3A_1360 = tpu.vector_load %arg20[%get3A_1359] {strides = array<i32>} : memref<512xf32, #tpu.memory_space<vmem>>, vector<16xf32>,
      %min3A_1361 = arith.minimumf %get3A_493, %get3A_1360 : vector<16xf32>
      %get3A_1362 = arith.constant 416 : index
      %get3A_1363 = tpu.vector_load %arg18[%get3A_1362] {strides = array<i32>} : memref<512xf32, #tpu.memory_space<vmem>>, vector<16xf32>,
      %max3A_1364 = arith.maximumf %get3A_489, %get3A_1363 : vector<16xf32>
      %sub3A_1365 = arith.subf %min3A_1361, %max3A_1364 : vector<16xf32>
      %get3A_1366 = arith.constant 416 : index
      %get3A_1367 = tpu.vector_load %arg21[%get3A_1366] {strides = array<i32>} : memref<512xf32, #tpu.memory_space<vmem>>, vector<16xf32>,
      %min3A_1368 = arith.minimumf %get3A_495, %get3A_1367 : vector<16xf32>
      %get3A_1369 = arith.constant 416 : index
      %get3A_1370 = tpu.vector_load %arg19[%get3A_1369] {strides = array<i32>} : memref<512xf32, #tpu.memory_space<vmem>>, vector<16xf32>,
      %max3A_1371 = arith.maximumf %get3A_491, %get3A_1370 : vector<16xf32>
      %sub3A_1372 = arith.subf %min3A_1368, %max3A_1371 : vector<16xf32>
      %max3A_1373 = arith.constant 0.000000e+00 : f32
      %max3A_1374 = vector.broadcast %max3A_1373 : f32 to vector<16xf32>
      %max3A_1375 = arith.maximumf %sub3A_1365, %max3A_1374 : vector<16xf32>
      %max3A_1376 = arith.constant 0.000000e+00 : f32
      %max3A_1377 = vector.broadcast %max3A_1376 : f32 to vector<16xf32>
      %max3A_1378 = arith.maximumf %sub3A_1372, %max3A_1377 : vector<16xf32>
      %mul3A_1379 = arith.mulf %max3A_1375, %max3A_1378 : vector<16xf32>
      %get3A_1380 = arith.constant 416 : index
      %get3A_1381 = tpu.vector_load %arg22[%get3A_1380] {strides = array<i32>} : memref<512xf32, #tpu.memory_space<vmem>>, vector<16xf32>,
      %add3A_1382 = arith.addf %mul3A_498, %get3A_1381 : vector<16xf32>
      %sub3A_1383 = arith.subf %add3A_1382, %mul3A_1379 : vector<16xf32>
      %mul3A_1384 = arith.mulf %mul3A_1379, %select_n3A_1355 : vector<16xf32>
      %mul3A_1385 = arith.mulf %select_n3A_1354, %sub3A_1383 : vector<16xf32>
      %gt3A_1386 = arith.cmpf ogt, %mul3A_1384, %mul3A_1385 : vector<16xf32>
      %select_n3A_1387 = arith.select %gt3A_1386, %mul3A_1379, %select_n3A_1354 : vector<16xi1>, vector<16xf32>
      %select_n3A_1388 = arith.select %gt3A_1386, %sub3A_1383, %select_n3A_1355 : vector<16xi1>, vector<16xf32>
      %jit3A_1389 = arith.constant 26 : i32
      %broadcast_in_dim3A_1390 = vector.broadcast %jit3A_1389 : i32 to vector<16xi32>
      %select_n3A_1391 = arith.select %gt3A_1386, %broadcast_in_dim3A_1390, %select_n3A_1358 : vector<16xi1>, vector<16xi32>
      %get3A_1392 = arith.constant 432 : index
      %get3A_1393 = tpu.vector_load %arg20[%get3A_1392] {strides = array<i32>} : memref<512xf32, #tpu.memory_space<vmem>>, vector<16xf32>,
      %min3A_1394 = arith.minimumf %get3A_493, %get3A_1393 : vector<16xf32>
      %get3A_1395 = arith.constant 432 : index
      %get3A_1396 = tpu.vector_load %arg18[%get3A_1395] {strides = array<i32>} : memref<512xf32, #tpu.memory_space<vmem>>, vector<16xf32>,
      %max3A_1397 = arith.maximumf %get3A_489, %get3A_1396 : vector<16xf32>
      %sub3A_1398 = arith.subf %min3A_1394, %max3A_1397 : vector<16xf32>
      %get3A_1399 = arith.constant 432 : index
      %get3A_1400 = tpu.vector_load %arg21[%get3A_1399] {strides = array<i32>} : memref<512xf32, #tpu.memory_space<vmem>>, vector<16xf32>,
      %min3A_1401 = arith.minimumf %get3A_495, %get3A_1400 : vector<16xf32>
      %get3A_1402 = arith.constant 432 : index
      %get3A_1403 = tpu.vector_load %arg19[%get3A_1402] {strides = array<i32>} : memref<512xf32, #tpu.memory_space<vmem>>, vector<16xf32>,
      %max3A_1404 = arith.maximumf %get3A_491, %get3A_1403 : vector<16xf32>
      %sub3A_1405 = arith.subf %min3A_1401, %max3A_1404 : vector<16xf32>
      %max3A_1406 = arith.constant 0.000000e+00 : f32
      %max3A_1407 = vector.broadcast %max3A_1406 : f32 to vector<16xf32>
      %max3A_1408 = arith.maximumf %sub3A_1398, %max3A_1407 : vector<16xf32>
      %max3A_1409 = arith.constant 0.000000e+00 : f32
      %max3A_1410 = vector.broadcast %max3A_1409 : f32 to vector<16xf32>
      %max3A_1411 = arith.maximumf %sub3A_1405, %max3A_1410 : vector<16xf32>
      %mul3A_1412 = arith.mulf %max3A_1408, %max3A_1411 : vector<16xf32>
      %get3A_1413 = arith.constant 432 : index
      %get3A_1414 = tpu.vector_load %arg22[%get3A_1413] {strides = array<i32>} : memref<512xf32, #tpu.memory_space<vmem>>, vector<16xf32>,
      %add3A_1415 = arith.addf %mul3A_498, %get3A_1414 : vector<16xf32>
      %sub3A_1416 = arith.subf %add3A_1415, %mul3A_1412 : vector<16xf32>
      %mul3A_1417 = arith.mulf %mul3A_1412, %select_n3A_1388 : vector<16xf32>
      %mul3A_1418 = arith.mulf %select_n3A_1387, %sub3A_1416 : vector<16xf32>
      %gt3A_1419 = arith.cmpf ogt, %mul3A_1417, %mul3A_1418 : vector<16xf32>
      %select_n3A_1420 = arith.select %gt3A_1419, %mul3A_1412, %select_n3A_1387 : vector<16xi1>, vector<16xf32>
      %select_n3A_1421 = arith.select %gt3A_1419, %sub3A_1416, %select_n3A_1388 : vector<16xi1>, vector<16xf32>
      %jit3A_1422 = arith.constant 27 : i32
      %broadcast_in_dim3A_1423 = vector.broadcast %jit3A_1422 : i32 to vector<16xi32>
      %select_n3A_1424 = arith.select %gt3A_1419, %broadcast_in_dim3A_1423, %select_n3A_1391 : vector<16xi1>, vector<16xi32>
      %get3A_1425 = arith.constant 448 : index
      %get3A_1426 = tpu.vector_load %arg20[%get3A_1425] {strides = array<i32>} : memref<512xf32, #tpu.memory_space<vmem>>, vector<16xf32>,
      %min3A_1427 = arith.minimumf %get3A_493, %get3A_1426 : vector<16xf32>
      %get3A_1428 = arith.constant 448 : index
      %get3A_1429 = tpu.vector_load %arg18[%get3A_1428] {strides = array<i32>} : memref<512xf32, #tpu.memory_space<vmem>>, vector<16xf32>,
      %max3A_1430 = arith.maximumf %get3A_489, %get3A_1429 : vector<16xf32>
      %sub3A_1431 = arith.subf %min3A_1427, %max3A_1430 : vector<16xf32>
      %get3A_1432 = arith.constant 448 : index
      %get3A_1433 = tpu.vector_load %arg21[%get3A_1432] {strides = array<i32>} : memref<512xf32, #tpu.memory_space<vmem>>, vector<16xf32>,
      %min3A_1434 = arith.minimumf %get3A_495, %get3A_1433 : vector<16xf32>
      %get3A_1435 = arith.constant 448 : index
      %get3A_1436 = tpu.vector_load %arg19[%get3A_1435] {strides = array<i32>} : memref<512xf32, #tpu.memory_space<vmem>>, vector<16xf32>,
      %max3A_1437 = arith.maximumf %get3A_491, %get3A_1436 : vector<16xf32>
      %sub3A_1438 = arith.subf %min3A_1434, %max3A_1437 : vector<16xf32>
      %max3A_1439 = arith.constant 0.000000e+00 : f32
      %max3A_1440 = vector.broadcast %max3A_1439 : f32 to vector<16xf32>
      %max3A_1441 = arith.maximumf %sub3A_1431, %max3A_1440 : vector<16xf32>
      %max3A_1442 = arith.constant 0.000000e+00 : f32
      %max3A_1443 = vector.broadcast %max3A_1442 : f32 to vector<16xf32>
      %max3A_1444 = arith.maximumf %sub3A_1438, %max3A_1443 : vector<16xf32>
      %mul3A_1445 = arith.mulf %max3A_1441, %max3A_1444 : vector<16xf32>
      %get3A_1446 = arith.constant 448 : index
      %get3A_1447 = tpu.vector_load %arg22[%get3A_1446] {strides = array<i32>} : memref<512xf32, #tpu.memory_space<vmem>>, vector<16xf32>,
      %add3A_1448 = arith.addf %mul3A_498, %get3A_1447 : vector<16xf32>
      %sub3A_1449 = arith.subf %add3A_1448, %mul3A_1445 : vector<16xf32>
      %mul3A_1450 = arith.mulf %mul3A_1445, %select_n3A_1421 : vector<16xf32>
      %mul3A_1451 = arith.mulf %select_n3A_1420, %sub3A_1449 : vector<16xf32>
      %gt3A_1452 = arith.cmpf ogt, %mul3A_1450, %mul3A_1451 : vector<16xf32>
      %select_n3A_1453 = arith.select %gt3A_1452, %mul3A_1445, %select_n3A_1420 : vector<16xi1>, vector<16xf32>
      %select_n3A_1454 = arith.select %gt3A_1452, %sub3A_1449, %select_n3A_1421 : vector<16xi1>, vector<16xf32>
      %jit3A_1455 = arith.constant 28 : i32
      %broadcast_in_dim3A_1456 = vector.broadcast %jit3A_1455 : i32 to vector<16xi32>
      %select_n3A_1457 = arith.select %gt3A_1452, %broadcast_in_dim3A_1456, %select_n3A_1424 : vector<16xi1>, vector<16xi32>
      %get3A_1458 = arith.constant 464 : index
      %get3A_1459 = tpu.vector_load %arg20[%get3A_1458] {strides = array<i32>} : memref<512xf32, #tpu.memory_space<vmem>>, vector<16xf32>,
      %min3A_1460 = arith.minimumf %get3A_493, %get3A_1459 : vector<16xf32>
      %get3A_1461 = arith.constant 464 : index
      %get3A_1462 = tpu.vector_load %arg18[%get3A_1461] {strides = array<i32>} : memref<512xf32, #tpu.memory_space<vmem>>, vector<16xf32>,
      %max3A_1463 = arith.maximumf %get3A_489, %get3A_1462 : vector<16xf32>
      %sub3A_1464 = arith.subf %min3A_1460, %max3A_1463 : vector<16xf32>
      %get3A_1465 = arith.constant 464 : index
      %get3A_1466 = tpu.vector_load %arg21[%get3A_1465] {strides = array<i32>} : memref<512xf32, #tpu.memory_space<vmem>>, vector<16xf32>,
      %min3A_1467 = arith.minimumf %get3A_495, %get3A_1466 : vector<16xf32>
      %get3A_1468 = arith.constant 464 : index
      %get3A_1469 = tpu.vector_load %arg19[%get3A_1468] {strides = array<i32>} : memref<512xf32, #tpu.memory_space<vmem>>, vector<16xf32>,
      %max3A_1470 = arith.maximumf %get3A_491, %get3A_1469 : vector<16xf32>
      %sub3A_1471 = arith.subf %min3A_1467, %max3A_1470 : vector<16xf32>
      %max3A_1472 = arith.constant 0.000000e+00 : f32
      %max3A_1473 = vector.broadcast %max3A_1472 : f32 to vector<16xf32>
      %max3A_1474 = arith.maximumf %sub3A_1464, %max3A_1473 : vector<16xf32>
      %max3A_1475 = arith.constant 0.000000e+00 : f32
      %max3A_1476 = vector.broadcast %max3A_1475 : f32 to vector<16xf32>
      %max3A_1477 = arith.maximumf %sub3A_1471, %max3A_1476 : vector<16xf32>
      %mul3A_1478 = arith.mulf %max3A_1474, %max3A_1477 : vector<16xf32>
      %get3A_1479 = arith.constant 464 : index
      %get3A_1480 = tpu.vector_load %arg22[%get3A_1479] {strides = array<i32>} : memref<512xf32, #tpu.memory_space<vmem>>, vector<16xf32>,
      %add3A_1481 = arith.addf %mul3A_498, %get3A_1480 : vector<16xf32>
      %sub3A_1482 = arith.subf %add3A_1481, %mul3A_1478 : vector<16xf32>
      %mul3A_1483 = arith.mulf %mul3A_1478, %select_n3A_1454 : vector<16xf32>
      %mul3A_1484 = arith.mulf %select_n3A_1453, %sub3A_1482 : vector<16xf32>
      %gt3A_1485 = arith.cmpf ogt, %mul3A_1483, %mul3A_1484 : vector<16xf32>
      %select_n3A_1486 = arith.select %gt3A_1485, %mul3A_1478, %select_n3A_1453 : vector<16xi1>, vector<16xf32>
      %select_n3A_1487 = arith.select %gt3A_1485, %sub3A_1482, %select_n3A_1454 : vector<16xi1>, vector<16xf32>
      %jit3A_1488 = arith.constant 29 : i32
      %broadcast_in_dim3A_1489 = vector.broadcast %jit3A_1488 : i32 to vector<16xi32>
      %select_n3A_1490 = arith.select %gt3A_1485, %broadcast_in_dim3A_1489, %select_n3A_1457 : vector<16xi1>, vector<16xi32>
      %get3A_1491 = arith.constant 480 : index
      %get3A_1492 = tpu.vector_load %arg20[%get3A_1491] {strides = array<i32>} : memref<512xf32, #tpu.memory_space<vmem>>, vector<16xf32>,
      %min3A_1493 = arith.minimumf %get3A_493, %get3A_1492 : vector<16xf32>
      %get3A_1494 = arith.constant 480 : index
      %get3A_1495 = tpu.vector_load %arg18[%get3A_1494] {strides = array<i32>} : memref<512xf32, #tpu.memory_space<vmem>>, vector<16xf32>,
      %max3A_1496 = arith.maximumf %get3A_489, %get3A_1495 : vector<16xf32>
      %sub3A_1497 = arith.subf %min3A_1493, %max3A_1496 : vector<16xf32>
      %get3A_1498 = arith.constant 480 : index
      %get3A_1499 = tpu.vector_load %arg21[%get3A_1498] {strides = array<i32>} : memref<512xf32, #tpu.memory_space<vmem>>, vector<16xf32>,
      %min3A_1500 = arith.minimumf %get3A_495, %get3A_1499 : vector<16xf32>
      %get3A_1501 = arith.constant 480 : index
      %get3A_1502 = tpu.vector_load %arg19[%get3A_1501] {strides = array<i32>} : memref<512xf32, #tpu.memory_space<vmem>>, vector<16xf32>,
      %max3A_1503 = arith.maximumf %get3A_491, %get3A_1502 : vector<16xf32>
      %sub3A_1504 = arith.subf %min3A_1500, %max3A_1503 : vector<16xf32>
      %max3A_1505 = arith.constant 0.000000e+00 : f32
      %max3A_1506 = vector.broadcast %max3A_1505 : f32 to vector<16xf32>
      %max3A_1507 = arith.maximumf %sub3A_1497, %max3A_1506 : vector<16xf32>
      %max3A_1508 = arith.constant 0.000000e+00 : f32
      %max3A_1509 = vector.broadcast %max3A_1508 : f32 to vector<16xf32>
      %max3A_1510 = arith.maximumf %sub3A_1504, %max3A_1509 : vector<16xf32>
      %mul3A_1511 = arith.mulf %max3A_1507, %max3A_1510 : vector<16xf32>
      %get3A_1512 = arith.constant 480 : index
      %get3A_1513 = tpu.vector_load %arg22[%get3A_1512] {strides = array<i32>} : memref<512xf32, #tpu.memory_space<vmem>>, vector<16xf32>,
      %add3A_1514 = arith.addf %mul3A_498, %get3A_1513 : vector<16xf32>
      %sub3A_1515 = arith.subf %add3A_1514, %mul3A_1511 : vector<16xf32>
      %mul3A_1516 = arith.mulf %mul3A_1511, %select_n3A_1487 : vector<16xf32>
      %mul3A_1517 = arith.mulf %select_n3A_1486, %sub3A_1515 : vector<16xf32>
      %gt3A_1518 = arith.cmpf ogt, %mul3A_1516, %mul3A_1517 : vector<16xf32>
      %select_n3A_1519 = arith.select %gt3A_1518, %mul3A_1511, %select_n3A_1486 : vector<16xi1>, vector<16xf32>
      %select_n3A_1520 = arith.select %gt3A_1518, %sub3A_1515, %select_n3A_1487 : vector<16xi1>, vector<16xf32>
      %jit3A_1521 = arith.constant 30 : i32
      %broadcast_in_dim3A_1522 = vector.broadcast %jit3A_1521 : i32 to vector<16xi32>
      %select_n3A_1523 = arith.select %gt3A_1518, %broadcast_in_dim3A_1522, %select_n3A_1490 : vector<16xi1>, vector<16xi32>
      %get3A_1524 = arith.constant 496 : index
      %get3A_1525 = tpu.vector_load %arg20[%get3A_1524] {strides = array<i32>} : memref<512xf32, #tpu.memory_space<vmem>>, vector<16xf32>,
      %min3A_1526 = arith.minimumf %get3A_493, %get3A_1525 : vector<16xf32>
      %get3A_1527 = arith.constant 496 : index
      %get3A_1528 = tpu.vector_load %arg18[%get3A_1527] {strides = array<i32>} : memref<512xf32, #tpu.memory_space<vmem>>, vector<16xf32>,
      %max3A_1529 = arith.maximumf %get3A_489, %get3A_1528 : vector<16xf32>
      %sub3A_1530 = arith.subf %min3A_1526, %max3A_1529 : vector<16xf32>
      %get3A_1531 = arith.constant 496 : index
      %get3A_1532 = tpu.vector_load %arg21[%get3A_1531] {strides = array<i32>} : memref<512xf32, #tpu.memory_space<vmem>>, vector<16xf32>,
      %min3A_1533 = arith.minimumf %get3A_495, %get3A_1532 : vector<16xf32>
      %get3A_1534 = arith.constant 496 : index
      %get3A_1535 = tpu.vector_load %arg19[%get3A_1534] {strides = array<i32>} : memref<512xf32, #tpu.memory_space<vmem>>, vector<16xf32>,
      %max3A_1536 = arith.maximumf %get3A_491, %get3A_1535 : vector<16xf32>
      %sub3A_1537 = arith.subf %min3A_1533, %max3A_1536 : vector<16xf32>
      %max3A_1538 = arith.constant 0.000000e+00 : f32
      %max3A_1539 = vector.broadcast %max3A_1538 : f32 to vector<16xf32>
      %max3A_1540 = arith.maximumf %sub3A_1530, %max3A_1539 : vector<16xf32>
      %max3A_1541 = arith.constant 0.000000e+00 : f32
      %max3A_1542 = vector.broadcast %max3A_1541 : f32 to vector<16xf32>
      %max3A_1543 = arith.maximumf %sub3A_1537, %max3A_1542 : vector<16xf32>
      %mul3A_1544 = arith.mulf %max3A_1540, %max3A_1543 : vector<16xf32>
      %get3A_1545 = arith.constant 496 : index
      %get3A_1546 = tpu.vector_load %arg22[%get3A_1545] {strides = array<i32>} : memref<512xf32, #tpu.memory_space<vmem>>, vector<16xf32>,
      %add3A_1547 = arith.addf %mul3A_498, %get3A_1546 : vector<16xf32>
      %sub3A_1548 = arith.subf %add3A_1547, %mul3A_1544 : vector<16xf32>
      %mul3A_1549 = arith.mulf %mul3A_1544, %select_n3A_1520 : vector<16xf32>
      %mul3A_1550 = arith.mulf %select_n3A_1519, %sub3A_1548 : vector<16xf32>
      %gt3A_1551 = arith.cmpf ogt, %mul3A_1549, %mul3A_1550 : vector<16xf32>
      %select_n3A_1552 = arith.select %gt3A_1551, %mul3A_1544, %select_n3A_1519 : vector<16xi1>, vector<16xf32>
      %select_n3A_1553 = arith.select %gt3A_1551, %sub3A_1548, %select_n3A_1520 : vector<16xi1>, vector<16xf32>
      %jit3A_1554 = arith.constant 31 : i32
      %broadcast_in_dim3A_1555 = vector.broadcast %jit3A_1554 : i32 to vector<16xi32>
      %select_n3A_1556 = arith.select %gt3A_1551, %broadcast_in_dim3A_1555, %select_n3A_1523 : vector<16xi1>, vector<16xi32>
      %mul3A_1557 = arith.constant 5.000000e-01 : f32
      %mul3A_1558 = vector.broadcast %mul3A_1557 : f32 to vector<16xf32>
      %mul3A_1559 = arith.mulf %mul3A_1558, %select_n3A_1553 : vector<16xf32>
      %ge3A = arith.cmpf oge, %select_n3A_1552, %mul3A_1559 : vector<16xf32>
      %jit3A_1560 = arith.constant 1.000000e+00 : f32
      %jit3A_1561 = arith.constant 0.000000e+00 : f32
      %broadcast_in_dim3A_1562 = vector.broadcast %jit3A_1560 : f32 to vector<16xf32>
      %broadcast_in_dim3A_1563 = vector.broadcast %jit3A_1561 : f32 to vector<16xf32>
      %select_n3A_1564 = arith.select %ge3A, %broadcast_in_dim3A_1562, %broadcast_in_dim3A_1563 : vector<16xi1>, vector<16xf32>
      %mul3A_1565 = arith.constant 16 : i32
      %mul3A_1566 = vector.broadcast %mul3A_1565 : i32 to vector<16xi32>
      %mul3A_1567 = arith.muli %select_n3A_1556, %mul3A_1566 : vector<16xi32>
      %add3A_1568 = arith.addi %mul3A_1567, %iota3A : vector<16xi32>
      %gather3A = tpu.vector_load_idx %arg18[%add3A_1568] : memref<512xf32, #tpu.memory_space<vmem>>[vector<16xi32>], vector<16xf32>,
      %gather3A_1569 = tpu.vector_load_idx %arg19[%add3A_1568] : memref<512xf32, #tpu.memory_space<vmem>>[vector<16xi32>], vector<16xf32>,
      %gather3A_1570 = tpu.vector_load_idx %arg20[%add3A_1568] : memref<512xf32, #tpu.memory_space<vmem>>[vector<16xi32>], vector<16xf32>,
      %gather3A_1571 = tpu.vector_load_idx %arg21[%add3A_1568] : memref<512xf32, #tpu.memory_space<vmem>>[vector<16xi32>], vector<16xf32>,
      %gather3A_1572 = tpu.vector_load_idx %arg23[%add3A_1568] : memref<512xf32, #tpu.memory_space<vmem>>[vector<16xi32>], vector<16xf32>,
      %sub3A_1573 = arith.subf %gather3A_1570, %gather3A : vector<16xf32>
      %sub3A_1574 = arith.subf %gather3A_1571, %gather3A_1569 : vector<16xf32>
      %mul3A_1575 = arith.constant 5.000000e-01 : f32
      %mul3A_1576 = vector.broadcast %mul3A_1575 : f32 to vector<16xf32>
      %mul3A_1577 = arith.mulf %mul3A_1576, %sub3A_1573 : vector<16xf32>
      %add3A_1578 = arith.addf %gather3A, %mul3A_1577 : vector<16xf32>
      %mul3A_1579 = arith.constant 5.000000e-01 : f32
      %mul3A_1580 = vector.broadcast %mul3A_1579 : f32 to vector<16xf32>
      %mul3A_1581 = arith.mulf %mul3A_1580, %sub3A_1574 : vector<16xf32>
      %add3A_1582 = arith.addf %gather3A_1569, %mul3A_1581 : vector<16xf32>
      %mul3A_1583 = arith.constant 5.000000e-01 : f32
      %mul3A_1584 = vector.broadcast %mul3A_1583 : f32 to vector<16xf32>
      %mul3A_1585 = arith.mulf %mul3A_1584, %sub3A_496 : vector<16xf32>
      %add3A_1586 = arith.addf %get3A_489, %mul3A_1585 : vector<16xf32>
      %mul3A_1587 = arith.constant 5.000000e-01 : f32
      %mul3A_1588 = vector.broadcast %mul3A_1587 : f32 to vector<16xf32>
      %mul3A_1589 = arith.mulf %mul3A_1588, %sub3A_497 : vector<16xf32>
      %add3A_1590 = arith.addf %get3A_491, %mul3A_1589 : vector<16xf32>
      %sub3A_1591 = arith.subf %add3A_1578, %add3A_1586 : vector<16xf32>
      %div3A_1592 = arith.divf %sub3A_1591, %sub3A_496 : vector<16xf32>
      %mul3A_1593 = arith.constant 1.000000e+01 : f32
      %mul3A_1594 = vector.broadcast %mul3A_1593 : f32 to vector<16xf32>
      %mul3A_1595 = arith.mulf %div3A_1592, %mul3A_1594 : vector<16xf32>
      %sub3A_1596 = arith.subf %add3A_1582, %add3A_1590 : vector<16xf32>
      %div3A_1597 = arith.divf %sub3A_1596, %sub3A_497 : vector<16xf32>
      %mul3A_1598 = arith.constant 1.000000e+01 : f32
      %mul3A_1599 = vector.broadcast %mul3A_1598 : f32 to vector<16xf32>
      %mul3A_1600 = arith.mulf %div3A_1597, %mul3A_1599 : vector<16xf32>
      %max3A_1601 = arith.constant 1.000000e+00 : f32
      %max3A_1602 = vector.broadcast %max3A_1601 : f32 to vector<16xf32>
      %max3A_1603 = arith.maximumf %sub3A_1573, %max3A_1602 : vector<16xf32>
      %div3A_1604 = arith.divf %max3A_1603, %sub3A_496 : vector<16xf32>
      %max3A_1605 = arith.constant 1.000000e+00 : f32
      %max3A_1606 = vector.broadcast %max3A_1605 : f32 to vector<16xf32>
      %max3A_1607 = arith.maximumf %sub3A_1574, %max3A_1606 : vector<16xf32>
      %div3A_1608 = arith.divf %max3A_1607, %sub3A_497 : vector<16xf32>
      %swap3A_1609 = arith.index_cast %mul3A_487 : i32 to index
      %swap3A_1610 = tpu.vector_load %arg24[%swap3A_1609] {strides = array<i32>} : memref<12288xf32, #tpu.memory_space<vmem>>, vector<16xf32>,
      tpu.vector_store %arg24[%swap3A_1609], %select_n3A_1564 {strides = array<i32>} : memref<12288xf32, #tpu.memory_space<vmem>>, vector<16xf32>,
      %swap3A_1611 = arith.index_cast %mul3A_487 : i32 to index
      %swap3A_1612 = tpu.vector_load %arg25[%swap3A_1611] {strides = array<i32>} : memref<12288xf32, #tpu.memory_space<vmem>>, vector<16xf32>,
      tpu.vector_store %arg25[%swap3A_1611], %gather3A_1572 {strides = array<i32>} : memref<12288xf32, #tpu.memory_space<vmem>>, vector<16xf32>,
      %swap3A_1613 = arith.index_cast %mul3A_487 : i32 to index
      %swap3A_1614 = tpu.vector_load %arg14[%swap3A_1613] {strides = array<i32>} : memref<12288xf32, #tpu.memory_space<vmem>>, vector<16xf32>,
      tpu.vector_store %arg14[%swap3A_1613], %mul3A_1595 {strides = array<i32>} : memref<12288xf32, #tpu.memory_space<vmem>>, vector<16xf32>,
      %swap3A_1615 = arith.index_cast %mul3A_487 : i32 to index
      %swap3A_1616 = tpu.vector_load %arg15[%swap3A_1615] {strides = array<i32>} : memref<12288xf32, #tpu.memory_space<vmem>>, vector<16xf32>,
      tpu.vector_store %arg15[%swap3A_1615], %mul3A_1600 {strides = array<i32>} : memref<12288xf32, #tpu.memory_space<vmem>>, vector<16xf32>,
      %swap3A_1617 = arith.index_cast %mul3A_487 : i32 to index
      %swap3A_1618 = tpu.vector_load %arg16[%swap3A_1617] {strides = array<i32>} : memref<12288xf32, #tpu.memory_space<vmem>>, vector<16xf32>,
      tpu.vector_store %arg16[%swap3A_1617], %div3A_1604 {strides = array<i32>} : memref<12288xf32, #tpu.memory_space<vmem>>, vector<16xf32>,
      %swap3A_1619 = arith.index_cast %mul3A_487 : i32 to index
      %swap3A_1620 = tpu.vector_load %arg17[%swap3A_1619] {strides = array<i32>} : memref<12288xf32, #tpu.memory_space<vmem>>, vector<16xf32>,
      tpu.vector_store %arg17[%swap3A_1619], %div3A_1608 {strides = array<i32>} : memref<12288xf32, #tpu.memory_space<vmem>>, vector<16xf32>,
    }
    %scan3A_453 = arith.constant 768 : i32
    %mul3A_454 = arith.constant 49152 : i32
    %mul3A_455 = arith.muli %select_n3A, %mul3A_454 : i32
    %add3A_456 = arith.addi %mul3A_455, %mul3A_32 : i32
    "tpu.region"() ({
      %run_scoped3A = tpu.sem_alloc : memref<!tpu.dma_semaphore, #tpu.memory_space<semaphore_mem>>
      %dma_start3A = tpu.memref_slice %arg11[%add3A_456] : memref<393216xf32, #tpu.memory_space<hbm>> -> memref<12288xf32, #tpu.memory_space<hbm>>
      %dma_start3A_485 = tpu.memref_slice %arg11[%add3A_456] : memref<393216xf32, #tpu.memory_space<hbm>> -> memref<12288xf32, #tpu.memory_space<hbm>>
      tpu.enqueue_dma source(%arg24 : memref<12288xf32, #tpu.memory_space<vmem>>) target(%dma_start3A_485 : memref<12288xf32, #tpu.memory_space<hbm>>) target_semaphore(%run_scoped3A : memref<!tpu.dma_semaphore, #tpu.memory_space<semaphore_mem>>)
      %dma_wait3A = tpu.memref_slice %arg11[%add3A_456] : memref<393216xf32, #tpu.memory_space<hbm>> -> memref<12288xf32, #tpu.memory_space<hbm>>
      %dma_wait3A_486 = tpu.memref_slice %arg11[%add3A_456] : memref<393216xf32, #tpu.memory_space<hbm>> -> memref<12288xf32, #tpu.memory_space<hbm>>
      tpu.wait_dma2 semaphore(%run_scoped3A : memref<!tpu.dma_semaphore, #tpu.memory_space<semaphore_mem>>) src(%arg24 : memref<12288xf32, #tpu.memory_space<vmem>>) dst(%dma_wait3A_486 : memref<12288xf32, #tpu.memory_space<hbm>>)
      tpu.yield
    }) : () -> ()
    "tpu.region"() ({
      %run_scoped3A = tpu.sem_alloc : memref<!tpu.dma_semaphore, #tpu.memory_space<semaphore_mem>>
      %dma_start3A = tpu.memref_slice %arg12[%add3A_456] : memref<393216xf32, #tpu.memory_space<hbm>> -> memref<12288xf32, #tpu.memory_space<hbm>>
      %dma_start3A_485 = tpu.memref_slice %arg12[%add3A_456] : memref<393216xf32, #tpu.memory_space<hbm>> -> memref<12288xf32, #tpu.memory_space<hbm>>
      tpu.enqueue_dma source(%arg25 : memref<12288xf32, #tpu.memory_space<vmem>>) target(%dma_start3A_485 : memref<12288xf32, #tpu.memory_space<hbm>>) target_semaphore(%run_scoped3A : memref<!tpu.dma_semaphore, #tpu.memory_space<semaphore_mem>>)
      %dma_wait3A = tpu.memref_slice %arg12[%add3A_456] : memref<393216xf32, #tpu.memory_space<hbm>> -> memref<12288xf32, #tpu.memory_space<hbm>>
      %dma_wait3A_486 = tpu.memref_slice %arg12[%add3A_456] : memref<393216xf32, #tpu.memory_space<hbm>> -> memref<12288xf32, #tpu.memory_space<hbm>>
      tpu.wait_dma2 semaphore(%run_scoped3A : memref<!tpu.dma_semaphore, #tpu.memory_space<semaphore_mem>>) src(%arg25 : memref<12288xf32, #tpu.memory_space<vmem>>) dst(%dma_wait3A_486 : memref<12288xf32, #tpu.memory_space<hbm>>)
      tpu.yield
    }) : () -> ()
    %mul3A_457 = arith.constant 4 : i32
    %mul3A_458 = arith.muli %select_n3A, %mul3A_457 : i32
    %add3A_459 = arith.constant 0 : i32
    %add3A_460 = arith.addi %mul3A_458, %add3A_459 : i32
    %mul3A_461 = arith.constant 49152 : i32
    %mul3A_462 = arith.muli %add3A_460, %mul3A_461 : i32
    %add3A_463 = arith.addi %mul3A_462, %mul3A_32 : i32
    "tpu.region"() ({
      %run_scoped3A = tpu.sem_alloc : memref<!tpu.dma_semaphore, #tpu.memory_space<semaphore_mem>>
      %dma_start3A = tpu.memref_slice %arg13[%add3A_463] : memref<1572864xf32, #tpu.memory_space<hbm>> -> memref<12288xf32, #tpu.memory_space<hbm>>
      %dma_start3A_485 = tpu.memref_slice %arg13[%add3A_463] : memref<1572864xf32, #tpu.memory_space<hbm>> -> memref<12288xf32, #tpu.memory_space<hbm>>
      tpu.enqueue_dma source(%arg14 : memref<12288xf32, #tpu.memory_space<vmem>>) target(%dma_start3A_485 : memref<12288xf32, #tpu.memory_space<hbm>>) target_semaphore(%run_scoped3A : memref<!tpu.dma_semaphore, #tpu.memory_space<semaphore_mem>>)
      %dma_wait3A = tpu.memref_slice %arg13[%add3A_463] : memref<1572864xf32, #tpu.memory_space<hbm>> -> memref<12288xf32, #tpu.memory_space<hbm>>
      %dma_wait3A_486 = tpu.memref_slice %arg13[%add3A_463] : memref<1572864xf32, #tpu.memory_space<hbm>> -> memref<12288xf32, #tpu.memory_space<hbm>>
      tpu.wait_dma2 semaphore(%run_scoped3A : memref<!tpu.dma_semaphore, #tpu.memory_space<semaphore_mem>>) src(%arg14 : memref<12288xf32, #tpu.memory_space<vmem>>) dst(%dma_wait3A_486 : memref<12288xf32, #tpu.memory_space<hbm>>)
      tpu.yield
    }) : () -> ()
    %mul3A_464 = arith.constant 4 : i32
    %mul3A_465 = arith.muli %select_n3A, %mul3A_464 : i32
    %add3A_466 = arith.constant 1 : i32
    %add3A_467 = arith.addi %mul3A_465, %add3A_466 : i32
    %mul3A_468 = arith.constant 49152 : i32
    %mul3A_469 = arith.muli %add3A_467, %mul3A_468 : i32
    %add3A_470 = arith.addi %mul3A_469, %mul3A_32 : i32
    "tpu.region"() ({
      %run_scoped3A = tpu.sem_alloc : memref<!tpu.dma_semaphore, #tpu.memory_space<semaphore_mem>>
      %dma_start3A = tpu.memref_slice %arg13[%add3A_470] : memref<1572864xf32, #tpu.memory_space<hbm>> -> memref<12288xf32, #tpu.memory_space<hbm>>
      %dma_start3A_485 = tpu.memref_slice %arg13[%add3A_470] : memref<1572864xf32, #tpu.memory_space<hbm>> -> memref<12288xf32, #tpu.memory_space<hbm>>
      tpu.enqueue_dma source(%arg15 : memref<12288xf32, #tpu.memory_space<vmem>>) target(%dma_start3A_485 : memref<12288xf32, #tpu.memory_space<hbm>>) target_semaphore(%run_scoped3A : memref<!tpu.dma_semaphore, #tpu.memory_space<semaphore_mem>>)
      %dma_wait3A = tpu.memref_slice %arg13[%add3A_470] : memref<1572864xf32, #tpu.memory_space<hbm>> -> memref<12288xf32, #tpu.memory_space<hbm>>
      %dma_wait3A_486 = tpu.memref_slice %arg13[%add3A_470] : memref<1572864xf32, #tpu.memory_space<hbm>> -> memref<12288xf32, #tpu.memory_space<hbm>>
      tpu.wait_dma2 semaphore(%run_scoped3A : memref<!tpu.dma_semaphore, #tpu.memory_space<semaphore_mem>>) src(%arg15 : memref<12288xf32, #tpu.memory_space<vmem>>) dst(%dma_wait3A_486 : memref<12288xf32, #tpu.memory_space<hbm>>)
      tpu.yield
    }) : () -> ()
    %mul3A_471 = arith.constant 4 : i32
    %mul3A_472 = arith.muli %select_n3A, %mul3A_471 : i32
    %add3A_473 = arith.constant 2 : i32
    %add3A_474 = arith.addi %mul3A_472, %add3A_473 : i32
    %mul3A_475 = arith.constant 49152 : i32
    %mul3A_476 = arith.muli %add3A_474, %mul3A_475 : i32
    %add3A_477 = arith.addi %mul3A_476, %mul3A_32 : i32
    "tpu.region"() ({
      %run_scoped3A = tpu.sem_alloc : memref<!tpu.dma_semaphore, #tpu.memory_space<semaphore_mem>>
      %dma_start3A = tpu.memref_slice %arg13[%add3A_477] : memref<1572864xf32, #tpu.memory_space<hbm>> -> memref<12288xf32, #tpu.memory_space<hbm>>
      %dma_start3A_485 = tpu.memref_slice %arg13[%add3A_477] : memref<1572864xf32, #tpu.memory_space<hbm>> -> memref<12288xf32, #tpu.memory_space<hbm>>
      tpu.enqueue_dma source(%arg16 : memref<12288xf32, #tpu.memory_space<vmem>>) target(%dma_start3A_485 : memref<12288xf32, #tpu.memory_space<hbm>>) target_semaphore(%run_scoped3A : memref<!tpu.dma_semaphore, #tpu.memory_space<semaphore_mem>>)
      %dma_wait3A = tpu.memref_slice %arg13[%add3A_477] : memref<1572864xf32, #tpu.memory_space<hbm>> -> memref<12288xf32, #tpu.memory_space<hbm>>
      %dma_wait3A_486 = tpu.memref_slice %arg13[%add3A_477] : memref<1572864xf32, #tpu.memory_space<hbm>> -> memref<12288xf32, #tpu.memory_space<hbm>>
      tpu.wait_dma2 semaphore(%run_scoped3A : memref<!tpu.dma_semaphore, #tpu.memory_space<semaphore_mem>>) src(%arg16 : memref<12288xf32, #tpu.memory_space<vmem>>) dst(%dma_wait3A_486 : memref<12288xf32, #tpu.memory_space<hbm>>)
      tpu.yield
    }) : () -> ()
    %mul3A_478 = arith.constant 4 : i32
    %mul3A_479 = arith.muli %select_n3A, %mul3A_478 : i32
    %add3A_480 = arith.constant 3 : i32
    %add3A_481 = arith.addi %mul3A_479, %add3A_480 : i32
    %mul3A_482 = arith.constant 49152 : i32
    %mul3A_483 = arith.muli %add3A_481, %mul3A_482 : i32
    %add3A_484 = arith.addi %mul3A_483, %mul3A_32 : i32
    "tpu.region"() ({
      %run_scoped3A = tpu.sem_alloc : memref<!tpu.dma_semaphore, #tpu.memory_space<semaphore_mem>>
      %dma_start3A = tpu.memref_slice %arg13[%add3A_484] : memref<1572864xf32, #tpu.memory_space<hbm>> -> memref<12288xf32, #tpu.memory_space<hbm>>
      %dma_start3A_485 = tpu.memref_slice %arg13[%add3A_484] : memref<1572864xf32, #tpu.memory_space<hbm>> -> memref<12288xf32, #tpu.memory_space<hbm>>
      tpu.enqueue_dma source(%arg17 : memref<12288xf32, #tpu.memory_space<vmem>>) target(%dma_start3A_485 : memref<12288xf32, #tpu.memory_space<hbm>>) target_semaphore(%run_scoped3A : memref<!tpu.dma_semaphore, #tpu.memory_space<semaphore_mem>>)
      %dma_wait3A = tpu.memref_slice %arg13[%add3A_484] : memref<1572864xf32, #tpu.memory_space<hbm>> -> memref<12288xf32, #tpu.memory_space<hbm>>
      %dma_wait3A_486 = tpu.memref_slice %arg13[%add3A_484] : memref<1572864xf32, #tpu.memory_space<hbm>> -> memref<12288xf32, #tpu.memory_space<hbm>>
      tpu.wait_dma2 semaphore(%run_scoped3A : memref<!tpu.dma_semaphore, #tpu.memory_space<semaphore_mem>>) src(%arg17 : memref<12288xf32, #tpu.memory_space<vmem>>) dst(%dma_wait3A_486 : memref<12288xf32, #tpu.memory_space<hbm>>)
      tpu.yield
    }) : () -> ()
    return
  }
}

module attributes {stable_mosaic.version = 14 : i64} {
  func.func @_reg_body(%arg0: i32, %arg1: memref<1x4x49152xf32, #tpu.memory_space<vmem>>, %arg2: memref<1x4x49152xf32, #tpu.memory_space<vmem>>, %arg3: memref<1x1x49152xf32, #tpu.memory_space<vmem>>, %arg4: memref<2x8xf32, #tpu.memory_space<vmem>>) attributes {dimension_semantics = [#tpu.dimension_semantics<arbitrary>], iteration_bounds = array<i64: 8>, scalar_prefetch = 0 : i64, scratch_operands = 0 : i64, tpu.core_type = #tpu.core_type<tc>, window_params = [{transform_indices = @transform_0, window_bounds = array<i64: 1, 4, 49152>}, {transform_indices = @transform_1, window_bounds = array<i64: 1, 4, 49152>}, {transform_indices = @transform_2, window_bounds = array<i64: 1, 1, 49152>}, {pipeline_mode = #tpu.pipeline_mode<synchronous>, transform_indices = @transform_3, window_bounds = array<i64: 2, 8>}]} {
    %get3A = arith.constant 0 : index
    %get3A_0 = arith.constant 0 : index
    %get3A_1 = arith.constant 0 : index
    %get3A_2 = vector.load %arg1[%get3A, %get3A_0, %get3A_1] : memref<1x4x49152xf32, #tpu.memory_space<vmem>>, vector<1x4x49152xf32>
    %get3A_3 = vector.shape_cast %get3A_2 : vector<1x4x49152xf32> to vector<4x49152xf32>
    %get3A_4 = arith.constant 0 : index
    %get3A_5 = arith.constant 0 : index
    %get3A_6 = arith.constant 0 : index
    %get3A_7 = vector.load %arg2[%get3A_4, %get3A_5, %get3A_6] : memref<1x4x49152xf32, #tpu.memory_space<vmem>>, vector<1x4x49152xf32>
    %get3A_8 = vector.shape_cast %get3A_7 : vector<1x4x49152xf32> to vector<4x49152xf32>
    %get3A_9 = arith.constant 0 : index
    %get3A_10 = arith.constant 0 : index
    %get3A_11 = arith.constant 0 : index
    %get3A_12 = vector.load %arg3[%get3A_9, %get3A_10, %get3A_11] : memref<1x1x49152xf32, #tpu.memory_space<vmem>>, vector<1x1x49152xf32>
    %get3A_13 = vector.shape_cast %get3A_12 : vector<1x1x49152xf32> to vector<1x49152xf32>
    %iota3A = tpu.iota {dimensions = array<i32: 0>} : vector<4x1xi32>
    %lt3A = arith.constant 2 : i32
    %lt3A_14 = vector.broadcast %lt3A : i32 to vector<4x1xi32>
    %lt3A_15 = arith.cmpi slt, %iota3A, %lt3A_14 : vector<4x1xi32>
    %log3A = math.log %get3A_3 : vector<4x49152xf32>
    %mul3A = arith.constant 5.000000e+00 : f32
    %mul3A_16 = vector.broadcast %mul3A : f32 to vector<4x49152xf32>
    %mul3A_17 = arith.mulf %mul3A_16, %log3A : vector<4x49152xf32>
    %broadcast_in_dim3A = vector.shape_cast %lt3A_15 : vector<4x1xi1> to vector<4x1xi1>
    %broadcast_in_dim3A_18 = vector.broadcast %broadcast_in_dim3A : vector<4x1xi1> to vector<4x49152xi1>
    %select_n3A = arith.select %broadcast_in_dim3A_18, %get3A_3, %mul3A_17 : vector<4x49152xi1>, vector<4x49152xf32>
    %sub3A = arith.subf %select_n3A, %get3A_8 : vector<4x49152xf32>
    %abs3A = math.absf %sub3A : vector<4x49152xf32>
    %le3A = arith.constant 0.111111112 : f32
    %le3A_19 = vector.broadcast %le3A : f32 to vector<4x49152xf32>
    %le3A_20 = arith.cmpf ole, %abs3A, %le3A_19 : vector<4x49152xf32>
    %mul3A_21 = arith.constant 4.500000e+00 : f32
    %mul3A_22 = vector.broadcast %mul3A_21 : f32 to vector<4x49152xf32>
    %mul3A_23 = arith.mulf %mul3A_22, %abs3A : vector<4x49152xf32>
    %mul3A_24 = arith.mulf %mul3A_23, %abs3A : vector<4x49152xf32>
    %sub3A_25 = arith.constant 0.055555556 : f32
    %sub3A_26 = vector.broadcast %sub3A_25 : f32 to vector<4x49152xf32>
    %sub3A_27 = arith.subf %abs3A, %sub3A_26 : vector<4x49152xf32>
    %select_n3A_28 = arith.select %le3A_20, %mul3A_24, %sub3A_27 : vector<4x49152xi1>, vector<4x49152xf32>
    %mul3A_29 = vector.broadcast %get3A_13 : vector<1x49152xf32> to vector<4x49152xf32>
    %mul3A_30 = arith.mulf %select_n3A_28, %mul3A_29 : vector<4x49152xf32>
    %reduce_sum3A = vector.shape_cast %mul3A_30 : vector<4x49152xf32> to vector<1x4x49152xf32>
    %reduce_sum3A_31 = arith.constant dense<0.000000e+00> : vector<1xf32>
    %reduce_sum3A_32 = vector.multi_reduction <add>, %reduce_sum3A, %reduce_sum3A_31 [1, 2] : vector<1x4x49152xf32> to vector<1xf32>
    %reduce_sum3A_33 = vector.shape_cast %reduce_sum3A_32 : vector<1xf32> to vector<1x1x1xf32>
    %reduce_sum3A_34 = vector.extract %reduce_sum3A_33[0, 0, 0] : f32 from vector<1x1x1xf32>
    %reduce_sum3A_35 = vector.shape_cast %get3A_13 : vector<1x49152xf32> to vector<1x1x49152xf32>
    %reduce_sum3A_36 = arith.constant dense<0.000000e+00> : vector<1xf32>
    %reduce_sum3A_37 = vector.multi_reduction <add>, %reduce_sum3A_35, %reduce_sum3A_36 [1, 2] : vector<1x1x49152xf32> to vector<1xf32>
    %reduce_sum3A_38 = vector.shape_cast %reduce_sum3A_37 : vector<1xf32> to vector<1x1x1xf32>
    %reduce_sum3A_39 = vector.extract %reduce_sum3A_38[0, 0, 0] : f32 from vector<1x1x1xf32>
    %eq3A = arith.constant 0 : i32
    %eq3A_40 = arith.cmpi eq, %arg0, %eq3A : i32
    %convert_element_type3A = arith.extui %eq3A_40 : i1 to i32
    %cond3A = arith.constant 0 : i32
    %cond3A_41 = arith.cmpi ne, %convert_element_type3A, %cond3A : i32
    scf.if %cond3A_41 {
      %broadcast_in_dim3A_54 = arith.constant 0.000000e+00 : f32
      %broadcast_in_dim3A_55 = vector.broadcast %broadcast_in_dim3A_54 : f32 to vector<2x8xf32>
      %swap3A_56 = arith.constant 0 : index
      %swap3A_57 = arith.constant 0 : index
      %swap3A_58 = vector.load %arg4[%swap3A_56, %swap3A_57] : memref<2x8xf32, #tpu.memory_space<vmem>>, vector<2x8xf32>
      tpu.vector_store %arg4[%swap3A_56, %swap3A_57], %broadcast_in_dim3A_55 {strides = array<i32>} : memref<2x8xf32, #tpu.memory_space<vmem>>, vector<2x8xf32>,
    } else {
    }
    %iota3A_42 = tpu.iota {dimensions = array<i32: 1>} : vector<2x8xi32>
    %eq3A_43 = vector.broadcast %arg0 : i32 to vector<2x8xi32>
    %eq3A_44 = arith.cmpi eq, %iota3A_42, %eq3A_43 : vector<2x8xi32>
    %broadcast_in_dim3A_45 = vector.broadcast %reduce_sum3A_34 : f32 to vector<1x8xf32>
    %broadcast_in_dim3A_46 = vector.broadcast %reduce_sum3A_39 : f32 to vector<1x8xf32>
    %concatenate3A = tpu.concatenate %broadcast_in_dim3A_45, %broadcast_in_dim3A_46 in 0 : vector<1x8xf32>, vector<1x8xf32> -> vector<2x8xf32>
    %get3A_47 = arith.constant 0 : index
    %get3A_48 = arith.constant 0 : index
    %get3A_49 = vector.load %arg4[%get3A_47, %get3A_48] : memref<2x8xf32, #tpu.memory_space<vmem>>, vector<2x8xf32>
    %jit3A = arith.constant 0.000000e+00 : f32
    %broadcast_in_dim3A_50 = vector.broadcast %jit3A : f32 to vector<2x8xf32>
    %select_n3A_51 = arith.select %eq3A_44, %concatenate3A, %broadcast_in_dim3A_50 : vector<2x8xi1>, vector<2x8xf32>
    %add3A = arith.addf %get3A_49, %select_n3A_51 : vector<2x8xf32>
    %swap3A = arith.constant 0 : index
    %swap3A_52 = arith.constant 0 : index
    %swap3A_53 = vector.load %arg4[%swap3A, %swap3A_52] : memref<2x8xf32, #tpu.memory_space<vmem>>, vector<2x8xf32>
    tpu.vector_store %arg4[%swap3A, %swap3A_52], %add3A {strides = array<i32>} : memref<2x8xf32, #tpu.memory_space<vmem>>, vector<2x8xf32>,
    return
  }
  func.func @transform_0(%arg0: i32) -> (i32, i32, i32) {
    %c0_i32 = arith.constant 0 : i32
    %c0_i32_0 = arith.constant 0 : i32
    %c0_i32_1 = arith.constant 0 : i32
    return %arg0, %c0_i32, %c0_i32_0 : i32, i32, i32
  }
  func.func @transform_1(%arg0: i32) -> (i32, i32, i32) {
    %c0_i32 = arith.constant 0 : i32
    %c0_i32_0 = arith.constant 0 : i32
    %c0_i32_1 = arith.constant 0 : i32
    return %arg0, %c0_i32, %c0_i32_0 : i32, i32, i32
  }
  func.func @transform_2(%arg0: i32) -> (i32, i32, i32) {
    %c0_i32 = arith.constant 0 : i32
    %c0_i32_0 = arith.constant 0 : i32
    %c0_i32_1 = arith.constant 0 : i32
    return %arg0, %c0_i32, %c0_i32_0 : i32, i32, i32
  }
  func.func @transform_3(%arg0: i32) -> (i32, i32) {
    %c0_i32 = arith.constant 0 : i32
    %c0_i32_0 = arith.constant 0 : i32
    %c0_i32_1 = arith.constant 0 : i32
    return %c0_i32, %c0_i32_0 : i32, i32
  }
}

module attributes {stable_mosaic.version = 14 : i64} {
  func.func @_focal_body(%arg0: i32, %arg1: i32, %arg2: memref<1x80x3072xf32, #tpu.memory_space<vmem>>, %arg3: memref<1x1x1x3072xf32, #tpu.memory_space<vmem>>, %arg4: memref<1x1x1x3072xf32, #tpu.memory_space<vmem>>, %arg5: memref<2x8xf32, #tpu.memory_space<smem>>, %arg6: memref<2xf32, #tpu.memory_space<smem>>, %arg7: memref<2xf32, #tpu.memory_space<smem>>, %arg8: memref<4xf32, #tpu.memory_space<smem>>) attributes {dimension_semantics = [#tpu.dimension_semantics<arbitrary>, #tpu.dimension_semantics<arbitrary>], iteration_bounds = array<i64: 8, 16>, scalar_prefetch = 0 : i64, scratch_operands = 1 : i64, tpu.core_type = #tpu.core_type<tc>, window_params = [{transform_indices = @transform_0, window_bounds = array<i64: 1, 80, 3072>}, {transform_indices = @transform_1, window_bounds = array<i64: 1, 1, 1, 3072>}, {transform_indices = @transform_2, window_bounds = array<i64: 1, 1, 1, 3072>}, {transform_indices = @transform_3, window_bounds = array<i64: 2, 8>}, {transform_indices = @transform_4, window_bounds = array<i64: 2>}, {transform_indices = @transform_5, window_bounds = array<i64: 2>}]} {
    %eq3A = arith.constant 0 : i32
    %eq3A_0 = arith.cmpi eq, %arg1, %eq3A : i32
    %convert_element_type3A = arith.extui %eq3A_0 : i1 to i32
    %cond3A = arith.constant 0 : i32
    %cond3A_1 = arith.cmpi ne, %convert_element_type3A, %cond3A : i32
    scf.if %cond3A_1 {
      %swap3A_577 = arith.constant 0.000000e+00 : f32
      %swap3A_578 = arith.constant 0 : index
      %swap3A_579 = memref.load %arg8[%swap3A_578] : memref<4xf32, #tpu.memory_space<smem>>
      memref.store %swap3A_577, %arg8[%swap3A_578] : memref<4xf32, #tpu.memory_space<smem>>
    } else {
    }
    %eq3A_2 = arith.constant 0 : i32
    %eq3A_3 = arith.cmpi eq, %arg1, %eq3A_2 : i32
    %eq3A_4 = arith.constant 0 : i32
    %eq3A_5 = arith.cmpi eq, %arg0, %eq3A_4 : i32
    %and3A = arith.andi %eq3A_3, %eq3A_5 : i1
    %convert_element_type3A_6 = arith.extui %and3A : i1 to i32
    %cond3A_7 = arith.constant 0 : i32
    %cond3A_8 = arith.cmpi ne, %convert_element_type3A_6, %cond3A_7 : i32
    scf.if %cond3A_8 {
      %swap3A_577 = arith.constant 0.000000e+00 : f32
      %swap3A_578 = arith.constant 1 : index
      %swap3A_579 = memref.load %arg8[%swap3A_578] : memref<4xf32, #tpu.memory_space<smem>>
      memref.store %swap3A_577, %arg8[%swap3A_578] : memref<4xf32, #tpu.memory_space<smem>>
      %swap3A_580 = arith.constant 0.000000e+00 : f32
      %swap3A_581 = arith.constant 2 : index
      %swap3A_582 = memref.load %arg8[%swap3A_581] : memref<4xf32, #tpu.memory_space<smem>>
      memref.store %swap3A_580, %arg8[%swap3A_581] : memref<4xf32, #tpu.memory_space<smem>>
    } else {
    }
    %iota3A = tpu.iota {dimensions = array<i32: 0>} : vector<80x1xi32>
    %convert_element_type3A_9 = arith.sitofp %iota3A : vector<80x1xi32> to vector<80x1xf32>
    %iota3A_10 = tpu.iota {dimensions = array<i32: 1>} : vector<1x512xi32>
    %get3A = arith.constant 0 : index
    %get3A_11 = arith.constant 0 : index
    %get3A_12 = arith.constant 0 : index
    %get3A_13 = vector.load %arg2[%get3A, %get3A_11, %get3A_12] : memref<1x80x3072xf32, #tpu.memory_space<vmem>>, vector<1x80x512xf32>
    %get3A_14 = vector.shape_cast %get3A_13 : vector<1x80x512xf32> to vector<80x512xf32>
    %get3A_15 = arith.constant 0 : index
    %get3A_16 = arith.constant 0 : index
    %get3A_17 = arith.constant 0 : index
    %get3A_18 = arith.constant 0 : index
    %get3A_19 = vector.load %arg3[%get3A_15, %get3A_16, %get3A_17, %get3A_18] : memref<1x1x1x3072xf32, #tpu.memory_space<vmem>>, vector<1x1x1x512xf32>
    %get3A_20 = vector.shape_cast %get3A_19 : vector<1x1x1x512xf32> to vector<1x512xf32>
    %get3A_21 = arith.constant 0 : index
    %get3A_22 = arith.constant 0 : index
    %get3A_23 = arith.constant 0 : index
    %get3A_24 = arith.constant 0 : index
    %get3A_25 = vector.load %arg4[%get3A_21, %get3A_22, %get3A_23, %get3A_24] : memref<1x1x1x3072xf32, #tpu.memory_space<vmem>>, vector<1x1x1x512xf32>
    %get3A_26 = vector.shape_cast %get3A_25 : vector<1x1x1x512xf32> to vector<1x512xf32>
    %lt3A = arith.constant 5.000000e-01 : f32
    %lt3A_27 = vector.broadcast %lt3A : f32 to vector<1x512xf32>
    %lt3A_28 = arith.cmpf olt, %get3A_20, %lt3A_27 : vector<1x512xf32>
    %eq3A_29 = vector.broadcast %convert_element_type3A_9 : vector<80x1xf32> to vector<80x512xf32>
    %eq3A_30 = vector.broadcast %get3A_26 : vector<1x512xf32> to vector<80x512xf32>
    %eq3A_31 = arith.cmpf oeq, %eq3A_29, %eq3A_30 : vector<80x512xf32>
    %or3A = vector.broadcast %lt3A_28 : vector<1x512xi1> to vector<80x512xi1>
    %or3A_32 = arith.ori %or3A, %eq3A_31 : vector<80x512xi1>
    %jit3A = arith.constant 9.99999974E-5 : f32
    %jit3A_33 = arith.constant 0.999899983 : f32
    %max3A = vector.broadcast %jit3A : f32 to vector<80x512xf32>
    %max3A_34 = arith.maximumf %max3A, %get3A_14 : vector<80x512xf32>
    %min3A = vector.broadcast %jit3A_33 : f32 to vector<80x512xf32>
    %min3A_35 = arith.minimumf %min3A, %max3A_34 : vector<80x512xf32>
    %neg3A = arith.constant 0.000000e+00 : f32
    %neg3A_36 = vector.broadcast %neg3A : f32 to vector<80x512xf32>
    %neg3A_37 = arith.subf %neg3A_36, %min3A_35 : vector<80x512xf32>
    %select_n3A = arith.select %or3A_32, %neg3A_37, %min3A_35 : vector<80x512xi1>, vector<80x512xf32>
    %jit3A_38 = arith.constant 2.500000e-01 : f32
    %jit3A_39 = arith.constant 7.500000e-01 : f32
    %broadcast_in_dim3A = vector.broadcast %jit3A_38 : f32 to vector<80x512xf32>
    %broadcast_in_dim3A_40 = vector.broadcast %jit3A_39 : f32 to vector<80x512xf32>
    %select_n3A_41 = arith.select %or3A_32, %broadcast_in_dim3A, %broadcast_in_dim3A_40 : vector<80x512xi1>, vector<80x512xf32>
    %mul3A = arith.constant 3072 : i32
    %mul3A_42 = arith.muli %arg1, %mul3A : i32
    %add3A = arith.constant 0 : i32
    %add3A_43 = arith.addi %mul3A_42, %add3A : i32
    %add3A_44 = vector.broadcast %add3A_43 : i32 to vector<1x512xi32>
    %add3A_45 = arith.addi %iota3A_10, %add3A_44 : vector<1x512xi32>
    %lt3A_46 = arith.constant 49104 : i32
    %lt3A_47 = vector.broadcast %lt3A_46 : i32 to vector<1x512xi32>
    %lt3A_48 = arith.cmpi slt, %add3A_45, %lt3A_47 : vector<1x512xi32>
    %mul3A_49 = arith.constant -1.23093423E-6 : f32
    %mul3A_50 = vector.broadcast %mul3A_49 : f32 to vector<80x512xf32>
    %mul3A_51 = arith.mulf %mul3A_50, %select_n3A : vector<80x512xf32>
    %add3A_52 = arith.constant 8.09915713E-4 : f32
    %add3A_53 = vector.broadcast %add3A_52 : f32 to vector<80x512xf32>
    %add3A_54 = arith.addf %mul3A_51, %add3A_53 : vector<80x512xf32>
    %mul3A_55 = arith.mulf %add3A_54, %select_n3A : vector<80x512xf32>
    %add3A_56 = arith.constant 5.35893196E-4 : f32
    %add3A_57 = vector.broadcast %add3A_56 : f32 to vector<80x512xf32>
    %add3A_58 = arith.addf %mul3A_55, %add3A_57 : vector<80x512xf32>
    %mul3A_59 = arith.mulf %add3A_58, %select_n3A : vector<80x512xf32>
    %add3A_60 = arith.constant -0.00751353195 : f32
    %add3A_61 = vector.broadcast %add3A_60 : f32 to vector<80x512xf32>
    %add3A_62 = arith.addf %mul3A_59, %add3A_61 : vector<80x512xf32>
    %mul3A_63 = arith.mulf %add3A_62, %select_n3A : vector<80x512xf32>
    %add3A_64 = arith.constant -0.0111303683 : f32
    %add3A_65 = vector.broadcast %add3A_64 : f32 to vector<80x512xf32>
    %add3A_66 = arith.addf %mul3A_63, %add3A_65 : vector<80x512xf32>
    %mul3A_67 = arith.mulf %add3A_66, %select_n3A : vector<80x512xf32>
    %add3A_68 = arith.constant 0.0480203182 : f32
    %add3A_69 = vector.broadcast %add3A_68 : f32 to vector<80x512xf32>
    %add3A_70 = arith.addf %mul3A_67, %add3A_69 : vector<80x512xf32>
    %mul3A_71 = arith.mulf %add3A_70, %select_n3A : vector<80x512xf32>
    %add3A_72 = arith.constant 0.199572131 : f32
    %add3A_73 = vector.broadcast %add3A_72 : f32 to vector<80x512xf32>
    %add3A_74 = arith.addf %mul3A_71, %add3A_73 : vector<80x512xf32>
    %mul3A_75 = arith.mulf %add3A_74, %select_n3A : vector<80x512xf32>
    %add3A_76 = arith.constant 0.298289418 : f32
    %add3A_77 = vector.broadcast %add3A_76 : f32 to vector<80x512xf32>
    %add3A_78 = arith.addf %mul3A_75, %add3A_77 : vector<80x512xf32>
    %mul3A_79 = arith.mulf %add3A_78, %select_n3A : vector<80x512xf32>
    %add3A_80 = arith.constant 0.173286781 : f32
    %add3A_81 = vector.broadcast %add3A_80 : f32 to vector<80x512xf32>
    %add3A_82 = arith.addf %mul3A_79, %add3A_81 : vector<80x512xf32>
    %mul3A_83 = arith.mulf %select_n3A_41, %add3A_82 : vector<80x512xf32>
    %jit3A_84 = arith.constant 0.000000e+00 : f32
    %broadcast_in_dim3A_85 = vector.shape_cast %lt3A_48 : vector<1x512xi1> to vector<1x512xi1>
    %broadcast_in_dim3A_86 = vector.broadcast %broadcast_in_dim3A_85 : vector<1x512xi1> to vector<80x512xi1>
    %broadcast_in_dim3A_87 = vector.broadcast %jit3A_84 : f32 to vector<80x512xf32>
    %select_n3A_88 = arith.select %broadcast_in_dim3A_86, %mul3A_83, %broadcast_in_dim3A_87 : vector<80x512xi1>, vector<80x512xf32>
    %reduce_sum3A = vector.shape_cast %select_n3A_88 : vector<80x512xf32> to vector<1x80x512xf32>
    %reduce_sum3A_89 = arith.constant dense<0.000000e+00> : vector<1xf32>
    %reduce_sum3A_90 = vector.multi_reduction <add>, %reduce_sum3A, %reduce_sum3A_89 [1, 2] : vector<1x80x512xf32> to vector<1xf32>
    %reduce_sum3A_91 = vector.shape_cast %reduce_sum3A_90 : vector<1xf32> to vector<1x1x1xf32>
    %reduce_sum3A_92 = vector.extract %reduce_sum3A_91[0, 0, 0] : f32 from vector<1x1x1xf32>
    %get3A_93 = arith.constant 0 : index
    %get3A_94 = arith.constant 0 : index
    %get3A_95 = arith.constant 512 : index
    %get3A_96 = vector.load %arg2[%get3A_93, %get3A_94, %get3A_95] : memref<1x80x3072xf32, #tpu.memory_space<vmem>>, vector<1x80x512xf32>
    %get3A_97 = vector.shape_cast %get3A_96 : vector<1x80x512xf32> to vector<80x512xf32>
    %get3A_98 = arith.constant 0 : index
    %get3A_99 = arith.constant 0 : index
    %get3A_100 = arith.constant 0 : index
    %get3A_101 = arith.constant 512 : index
    %get3A_102 = vector.load %arg3[%get3A_98, %get3A_99, %get3A_100, %get3A_101] : memref<1x1x1x3072xf32, #tpu.memory_space<vmem>>, vector<1x1x1x512xf32>
    %get3A_103 = vector.shape_cast %get3A_102 : vector<1x1x1x512xf32> to vector<1x512xf32>
    %get3A_104 = arith.constant 0 : index
    %get3A_105 = arith.constant 0 : index
    %get3A_106 = arith.constant 0 : index
    %get3A_107 = arith.constant 512 : index
    %get3A_108 = vector.load %arg4[%get3A_104, %get3A_105, %get3A_106, %get3A_107] : memref<1x1x1x3072xf32, #tpu.memory_space<vmem>>, vector<1x1x1x512xf32>
    %get3A_109 = vector.shape_cast %get3A_108 : vector<1x1x1x512xf32> to vector<1x512xf32>
    %lt3A_110 = arith.constant 5.000000e-01 : f32
    %lt3A_111 = vector.broadcast %lt3A_110 : f32 to vector<1x512xf32>
    %lt3A_112 = arith.cmpf olt, %get3A_103, %lt3A_111 : vector<1x512xf32>
    %eq3A_113 = vector.broadcast %convert_element_type3A_9 : vector<80x1xf32> to vector<80x512xf32>
    %eq3A_114 = vector.broadcast %get3A_109 : vector<1x512xf32> to vector<80x512xf32>
    %eq3A_115 = arith.cmpf oeq, %eq3A_113, %eq3A_114 : vector<80x512xf32>
    %or3A_116 = vector.broadcast %lt3A_112 : vector<1x512xi1> to vector<80x512xi1>
    %or3A_117 = arith.ori %or3A_116, %eq3A_115 : vector<80x512xi1>
    %jit3A_118 = arith.constant 9.99999974E-5 : f32
    %jit3A_119 = arith.constant 0.999899983 : f32
    %max3A_120 = vector.broadcast %jit3A_118 : f32 to vector<80x512xf32>
    %max3A_121 = arith.maximumf %max3A_120, %get3A_97 : vector<80x512xf32>
    %min3A_122 = vector.broadcast %jit3A_119 : f32 to vector<80x512xf32>
    %min3A_123 = arith.minimumf %min3A_122, %max3A_121 : vector<80x512xf32>
    %neg3A_124 = arith.constant 0.000000e+00 : f32
    %neg3A_125 = vector.broadcast %neg3A_124 : f32 to vector<80x512xf32>
    %neg3A_126 = arith.subf %neg3A_125, %min3A_123 : vector<80x512xf32>
    %select_n3A_127 = arith.select %or3A_117, %neg3A_126, %min3A_123 : vector<80x512xi1>, vector<80x512xf32>
    %jit3A_128 = arith.constant 2.500000e-01 : f32
    %jit3A_129 = arith.constant 7.500000e-01 : f32
    %broadcast_in_dim3A_130 = vector.broadcast %jit3A_128 : f32 to vector<80x512xf32>
    %broadcast_in_dim3A_131 = vector.broadcast %jit3A_129 : f32 to vector<80x512xf32>
    %select_n3A_132 = arith.select %or3A_117, %broadcast_in_dim3A_130, %broadcast_in_dim3A_131 : vector<80x512xi1>, vector<80x512xf32>
    %mul3A_133 = arith.constant 3072 : i32
    %mul3A_134 = arith.muli %arg1, %mul3A_133 : i32
    %add3A_135 = arith.constant 512 : i32
    %add3A_136 = arith.addi %mul3A_134, %add3A_135 : i32
    %add3A_137 = vector.broadcast %add3A_136 : i32 to vector<1x512xi32>
    %add3A_138 = arith.addi %iota3A_10, %add3A_137 : vector<1x512xi32>
    %lt3A_139 = arith.constant 49104 : i32
    %lt3A_140 = vector.broadcast %lt3A_139 : i32 to vector<1x512xi32>
    %lt3A_141 = arith.cmpi slt, %add3A_138, %lt3A_140 : vector<1x512xi32>
    %mul3A_142 = arith.constant -1.23093423E-6 : f32
    %mul3A_143 = vector.broadcast %mul3A_142 : f32 to vector<80x512xf32>
    %mul3A_144 = arith.mulf %mul3A_143, %select_n3A_127 : vector<80x512xf32>
    %add3A_145 = arith.constant 8.09915713E-4 : f32
    %add3A_146 = vector.broadcast %add3A_145 : f32 to vector<80x512xf32>
    %add3A_147 = arith.addf %mul3A_144, %add3A_146 : vector<80x512xf32>
    %mul3A_148 = arith.mulf %add3A_147, %select_n3A_127 : vector<80x512xf32>
    %add3A_149 = arith.constant 5.35893196E-4 : f32
    %add3A_150 = vector.broadcast %add3A_149 : f32 to vector<80x512xf32>
    %add3A_151 = arith.addf %mul3A_148, %add3A_150 : vector<80x512xf32>
    %mul3A_152 = arith.mulf %add3A_151, %select_n3A_127 : vector<80x512xf32>
    %add3A_153 = arith.constant -0.00751353195 : f32
    %add3A_154 = vector.broadcast %add3A_153 : f32 to vector<80x512xf32>
    %add3A_155 = arith.addf %mul3A_152, %add3A_154 : vector<80x512xf32>
    %mul3A_156 = arith.mulf %add3A_155, %select_n3A_127 : vector<80x512xf32>
    %add3A_157 = arith.constant -0.0111303683 : f32
    %add3A_158 = vector.broadcast %add3A_157 : f32 to vector<80x512xf32>
    %add3A_159 = arith.addf %mul3A_156, %add3A_158 : vector<80x512xf32>
    %mul3A_160 = arith.mulf %add3A_159, %select_n3A_127 : vector<80x512xf32>
    %add3A_161 = arith.constant 0.0480203182 : f32
    %add3A_162 = vector.broadcast %add3A_161 : f32 to vector<80x512xf32>
    %add3A_163 = arith.addf %mul3A_160, %add3A_162 : vector<80x512xf32>
    %mul3A_164 = arith.mulf %add3A_163, %select_n3A_127 : vector<80x512xf32>
    %add3A_165 = arith.constant 0.199572131 : f32
    %add3A_166 = vector.broadcast %add3A_165 : f32 to vector<80x512xf32>
    %add3A_167 = arith.addf %mul3A_164, %add3A_166 : vector<80x512xf32>
    %mul3A_168 = arith.mulf %add3A_167, %select_n3A_127 : vector<80x512xf32>
    %add3A_169 = arith.constant 0.298289418 : f32
    %add3A_170 = vector.broadcast %add3A_169 : f32 to vector<80x512xf32>
    %add3A_171 = arith.addf %mul3A_168, %add3A_170 : vector<80x512xf32>
    %mul3A_172 = arith.mulf %add3A_171, %select_n3A_127 : vector<80x512xf32>
    %add3A_173 = arith.constant 0.173286781 : f32
    %add3A_174 = vector.broadcast %add3A_173 : f32 to vector<80x512xf32>
    %add3A_175 = arith.addf %mul3A_172, %add3A_174 : vector<80x512xf32>
    %mul3A_176 = arith.mulf %select_n3A_132, %add3A_175 : vector<80x512xf32>
    %jit3A_177 = arith.constant 0.000000e+00 : f32
    %broadcast_in_dim3A_178 = vector.shape_cast %lt3A_141 : vector<1x512xi1> to vector<1x512xi1>
    %broadcast_in_dim3A_179 = vector.broadcast %broadcast_in_dim3A_178 : vector<1x512xi1> to vector<80x512xi1>
    %broadcast_in_dim3A_180 = vector.broadcast %jit3A_177 : f32 to vector<80x512xf32>
    %select_n3A_181 = arith.select %broadcast_in_dim3A_179, %mul3A_176, %broadcast_in_dim3A_180 : vector<80x512xi1>, vector<80x512xf32>
    %reduce_sum3A_182 = vector.shape_cast %select_n3A_181 : vector<80x512xf32> to vector<1x80x512xf32>
    %reduce_sum3A_183 = arith.constant dense<0.000000e+00> : vector<1xf32>
    %reduce_sum3A_184 = vector.multi_reduction <add>, %reduce_sum3A_182, %reduce_sum3A_183 [1, 2] : vector<1x80x512xf32> to vector<1xf32>
    %reduce_sum3A_185 = vector.shape_cast %reduce_sum3A_184 : vector<1xf32> to vector<1x1x1xf32>
    %reduce_sum3A_186 = vector.extract %reduce_sum3A_185[0, 0, 0] : f32 from vector<1x1x1xf32>
    %get3A_187 = arith.constant 0 : index
    %get3A_188 = arith.constant 0 : index
    %get3A_189 = arith.constant 1024 : index
    %get3A_190 = vector.load %arg2[%get3A_187, %get3A_188, %get3A_189] : memref<1x80x3072xf32, #tpu.memory_space<vmem>>, vector<1x80x512xf32>
    %get3A_191 = vector.shape_cast %get3A_190 : vector<1x80x512xf32> to vector<80x512xf32>
    %get3A_192 = arith.constant 0 : index
    %get3A_193 = arith.constant 0 : index
    %get3A_194 = arith.constant 0 : index
    %get3A_195 = arith.constant 1024 : index
    %get3A_196 = vector.load %arg3[%get3A_192, %get3A_193, %get3A_194, %get3A_195] : memref<1x1x1x3072xf32, #tpu.memory_space<vmem>>, vector<1x1x1x512xf32>
    %get3A_197 = vector.shape_cast %get3A_196 : vector<1x1x1x512xf32> to vector<1x512xf32>
    %get3A_198 = arith.constant 0 : index
    %get3A_199 = arith.constant 0 : index
    %get3A_200 = arith.constant 0 : index
    %get3A_201 = arith.constant 1024 : index
    %get3A_202 = vector.load %arg4[%get3A_198, %get3A_199, %get3A_200, %get3A_201] : memref<1x1x1x3072xf32, #tpu.memory_space<vmem>>, vector<1x1x1x512xf32>
    %get3A_203 = vector.shape_cast %get3A_202 : vector<1x1x1x512xf32> to vector<1x512xf32>
    %lt3A_204 = arith.constant 5.000000e-01 : f32
    %lt3A_205 = vector.broadcast %lt3A_204 : f32 to vector<1x512xf32>
    %lt3A_206 = arith.cmpf olt, %get3A_197, %lt3A_205 : vector<1x512xf32>
    %eq3A_207 = vector.broadcast %convert_element_type3A_9 : vector<80x1xf32> to vector<80x512xf32>
    %eq3A_208 = vector.broadcast %get3A_203 : vector<1x512xf32> to vector<80x512xf32>
    %eq3A_209 = arith.cmpf oeq, %eq3A_207, %eq3A_208 : vector<80x512xf32>
    %or3A_210 = vector.broadcast %lt3A_206 : vector<1x512xi1> to vector<80x512xi1>
    %or3A_211 = arith.ori %or3A_210, %eq3A_209 : vector<80x512xi1>
    %jit3A_212 = arith.constant 9.99999974E-5 : f32
    %jit3A_213 = arith.constant 0.999899983 : f32
    %max3A_214 = vector.broadcast %jit3A_212 : f32 to vector<80x512xf32>
    %max3A_215 = arith.maximumf %max3A_214, %get3A_191 : vector<80x512xf32>
    %min3A_216 = vector.broadcast %jit3A_213 : f32 to vector<80x512xf32>
    %min3A_217 = arith.minimumf %min3A_216, %max3A_215 : vector<80x512xf32>
    %neg3A_218 = arith.constant 0.000000e+00 : f32
    %neg3A_219 = vector.broadcast %neg3A_218 : f32 to vector<80x512xf32>
    %neg3A_220 = arith.subf %neg3A_219, %min3A_217 : vector<80x512xf32>
    %select_n3A_221 = arith.select %or3A_211, %neg3A_220, %min3A_217 : vector<80x512xi1>, vector<80x512xf32>
    %jit3A_222 = arith.constant 2.500000e-01 : f32
    %jit3A_223 = arith.constant 7.500000e-01 : f32
    %broadcast_in_dim3A_224 = vector.broadcast %jit3A_222 : f32 to vector<80x512xf32>
    %broadcast_in_dim3A_225 = vector.broadcast %jit3A_223 : f32 to vector<80x512xf32>
    %select_n3A_226 = arith.select %or3A_211, %broadcast_in_dim3A_224, %broadcast_in_dim3A_225 : vector<80x512xi1>, vector<80x512xf32>
    %mul3A_227 = arith.constant 3072 : i32
    %mul3A_228 = arith.muli %arg1, %mul3A_227 : i32
    %add3A_229 = arith.constant 1024 : i32
    %add3A_230 = arith.addi %mul3A_228, %add3A_229 : i32
    %add3A_231 = vector.broadcast %add3A_230 : i32 to vector<1x512xi32>
    %add3A_232 = arith.addi %iota3A_10, %add3A_231 : vector<1x512xi32>
    %lt3A_233 = arith.constant 49104 : i32
    %lt3A_234 = vector.broadcast %lt3A_233 : i32 to vector<1x512xi32>
    %lt3A_235 = arith.cmpi slt, %add3A_232, %lt3A_234 : vector<1x512xi32>
    %mul3A_236 = arith.constant -1.23093423E-6 : f32
    %mul3A_237 = vector.broadcast %mul3A_236 : f32 to vector<80x512xf32>
    %mul3A_238 = arith.mulf %mul3A_237, %select_n3A_221 : vector<80x512xf32>
    %add3A_239 = arith.constant 8.09915713E-4 : f32
    %add3A_240 = vector.broadcast %add3A_239 : f32 to vector<80x512xf32>
    %add3A_241 = arith.addf %mul3A_238, %add3A_240 : vector<80x512xf32>
    %mul3A_242 = arith.mulf %add3A_241, %select_n3A_221 : vector<80x512xf32>
    %add3A_243 = arith.constant 5.35893196E-4 : f32
    %add3A_244 = vector.broadcast %add3A_243 : f32 to vector<80x512xf32>
    %add3A_245 = arith.addf %mul3A_242, %add3A_244 : vector<80x512xf32>
    %mul3A_246 = arith.mulf %add3A_245, %select_n3A_221 : vector<80x512xf32>
    %add3A_247 = arith.constant -0.00751353195 : f32
    %add3A_248 = vector.broadcast %add3A_247 : f32 to vector<80x512xf32>
    %add3A_249 = arith.addf %mul3A_246, %add3A_248 : vector<80x512xf32>
    %mul3A_250 = arith.mulf %add3A_249, %select_n3A_221 : vector<80x512xf32>
    %add3A_251 = arith.constant -0.0111303683 : f32
    %add3A_252 = vector.broadcast %add3A_251 : f32 to vector<80x512xf32>
    %add3A_253 = arith.addf %mul3A_250, %add3A_252 : vector<80x512xf32>
    %mul3A_254 = arith.mulf %add3A_253, %select_n3A_221 : vector<80x512xf32>
    %add3A_255 = arith.constant 0.0480203182 : f32
    %add3A_256 = vector.broadcast %add3A_255 : f32 to vector<80x512xf32>
    %add3A_257 = arith.addf %mul3A_254, %add3A_256 : vector<80x512xf32>
    %mul3A_258 = arith.mulf %add3A_257, %select_n3A_221 : vector<80x512xf32>
    %add3A_259 = arith.constant 0.199572131 : f32
    %add3A_260 = vector.broadcast %add3A_259 : f32 to vector<80x512xf32>
    %add3A_261 = arith.addf %mul3A_258, %add3A_260 : vector<80x512xf32>
    %mul3A_262 = arith.mulf %add3A_261, %select_n3A_221 : vector<80x512xf32>
    %add3A_263 = arith.constant 0.298289418 : f32
    %add3A_264 = vector.broadcast %add3A_263 : f32 to vector<80x512xf32>
    %add3A_265 = arith.addf %mul3A_262, %add3A_264 : vector<80x512xf32>
    %mul3A_266 = arith.mulf %add3A_265, %select_n3A_221 : vector<80x512xf32>
    %add3A_267 = arith.constant 0.173286781 : f32
    %add3A_268 = vector.broadcast %add3A_267 : f32 to vector<80x512xf32>
    %add3A_269 = arith.addf %mul3A_266, %add3A_268 : vector<80x512xf32>
    %mul3A_270 = arith.mulf %select_n3A_226, %add3A_269 : vector<80x512xf32>
    %jit3A_271 = arith.constant 0.000000e+00 : f32
    %broadcast_in_dim3A_272 = vector.shape_cast %lt3A_235 : vector<1x512xi1> to vector<1x512xi1>
    %broadcast_in_dim3A_273 = vector.broadcast %broadcast_in_dim3A_272 : vector<1x512xi1> to vector<80x512xi1>
    %broadcast_in_dim3A_274 = vector.broadcast %jit3A_271 : f32 to vector<80x512xf32>
    %select_n3A_275 = arith.select %broadcast_in_dim3A_273, %mul3A_270, %broadcast_in_dim3A_274 : vector<80x512xi1>, vector<80x512xf32>
    %reduce_sum3A_276 = vector.shape_cast %select_n3A_275 : vector<80x512xf32> to vector<1x80x512xf32>
    %reduce_sum3A_277 = arith.constant dense<0.000000e+00> : vector<1xf32>
    %reduce_sum3A_278 = vector.multi_reduction <add>, %reduce_sum3A_276, %reduce_sum3A_277 [1, 2] : vector<1x80x512xf32> to vector<1xf32>
    %reduce_sum3A_279 = vector.shape_cast %reduce_sum3A_278 : vector<1xf32> to vector<1x1x1xf32>
    %reduce_sum3A_280 = vector.extract %reduce_sum3A_279[0, 0, 0] : f32 from vector<1x1x1xf32>
    %get3A_281 = arith.constant 0 : index
    %get3A_282 = arith.constant 0 : index
    %get3A_283 = arith.constant 1536 : index
    %get3A_284 = vector.load %arg2[%get3A_281, %get3A_282, %get3A_283] : memref<1x80x3072xf32, #tpu.memory_space<vmem>>, vector<1x80x512xf32>
    %get3A_285 = vector.shape_cast %get3A_284 : vector<1x80x512xf32> to vector<80x512xf32>
    %get3A_286 = arith.constant 0 : index
    %get3A_287 = arith.constant 0 : index
    %get3A_288 = arith.constant 0 : index
    %get3A_289 = arith.constant 1536 : index
    %get3A_290 = vector.load %arg3[%get3A_286, %get3A_287, %get3A_288, %get3A_289] : memref<1x1x1x3072xf32, #tpu.memory_space<vmem>>, vector<1x1x1x512xf32>
    %get3A_291 = vector.shape_cast %get3A_290 : vector<1x1x1x512xf32> to vector<1x512xf32>
    %get3A_292 = arith.constant 0 : index
    %get3A_293 = arith.constant 0 : index
    %get3A_294 = arith.constant 0 : index
    %get3A_295 = arith.constant 1536 : index
    %get3A_296 = vector.load %arg4[%get3A_292, %get3A_293, %get3A_294, %get3A_295] : memref<1x1x1x3072xf32, #tpu.memory_space<vmem>>, vector<1x1x1x512xf32>
    %get3A_297 = vector.shape_cast %get3A_296 : vector<1x1x1x512xf32> to vector<1x512xf32>
    %lt3A_298 = arith.constant 5.000000e-01 : f32
    %lt3A_299 = vector.broadcast %lt3A_298 : f32 to vector<1x512xf32>
    %lt3A_300 = arith.cmpf olt, %get3A_291, %lt3A_299 : vector<1x512xf32>
    %eq3A_301 = vector.broadcast %convert_element_type3A_9 : vector<80x1xf32> to vector<80x512xf32>
    %eq3A_302 = vector.broadcast %get3A_297 : vector<1x512xf32> to vector<80x512xf32>
    %eq3A_303 = arith.cmpf oeq, %eq3A_301, %eq3A_302 : vector<80x512xf32>
    %or3A_304 = vector.broadcast %lt3A_300 : vector<1x512xi1> to vector<80x512xi1>
    %or3A_305 = arith.ori %or3A_304, %eq3A_303 : vector<80x512xi1>
    %jit3A_306 = arith.constant 9.99999974E-5 : f32
    %jit3A_307 = arith.constant 0.999899983 : f32
    %max3A_308 = vector.broadcast %jit3A_306 : f32 to vector<80x512xf32>
    %max3A_309 = arith.maximumf %max3A_308, %get3A_285 : vector<80x512xf32>
    %min3A_310 = vector.broadcast %jit3A_307 : f32 to vector<80x512xf32>
    %min3A_311 = arith.minimumf %min3A_310, %max3A_309 : vector<80x512xf32>
    %neg3A_312 = arith.constant 0.000000e+00 : f32
    %neg3A_313 = vector.broadcast %neg3A_312 : f32 to vector<80x512xf32>
    %neg3A_314 = arith.subf %neg3A_313, %min3A_311 : vector<80x512xf32>
    %select_n3A_315 = arith.select %or3A_305, %neg3A_314, %min3A_311 : vector<80x512xi1>, vector<80x512xf32>
    %jit3A_316 = arith.constant 2.500000e-01 : f32
    %jit3A_317 = arith.constant 7.500000e-01 : f32
    %broadcast_in_dim3A_318 = vector.broadcast %jit3A_316 : f32 to vector<80x512xf32>
    %broadcast_in_dim3A_319 = vector.broadcast %jit3A_317 : f32 to vector<80x512xf32>
    %select_n3A_320 = arith.select %or3A_305, %broadcast_in_dim3A_318, %broadcast_in_dim3A_319 : vector<80x512xi1>, vector<80x512xf32>
    %mul3A_321 = arith.constant 3072 : i32
    %mul3A_322 = arith.muli %arg1, %mul3A_321 : i32
    %add3A_323 = arith.constant 1536 : i32
    %add3A_324 = arith.addi %mul3A_322, %add3A_323 : i32
    %add3A_325 = vector.broadcast %add3A_324 : i32 to vector<1x512xi32>
    %add3A_326 = arith.addi %iota3A_10, %add3A_325 : vector<1x512xi32>
    %lt3A_327 = arith.constant 49104 : i32
    %lt3A_328 = vector.broadcast %lt3A_327 : i32 to vector<1x512xi32>
    %lt3A_329 = arith.cmpi slt, %add3A_326, %lt3A_328 : vector<1x512xi32>
    %mul3A_330 = arith.constant -1.23093423E-6 : f32
    %mul3A_331 = vector.broadcast %mul3A_330 : f32 to vector<80x512xf32>
    %mul3A_332 = arith.mulf %mul3A_331, %select_n3A_315 : vector<80x512xf32>
    %add3A_333 = arith.constant 8.09915713E-4 : f32
    %add3A_334 = vector.broadcast %add3A_333 : f32 to vector<80x512xf32>
    %add3A_335 = arith.addf %mul3A_332, %add3A_334 : vector<80x512xf32>
    %mul3A_336 = arith.mulf %add3A_335, %select_n3A_315 : vector<80x512xf32>
    %add3A_337 = arith.constant 5.35893196E-4 : f32
    %add3A_338 = vector.broadcast %add3A_337 : f32 to vector<80x512xf32>
    %add3A_339 = arith.addf %mul3A_336, %add3A_338 : vector<80x512xf32>
    %mul3A_340 = arith.mulf %add3A_339, %select_n3A_315 : vector<80x512xf32>
    %add3A_341 = arith.constant -0.00751353195 : f32
    %add3A_342 = vector.broadcast %add3A_341 : f32 to vector<80x512xf32>
    %add3A_343 = arith.addf %mul3A_340, %add3A_342 : vector<80x512xf32>
    %mul3A_344 = arith.mulf %add3A_343, %select_n3A_315 : vector<80x512xf32>
    %add3A_345 = arith.constant -0.0111303683 : f32
    %add3A_346 = vector.broadcast %add3A_345 : f32 to vector<80x512xf32>
    %add3A_347 = arith.addf %mul3A_344, %add3A_346 : vector<80x512xf32>
    %mul3A_348 = arith.mulf %add3A_347, %select_n3A_315 : vector<80x512xf32>
    %add3A_349 = arith.constant 0.0480203182 : f32
    %add3A_350 = vector.broadcast %add3A_349 : f32 to vector<80x512xf32>
    %add3A_351 = arith.addf %mul3A_348, %add3A_350 : vector<80x512xf32>
    %mul3A_352 = arith.mulf %add3A_351, %select_n3A_315 : vector<80x512xf32>
    %add3A_353 = arith.constant 0.199572131 : f32
    %add3A_354 = vector.broadcast %add3A_353 : f32 to vector<80x512xf32>
    %add3A_355 = arith.addf %mul3A_352, %add3A_354 : vector<80x512xf32>
    %mul3A_356 = arith.mulf %add3A_355, %select_n3A_315 : vector<80x512xf32>
    %add3A_357 = arith.constant 0.298289418 : f32
    %add3A_358 = vector.broadcast %add3A_357 : f32 to vector<80x512xf32>
    %add3A_359 = arith.addf %mul3A_356, %add3A_358 : vector<80x512xf32>
    %mul3A_360 = arith.mulf %add3A_359, %select_n3A_315 : vector<80x512xf32>
    %add3A_361 = arith.constant 0.173286781 : f32
    %add3A_362 = vector.broadcast %add3A_361 : f32 to vector<80x512xf32>
    %add3A_363 = arith.addf %mul3A_360, %add3A_362 : vector<80x512xf32>
    %mul3A_364 = arith.mulf %select_n3A_320, %add3A_363 : vector<80x512xf32>
    %jit3A_365 = arith.constant 0.000000e+00 : f32
    %broadcast_in_dim3A_366 = vector.shape_cast %lt3A_329 : vector<1x512xi1> to vector<1x512xi1>
    %broadcast_in_dim3A_367 = vector.broadcast %broadcast_in_dim3A_366 : vector<1x512xi1> to vector<80x512xi1>
    %broadcast_in_dim3A_368 = vector.broadcast %jit3A_365 : f32 to vector<80x512xf32>
    %select_n3A_369 = arith.select %broadcast_in_dim3A_367, %mul3A_364, %broadcast_in_dim3A_368 : vector<80x512xi1>, vector<80x512xf32>
    %reduce_sum3A_370 = vector.shape_cast %select_n3A_369 : vector<80x512xf32> to vector<1x80x512xf32>
    %reduce_sum3A_371 = arith.constant dense<0.000000e+00> : vector<1xf32>
    %reduce_sum3A_372 = vector.multi_reduction <add>, %reduce_sum3A_370, %reduce_sum3A_371 [1, 2] : vector<1x80x512xf32> to vector<1xf32>
    %reduce_sum3A_373 = vector.shape_cast %reduce_sum3A_372 : vector<1xf32> to vector<1x1x1xf32>
    %reduce_sum3A_374 = vector.extract %reduce_sum3A_373[0, 0, 0] : f32 from vector<1x1x1xf32>
    %get3A_375 = arith.constant 0 : index
    %get3A_376 = arith.constant 0 : index
    %get3A_377 = arith.constant 2048 : index
    %get3A_378 = vector.load %arg2[%get3A_375, %get3A_376, %get3A_377] : memref<1x80x3072xf32, #tpu.memory_space<vmem>>, vector<1x80x512xf32>
    %get3A_379 = vector.shape_cast %get3A_378 : vector<1x80x512xf32> to vector<80x512xf32>
    %get3A_380 = arith.constant 0 : index
    %get3A_381 = arith.constant 0 : index
    %get3A_382 = arith.constant 0 : index
    %get3A_383 = arith.constant 2048 : index
    %get3A_384 = vector.load %arg3[%get3A_380, %get3A_381, %get3A_382, %get3A_383] : memref<1x1x1x3072xf32, #tpu.memory_space<vmem>>, vector<1x1x1x512xf32>
    %get3A_385 = vector.shape_cast %get3A_384 : vector<1x1x1x512xf32> to vector<1x512xf32>
    %get3A_386 = arith.constant 0 : index
    %get3A_387 = arith.constant 0 : index
    %get3A_388 = arith.constant 0 : index
    %get3A_389 = arith.constant 2048 : index
    %get3A_390 = vector.load %arg4[%get3A_386, %get3A_387, %get3A_388, %get3A_389] : memref<1x1x1x3072xf32, #tpu.memory_space<vmem>>, vector<1x1x1x512xf32>
    %get3A_391 = vector.shape_cast %get3A_390 : vector<1x1x1x512xf32> to vector<1x512xf32>
    %lt3A_392 = arith.constant 5.000000e-01 : f32
    %lt3A_393 = vector.broadcast %lt3A_392 : f32 to vector<1x512xf32>
    %lt3A_394 = arith.cmpf olt, %get3A_385, %lt3A_393 : vector<1x512xf32>
    %eq3A_395 = vector.broadcast %convert_element_type3A_9 : vector<80x1xf32> to vector<80x512xf32>
    %eq3A_396 = vector.broadcast %get3A_391 : vector<1x512xf32> to vector<80x512xf32>
    %eq3A_397 = arith.cmpf oeq, %eq3A_395, %eq3A_396 : vector<80x512xf32>
    %or3A_398 = vector.broadcast %lt3A_394 : vector<1x512xi1> to vector<80x512xi1>
    %or3A_399 = arith.ori %or3A_398, %eq3A_397 : vector<80x512xi1>
    %jit3A_400 = arith.constant 9.99999974E-5 : f32
    %jit3A_401 = arith.constant 0.999899983 : f32
    %max3A_402 = vector.broadcast %jit3A_400 : f32 to vector<80x512xf32>
    %max3A_403 = arith.maximumf %max3A_402, %get3A_379 : vector<80x512xf32>
    %min3A_404 = vector.broadcast %jit3A_401 : f32 to vector<80x512xf32>
    %min3A_405 = arith.minimumf %min3A_404, %max3A_403 : vector<80x512xf32>
    %neg3A_406 = arith.constant 0.000000e+00 : f32
    %neg3A_407 = vector.broadcast %neg3A_406 : f32 to vector<80x512xf32>
    %neg3A_408 = arith.subf %neg3A_407, %min3A_405 : vector<80x512xf32>
    %select_n3A_409 = arith.select %or3A_399, %neg3A_408, %min3A_405 : vector<80x512xi1>, vector<80x512xf32>
    %jit3A_410 = arith.constant 2.500000e-01 : f32
    %jit3A_411 = arith.constant 7.500000e-01 : f32
    %broadcast_in_dim3A_412 = vector.broadcast %jit3A_410 : f32 to vector<80x512xf32>
    %broadcast_in_dim3A_413 = vector.broadcast %jit3A_411 : f32 to vector<80x512xf32>
    %select_n3A_414 = arith.select %or3A_399, %broadcast_in_dim3A_412, %broadcast_in_dim3A_413 : vector<80x512xi1>, vector<80x512xf32>
    %mul3A_415 = arith.constant 3072 : i32
    %mul3A_416 = arith.muli %arg1, %mul3A_415 : i32
    %add3A_417 = arith.constant 2048 : i32
    %add3A_418 = arith.addi %mul3A_416, %add3A_417 : i32
    %add3A_419 = vector.broadcast %add3A_418 : i32 to vector<1x512xi32>
    %add3A_420 = arith.addi %iota3A_10, %add3A_419 : vector<1x512xi32>
    %lt3A_421 = arith.constant 49104 : i32
    %lt3A_422 = vector.broadcast %lt3A_421 : i32 to vector<1x512xi32>
    %lt3A_423 = arith.cmpi slt, %add3A_420, %lt3A_422 : vector<1x512xi32>
    %mul3A_424 = arith.constant -1.23093423E-6 : f32
    %mul3A_425 = vector.broadcast %mul3A_424 : f32 to vector<80x512xf32>
    %mul3A_426 = arith.mulf %mul3A_425, %select_n3A_409 : vector<80x512xf32>
    %add3A_427 = arith.constant 8.09915713E-4 : f32
    %add3A_428 = vector.broadcast %add3A_427 : f32 to vector<80x512xf32>
    %add3A_429 = arith.addf %mul3A_426, %add3A_428 : vector<80x512xf32>
    %mul3A_430 = arith.mulf %add3A_429, %select_n3A_409 : vector<80x512xf32>
    %add3A_431 = arith.constant 5.35893196E-4 : f32
    %add3A_432 = vector.broadcast %add3A_431 : f32 to vector<80x512xf32>
    %add3A_433 = arith.addf %mul3A_430, %add3A_432 : vector<80x512xf32>
    %mul3A_434 = arith.mulf %add3A_433, %select_n3A_409 : vector<80x512xf32>
    %add3A_435 = arith.constant -0.00751353195 : f32
    %add3A_436 = vector.broadcast %add3A_435 : f32 to vector<80x512xf32>
    %add3A_437 = arith.addf %mul3A_434, %add3A_436 : vector<80x512xf32>
    %mul3A_438 = arith.mulf %add3A_437, %select_n3A_409 : vector<80x512xf32>
    %add3A_439 = arith.constant -0.0111303683 : f32
    %add3A_440 = vector.broadcast %add3A_439 : f32 to vector<80x512xf32>
    %add3A_441 = arith.addf %mul3A_438, %add3A_440 : vector<80x512xf32>
    %mul3A_442 = arith.mulf %add3A_441, %select_n3A_409 : vector<80x512xf32>
    %add3A_443 = arith.constant 0.0480203182 : f32
    %add3A_444 = vector.broadcast %add3A_443 : f32 to vector<80x512xf32>
    %add3A_445 = arith.addf %mul3A_442, %add3A_444 : vector<80x512xf32>
    %mul3A_446 = arith.mulf %add3A_445, %select_n3A_409 : vector<80x512xf32>
    %add3A_447 = arith.constant 0.199572131 : f32
    %add3A_448 = vector.broadcast %add3A_447 : f32 to vector<80x512xf32>
    %add3A_449 = arith.addf %mul3A_446, %add3A_448 : vector<80x512xf32>
    %mul3A_450 = arith.mulf %add3A_449, %select_n3A_409 : vector<80x512xf32>
    %add3A_451 = arith.constant 0.298289418 : f32
    %add3A_452 = vector.broadcast %add3A_451 : f32 to vector<80x512xf32>
    %add3A_453 = arith.addf %mul3A_450, %add3A_452 : vector<80x512xf32>
    %mul3A_454 = arith.mulf %add3A_453, %select_n3A_409 : vector<80x512xf32>
    %add3A_455 = arith.constant 0.173286781 : f32
    %add3A_456 = vector.broadcast %add3A_455 : f32 to vector<80x512xf32>
    %add3A_457 = arith.addf %mul3A_454, %add3A_456 : vector<80x512xf32>
    %mul3A_458 = arith.mulf %select_n3A_414, %add3A_457 : vector<80x512xf32>
    %jit3A_459 = arith.constant 0.000000e+00 : f32
    %broadcast_in_dim3A_460 = vector.shape_cast %lt3A_423 : vector<1x512xi1> to vector<1x512xi1>
    %broadcast_in_dim3A_461 = vector.broadcast %broadcast_in_dim3A_460 : vector<1x512xi1> to vector<80x512xi1>
    %broadcast_in_dim3A_462 = vector.broadcast %jit3A_459 : f32 to vector<80x512xf32>
    %select_n3A_463 = arith.select %broadcast_in_dim3A_461, %mul3A_458, %broadcast_in_dim3A_462 : vector<80x512xi1>, vector<80x512xf32>
    %reduce_sum3A_464 = vector.shape_cast %select_n3A_463 : vector<80x512xf32> to vector<1x80x512xf32>
    %reduce_sum3A_465 = arith.constant dense<0.000000e+00> : vector<1xf32>
    %reduce_sum3A_466 = vector.multi_reduction <add>, %reduce_sum3A_464, %reduce_sum3A_465 [1, 2] : vector<1x80x512xf32> to vector<1xf32>
    %reduce_sum3A_467 = vector.shape_cast %reduce_sum3A_466 : vector<1xf32> to vector<1x1x1xf32>
    %reduce_sum3A_468 = vector.extract %reduce_sum3A_467[0, 0, 0] : f32 from vector<1x1x1xf32>
    %get3A_469 = arith.constant 0 : index
    %get3A_470 = arith.constant 0 : index
    %get3A_471 = arith.constant 2560 : index
    %get3A_472 = vector.load %arg2[%get3A_469, %get3A_470, %get3A_471] : memref<1x80x3072xf32, #tpu.memory_space<vmem>>, vector<1x80x512xf32>
    %get3A_473 = vector.shape_cast %get3A_472 : vector<1x80x512xf32> to vector<80x512xf32>
    %get3A_474 = arith.constant 0 : index
    %get3A_475 = arith.constant 0 : index
    %get3A_476 = arith.constant 0 : index
    %get3A_477 = arith.constant 2560 : index
    %get3A_478 = vector.load %arg3[%get3A_474, %get3A_475, %get3A_476, %get3A_477] : memref<1x1x1x3072xf32, #tpu.memory_space<vmem>>, vector<1x1x1x512xf32>
    %get3A_479 = vector.shape_cast %get3A_478 : vector<1x1x1x512xf32> to vector<1x512xf32>
    %get3A_480 = arith.constant 0 : index
    %get3A_481 = arith.constant 0 : index
    %get3A_482 = arith.constant 0 : index
    %get3A_483 = arith.constant 2560 : index
    %get3A_484 = vector.load %arg4[%get3A_480, %get3A_481, %get3A_482, %get3A_483] : memref<1x1x1x3072xf32, #tpu.memory_space<vmem>>, vector<1x1x1x512xf32>
    %get3A_485 = vector.shape_cast %get3A_484 : vector<1x1x1x512xf32> to vector<1x512xf32>
    %lt3A_486 = arith.constant 5.000000e-01 : f32
    %lt3A_487 = vector.broadcast %lt3A_486 : f32 to vector<1x512xf32>
    %lt3A_488 = arith.cmpf olt, %get3A_479, %lt3A_487 : vector<1x512xf32>
    %eq3A_489 = vector.broadcast %convert_element_type3A_9 : vector<80x1xf32> to vector<80x512xf32>
    %eq3A_490 = vector.broadcast %get3A_485 : vector<1x512xf32> to vector<80x512xf32>
    %eq3A_491 = arith.cmpf oeq, %eq3A_489, %eq3A_490 : vector<80x512xf32>
    %or3A_492 = vector.broadcast %lt3A_488 : vector<1x512xi1> to vector<80x512xi1>
    %or3A_493 = arith.ori %or3A_492, %eq3A_491 : vector<80x512xi1>
    %jit3A_494 = arith.constant 9.99999974E-5 : f32
    %jit3A_495 = arith.constant 0.999899983 : f32
    %max3A_496 = vector.broadcast %jit3A_494 : f32 to vector<80x512xf32>
    %max3A_497 = arith.maximumf %max3A_496, %get3A_473 : vector<80x512xf32>
    %min3A_498 = vector.broadcast %jit3A_495 : f32 to vector<80x512xf32>
    %min3A_499 = arith.minimumf %min3A_498, %max3A_497 : vector<80x512xf32>
    %neg3A_500 = arith.constant 0.000000e+00 : f32
    %neg3A_501 = vector.broadcast %neg3A_500 : f32 to vector<80x512xf32>
    %neg3A_502 = arith.subf %neg3A_501, %min3A_499 : vector<80x512xf32>
    %select_n3A_503 = arith.select %or3A_493, %neg3A_502, %min3A_499 : vector<80x512xi1>, vector<80x512xf32>
    %jit3A_504 = arith.constant 2.500000e-01 : f32
    %jit3A_505 = arith.constant 7.500000e-01 : f32
    %broadcast_in_dim3A_506 = vector.broadcast %jit3A_504 : f32 to vector<80x512xf32>
    %broadcast_in_dim3A_507 = vector.broadcast %jit3A_505 : f32 to vector<80x512xf32>
    %select_n3A_508 = arith.select %or3A_493, %broadcast_in_dim3A_506, %broadcast_in_dim3A_507 : vector<80x512xi1>, vector<80x512xf32>
    %mul3A_509 = arith.constant 3072 : i32
    %mul3A_510 = arith.muli %arg1, %mul3A_509 : i32
    %add3A_511 = arith.constant 2560 : i32
    %add3A_512 = arith.addi %mul3A_510, %add3A_511 : i32
    %add3A_513 = vector.broadcast %add3A_512 : i32 to vector<1x512xi32>
    %add3A_514 = arith.addi %iota3A_10, %add3A_513 : vector<1x512xi32>
    %lt3A_515 = arith.constant 49104 : i32
    %lt3A_516 = vector.broadcast %lt3A_515 : i32 to vector<1x512xi32>
    %lt3A_517 = arith.cmpi slt, %add3A_514, %lt3A_516 : vector<1x512xi32>
    %mul3A_518 = arith.constant -1.23093423E-6 : f32
    %mul3A_519 = vector.broadcast %mul3A_518 : f32 to vector<80x512xf32>
    %mul3A_520 = arith.mulf %mul3A_519, %select_n3A_503 : vector<80x512xf32>
    %add3A_521 = arith.constant 8.09915713E-4 : f32
    %add3A_522 = vector.broadcast %add3A_521 : f32 to vector<80x512xf32>
    %add3A_523 = arith.addf %mul3A_520, %add3A_522 : vector<80x512xf32>
    %mul3A_524 = arith.mulf %add3A_523, %select_n3A_503 : vector<80x512xf32>
    %add3A_525 = arith.constant 5.35893196E-4 : f32
    %add3A_526 = vector.broadcast %add3A_525 : f32 to vector<80x512xf32>
    %add3A_527 = arith.addf %mul3A_524, %add3A_526 : vector<80x512xf32>
    %mul3A_528 = arith.mulf %add3A_527, %select_n3A_503 : vector<80x512xf32>
    %add3A_529 = arith.constant -0.00751353195 : f32
    %add3A_530 = vector.broadcast %add3A_529 : f32 to vector<80x512xf32>
    %add3A_531 = arith.addf %mul3A_528, %add3A_530 : vector<80x512xf32>
    %mul3A_532 = arith.mulf %add3A_531, %select_n3A_503 : vector<80x512xf32>
    %add3A_533 = arith.constant -0.0111303683 : f32
    %add3A_534 = vector.broadcast %add3A_533 : f32 to vector<80x512xf32>
    %add3A_535 = arith.addf %mul3A_532, %add3A_534 : vector<80x512xf32>
    %mul3A_536 = arith.mulf %add3A_535, %select_n3A_503 : vector<80x512xf32>
    %add3A_537 = arith.constant 0.0480203182 : f32
    %add3A_538 = vector.broadcast %add3A_537 : f32 to vector<80x512xf32>
    %add3A_539 = arith.addf %mul3A_536, %add3A_538 : vector<80x512xf32>
    %mul3A_540 = arith.mulf %add3A_539, %select_n3A_503 : vector<80x512xf32>
    %add3A_541 = arith.constant 0.199572131 : f32
    %add3A_542 = vector.broadcast %add3A_541 : f32 to vector<80x512xf32>
    %add3A_543 = arith.addf %mul3A_540, %add3A_542 : vector<80x512xf32>
    %mul3A_544 = arith.mulf %add3A_543, %select_n3A_503 : vector<80x512xf32>
    %add3A_545 = arith.constant 0.298289418 : f32
    %add3A_546 = vector.broadcast %add3A_545 : f32 to vector<80x512xf32>
    %add3A_547 = arith.addf %mul3A_544, %add3A_546 : vector<80x512xf32>
    %mul3A_548 = arith.mulf %add3A_547, %select_n3A_503 : vector<80x512xf32>
    %add3A_549 = arith.constant 0.173286781 : f32
    %add3A_550 = vector.broadcast %add3A_549 : f32 to vector<80x512xf32>
    %add3A_551 = arith.addf %mul3A_548, %add3A_550 : vector<80x512xf32>
    %mul3A_552 = arith.mulf %select_n3A_508, %add3A_551 : vector<80x512xf32>
    %jit3A_553 = arith.constant 0.000000e+00 : f32
    %broadcast_in_dim3A_554 = vector.shape_cast %lt3A_517 : vector<1x512xi1> to vector<1x512xi1>
    %broadcast_in_dim3A_555 = vector.broadcast %broadcast_in_dim3A_554 : vector<1x512xi1> to vector<80x512xi1>
    %broadcast_in_dim3A_556 = vector.broadcast %jit3A_553 : f32 to vector<80x512xf32>
    %select_n3A_557 = arith.select %broadcast_in_dim3A_555, %mul3A_552, %broadcast_in_dim3A_556 : vector<80x512xi1>, vector<80x512xf32>
    %reduce_sum3A_558 = vector.shape_cast %select_n3A_557 : vector<80x512xf32> to vector<1x80x512xf32>
    %reduce_sum3A_559 = arith.constant dense<0.000000e+00> : vector<1xf32>
    %reduce_sum3A_560 = vector.multi_reduction <add>, %reduce_sum3A_558, %reduce_sum3A_559 [1, 2] : vector<1x80x512xf32> to vector<1xf32>
    %reduce_sum3A_561 = vector.shape_cast %reduce_sum3A_560 : vector<1xf32> to vector<1x1x1xf32>
    %reduce_sum3A_562 = vector.extract %reduce_sum3A_561[0, 0, 0] : f32 from vector<1x1x1xf32>
    %add3A_563 = arith.addf %reduce_sum3A_92, %reduce_sum3A_186 : f32
    %add3A_564 = arith.addf %reduce_sum3A_280, %reduce_sum3A_374 : f32
    %add3A_565 = arith.addf %reduce_sum3A_468, %reduce_sum3A_562 : f32
    %add3A_566 = arith.addf %add3A_563, %add3A_564 : f32
    %add3A_567 = arith.addf %add3A_566, %add3A_565 : f32
    %get3A_568 = arith.constant 0 : index
    %get3A_569 = memref.load %arg8[%get3A_568] : memref<4xf32, #tpu.memory_space<smem>>
    %add3A_570 = arith.addf %get3A_569, %add3A_567 : f32
    %swap3A = arith.constant 0 : index
    %swap3A_571 = memref.load %arg8[%swap3A] : memref<4xf32, #tpu.memory_space<smem>>
    memref.store %add3A_570, %arg8[%swap3A] : memref<4xf32, #tpu.memory_space<smem>>
    %eq3A_572 = arith.constant 15 : i32
    %eq3A_573 = arith.cmpi eq, %arg1, %eq3A_572 : i32
    %convert_element_type3A_574 = arith.extui %eq3A_573 : i1 to i32
    %cond3A_575 = arith.constant 0 : i32
    %cond3A_576 = arith.cmpi ne, %convert_element_type3A_574, %cond3A_575 : i32
    scf.if %cond3A_576 {
      %get3A_577 = arith.constant 0 : index
      %get3A_578 = arith.index_cast %arg0 : i32 to index
      %get3A_579 = memref.load %arg5[%get3A_577, %get3A_578] : memref<2x8xf32, #tpu.memory_space<smem>>
      %get3A_580 = arith.constant 1 : index
      %get3A_581 = arith.index_cast %arg0 : i32 to index
      %get3A_582 = memref.load %arg5[%get3A_580, %get3A_581] : memref<2x8xf32, #tpu.memory_space<smem>>
      %get3A_583 = arith.constant 0 : index
      %get3A_584 = memref.load %arg8[%get3A_583] : memref<4xf32, #tpu.memory_space<smem>>
      %max3A_585 = arith.constant 0.00999999977 : f32
      %max3A_586 = arith.maximumf %get3A_582, %max3A_585 : f32
      %div3A = arith.divf %get3A_584, %max3A_586 : f32
      %gt3A = arith.constant 0.000000e+00 : f32
      %gt3A_587 = arith.cmpf ogt, %get3A_582, %gt3A : f32
      %mul3A_588 = arith.constant 4.000000e+00 : f32
      %mul3A_589 = arith.mulf %mul3A_588, %get3A_582 : f32
      %max3A_590 = arith.constant 1.000000e+00 : f32
      %max3A_591 = arith.maximumf %mul3A_589, %max3A_590 : f32
      %div3A_592 = arith.divf %get3A_579, %max3A_591 : f32
      %jit3A_593 = arith.constant 0.000000e+00 : f32
      %select_n3A_594 = arith.select %gt3A_587, %div3A_592, %jit3A_593 : f32
      %get3A_595 = arith.constant 1 : index
      %get3A_596 = memref.load %arg8[%get3A_595] : memref<4xf32, #tpu.memory_space<smem>>
      %add3A_597 = arith.addf %get3A_596, %div3A : f32
      %swap3A_598 = arith.constant 1 : index
      %swap3A_599 = memref.load %arg8[%swap3A_598] : memref<4xf32, #tpu.memory_space<smem>>
      memref.store %add3A_597, %arg8[%swap3A_598] : memref<4xf32, #tpu.memory_space<smem>>
      %get3A_600 = arith.constant 2 : index
      %get3A_601 = memref.load %arg8[%get3A_600] : memref<4xf32, #tpu.memory_space<smem>>
      %add3A_602 = arith.addf %get3A_601, %select_n3A_594 : f32
      %swap3A_603 = arith.constant 2 : index
      %swap3A_604 = memref.load %arg8[%swap3A_603] : memref<4xf32, #tpu.memory_space<smem>>
      memref.store %add3A_602, %arg8[%swap3A_603] : memref<4xf32, #tpu.memory_space<smem>>
      %eq3A_605 = arith.constant 7 : i32
      %eq3A_606 = arith.cmpi eq, %arg0, %eq3A_605 : i32
      %convert_element_type3A_607 = arith.extui %eq3A_606 : i1 to i32
      %cond3A_608 = arith.constant 0 : i32
      %cond3A_609 = arith.cmpi ne, %convert_element_type3A_607, %cond3A_608 : i32
      scf.if %cond3A_609 {
        %get3A_610 = arith.constant 0 : index
        %get3A_611 = memref.load %arg6[%get3A_610] : memref<2xf32, #tpu.memory_space<smem>>
        %get3A_612 = arith.constant 1 : index
        %get3A_613 = memref.load %arg8[%get3A_612] : memref<4xf32, #tpu.memory_space<smem>>
        %div3A_614 = arith.constant 8.000000e+00 : f32
        %div3A_615 = arith.divf %get3A_613, %div3A_614 : f32
        %add3A_616 = arith.addf %get3A_611, %div3A_615 : f32
        %swap3A_617 = arith.constant 0 : index
        %swap3A_618 = memref.load %arg7[%swap3A_617] : memref<2xf32, #tpu.memory_space<smem>>
        memref.store %add3A_616, %arg7[%swap3A_617] : memref<2xf32, #tpu.memory_space<smem>>
        %get3A_619 = arith.constant 1 : index
        %get3A_620 = memref.load %arg6[%get3A_619] : memref<2xf32, #tpu.memory_space<smem>>
        %get3A_621 = arith.constant 2 : index
        %get3A_622 = memref.load %arg8[%get3A_621] : memref<4xf32, #tpu.memory_space<smem>>
        %div3A_623 = arith.constant 8.000000e+00 : f32
        %div3A_624 = arith.divf %get3A_622, %div3A_623 : f32
        %add3A_625 = arith.addf %get3A_620, %div3A_624 : f32
        %swap3A_626 = arith.constant 1 : index
        %swap3A_627 = memref.load %arg7[%swap3A_626] : memref<2xf32, #tpu.memory_space<smem>>
        memref.store %add3A_625, %arg7[%swap3A_626] : memref<2xf32, #tpu.memory_space<smem>>
      } else {
      }
    } else {
    }
    return
  }
  func.func @transform_0(%arg0: i32, %arg1: i32) -> (i32, i32, i32) {
    %c0_i32 = arith.constant 0 : i32
    %c0_i32_0 = arith.constant 0 : i32
    return %arg0, %c0_i32, %arg1 : i32, i32, i32
  }
  func.func @transform_1(%arg0: i32, %arg1: i32) -> (i32, i32, i32, i32) {
    %c0_i32 = arith.constant 0 : i32
    %c0_i32_0 = arith.constant 0 : i32
    %c0_i32_1 = arith.constant 0 : i32
    return %arg0, %arg1, %c0_i32, %c0_i32_0 : i32, i32, i32, i32
  }
  func.func @transform_2(%arg0: i32, %arg1: i32) -> (i32, i32, i32, i32) {
    %c0_i32 = arith.constant 0 : i32
    %c0_i32_0 = arith.constant 0 : i32
    %c0_i32_1 = arith.constant 0 : i32
    return %arg0, %arg1, %c0_i32, %c0_i32_0 : i32, i32, i32, i32
  }
  func.func @transform_3(%arg0: i32, %arg1: i32) -> (i32, i32) {
    %c0_i32 = arith.constant 0 : i32
    %c0_i32_0 = arith.constant 0 : i32
    %c0_i32_1 = arith.constant 0 : i32
    return %c0_i32, %c0_i32_0 : i32, i32
  }
  func.func @transform_4(%arg0: i32, %arg1: i32) -> i32 {
    %c0_i32 = arith.constant 0 : i32
    %c0_i32_0 = arith.constant 0 : i32
    return %c0_i32 : i32
  }
  func.func @transform_5(%arg0: i32, %arg1: i32) -> i32 {
    %c0_i32 = arith.constant 0 : i32
    %c0_i32_0 = arith.constant 0 : i32
    return %c0_i32 : i32
  }
}

</mosaic_0001>

<sc_bundles>
// kernel: kernel.5.cloned.1.call-start
scs
__scs_entry_jumppad:
0x0: {  	(pc) =	sbr.rel $0x88, $3  }
0x1: {  	(tag) =	ssettag $0x0;
	lr =	simm.s32 $0x1  }
0x2: {  	[smem:$0x3F9D] =	sst lr;
	_ =	strace $0xD0000000  }
0x3: {  	_ = 	snop  }
0x4: {  	_ = 	snop  }
0x5: {  	_ = 	snop  }
0x6: {  	_ = 	snop  }
0x7: {  	_ = 	snop  }
__scs_overlays_trampoline_lowered:
0x8: {  	[smem:$0x3FAC] =	sst s0  }
0x9: {  	[smem:$0x3FAD] =	sst s1  }
0xa: {  	[smem:$0x3FAE] =	sst s2  }
0xb: {  	[smem:$0x3FAF] =	sst s3  }
0xc: {  	[smem:$0x3FB0] =	sst s4  }
0xd: {  	[smem:$0x3FB1] =	sst s5  }
0xe: {  	[smem:$0x3FB2] =	sst s6  }
0xf: {  	[smem:$0x3FB3] =	sst s7  }
0x10: {  	[smem:$0x3FB4] =	sst s8  }
0x11: {  	[smem:$0x3FB5] =	sst s9;
	s0 =	simm.s32 @!p0 $0x0  }
0x12: {  	s1 =	sld [smem:$0x3F9B];
	s0 =	simm.s32 @p0 $0x1  }
0x13: {  	[smem:$0x3FB6] =	sst s0;
	s0 =	simm.s32 @!p1 $0x0  }
0x14: {  	s2 =	sld [smem:$0x3F9A];
	s0 =	simm.s32 @p1 $0x1  }
0x15: {  	[smem:$0x3FB7] =	sst s0;
	s0 =	simm.s32 @!p2 $0x0  }
0x16: {  	s3 =	sld [smem:$0x3FDB];
	s0 =	simm.s32 @p2 $0x1  }
0x17: {  	s4 =	simm.s32 $0x1BF5;
	[smem:$0x3FB9] =	sst s0  }
0x18: {  	s0 =	sld [smem:$0x3F9C];
	_ =	swait.ge [sflag:s4], $0x0  }
0x19: {  	s7 =	sld [smem:$0x3F9D]  }
0x1a: {  	s8 =	sadd.s32 $0xFFFFE003, lr  }
0x1b: {  	s9 =	sadd.s32 $0xFFFFFEF7, lr;
	s5 =	simm.s32 $0xFFFFFFFF;
	p2 =	slt.u32 s8, $0xFFFFF086  }
0x1c: {  	p1 =	slt.u32 s9, $0xF7A;
	s5 =	simm.s32 @!p2 $0x0  }
0x1d: {  	s5 =	simm.s32 @p1 $0x1;
	p0 =	seq.s32 s7, s2  }
0x1e: {  	s7 =	smul.u32 @!p0 $0xF7A, s2;
	p2 =	seq.s32 @!p0 s5, $0x0  }
0x1f: {  	s9 =	smul.u32 $0xF7A, s1;
	s8 =	simm.s32 @!p0 $0x1BF5;
	p2 =	por !p2, p0  }
0x20: {  	[sflag:s8] =	ssyncset.s32 @!p0 $0xFFFFF086;
	s6 =	sadd.s32 @!p0 s3, s7;
	s7 =	simm.s32 @!p0 $0x108  }
0x21: {  	s3 =	sadd.s32 s3, s9;
	s6 =	sadd.s32 @!p0 $0x88, s6;
	s7 =	simm.s32 @p2 $0x1082  }
0x22: {  	[simem:s7], [sflag:s8] =	dma.local @!p0 [hbm:s6], $0xF7A  }
0x23: {  	s9 =	sor.u32 $0xD0000000, s2;
	s6 =	simm.s32 $0x108;
	_ =	swait.ge @!p0 [sflag:s8], $0x0  }
0x24: {  	s3 =	sadd.s32 $0x88, s3;
	s6 =	simm.s32 @!p1 $0x1082;
	[sflag:s4] =	ssyncset.s32 $0xFFFFF086  }
0x25: {  	[simem:s6], [sflag:s4] =	dma.local [hbm:s3], $0xF7A  }
0x26: {  	[smem:$0x3F9D] =	sst s1;
	(tag) =	ssettag s2;
	_ =	strace s9  }
0x27: {  	s1 =	sld [smem:$0x3FAD]  }
0x28: {  	s2 =	sld [smem:$0x3FAE]  }
0x29: {  	s4 =	sld [smem:$0x3FB0]  }
0x2a: {  	p0 =	seq.s32 s5, $0x0;
	s5 =	sld [smem:$0x3FB1]  }
0x2b: {  	s6 =	sld [smem:$0x3FB2]  }
0x2c: {  	s7 =	sld [smem:$0x3FB3]  }
0x2d: {  	s3 =	simm.s32 $0x108;
	s8 =	sld [smem:$0x3FB4]  }
0x2e: {  	s3 =	simm.s32 @!p0 $0x1082;
	s9 =	sld [smem:$0x3FB5]  }
0x2f: {  	lr =	sadd.s32 s0, s3;
	s0 =	sld [smem:$0x3FAC]  }
0x30: {  	s3 =	sld [smem:$0x3FAF]  }
0x31: {  	[smem:$0x3FB8] =	sst s10  }
0x32: {  	s10 =	sld [smem:$0x3FB6];
	_ =	sdelay $0x3  }
0x33: {  	p0 =	seq.s32 s10, $0x1;
	s10 =	sld [smem:$0x3FB8];
	_ =	sdelay $0x3  }
0x34: {  	[smem:$0x3FB8] =	sst s10  }
0x35: {  	s10 =	sld [smem:$0x3FB7];
	_ =	sdelay $0x3  }
0x36: {  	p1 =	seq.s32 s10, $0x1;
	s10 =	sld [smem:$0x3FB8];
	_ =	sdelay $0x3  }
0x37: {  	[smem:$0x3FB8] =	sst s10  }
0x38: {  	s10 =	sld [smem:$0x3FB9]  }
0x39: {  	_ = 	snop;
	(pc) =	sbr.ind lr, $3  }
0x3a: {  	_ = 	snop  }
0x3b: {  	_ = 	snop  }
0x3c: {  	p2 =	seq.s32 s10, $0x1;
	s10 =	sld [smem:$0x3FB8]  }
0x3d: {  	_ =	shalt  }
0x3e: {  	_ =	shalt  }
0x3f: {  	_ =	shalt  }
0x40: {  	_ =	shalt  }
0x41: {  	_ =	shalt  }
0x42: {  	_ =	shalt  }
0x43: {  	_ =	shalt  }
0x44: {  	_ =	shalt  }
0x45: {  	_ =	shalt  }
0x46: {  	_ =	shalt  }
0x47: {  	_ =	shalt  }
0x48: {  	_ =	shalt  }
0x49: {  	_ =	shalt  }
0x4a: {  	_ =	shalt  }
0x4b: {  	_ =	shalt  }
0x4c: {  	_ =	shalt  }
0x4d: {  	_ =	shalt  }
0x4e: {  	_ =	shalt  }
0x4f: {  	_ =	shalt  }
0x50: {  	_ =	shalt  }
0x51: {  	_ =	shalt  }
0x52: {  	_ =	shalt  }
0x53: {  	_ =	shalt  }
0x54: {  	_ =	shalt  }
0x55: {  	_ =	shalt  }
0x56: {  	_ =	shalt  }
0x57: {  	_ =	shalt  }
0x58: {  	_ =	shalt  }
0x59: {  	_ =	shalt  }
0x5a: {  	_ =	shalt  }
0x5b: {  	_ =	shalt  }
0x5c: {  	_ =	shalt  }
0x5d: {  	_ =	shalt  }
0x5e: {  	_ =	shalt  }
0x5f: {  	_ =	shalt  }
0x60: {  	_ =	shalt  }
0x61: {  	_ =	shalt  }
0x62: {  	_ =	shalt  }
0x63: {  	_ =	shalt  }
0x64: {  	_ =	shalt  }
0x65: {  	_ =	shalt  }
0x66: {  	_ =	shalt  }
0x67: {  	_ =	shalt  }
0x68: {  	_ =	shalt  }
0x69: {  	_ =	shalt  }
0x6a: {  	_ =	shalt  }
0x6b: {  	_ =	shalt  }
0x6c: {  	_ =	shalt  }
0x6d: {  	_ =	shalt  }
0x6e: {  	_ =	shalt  }
0x6f: {  	_ =	shalt  }
0x70: {  	_ =	shalt  }
0x71: {  	_ =	shalt  }
0x72: {  	_ =	shalt  }
0x73: {  	_ =	shalt  }
0x74: {  	_ =	shalt  }
0x75: {  	_ =	shalt  }
0x76: {  	_ =	shalt  }
0x77: {  	_ =	shalt  }
0x78: {  	_ =	shalt  }
0x79: {  	_ =	shalt  }
0x7a: {  	_ =	shalt  }
0x7b: {  	_ =	shalt  }
0x7c: {  	_ =	shalt  }
0x7d: {  	_ =	shalt  }
0x7e: {  	_ =	shalt  }
0x7f: {  	_ =	shalt  }
0x80: {  	_ =	shalt  }
0x81: {  	_ =	shalt  }
0x82: {  	_ =	shalt  }
0x83: {  	_ =	shalt  }
0x84: {  	_ =	shalt  }
0x85: {  	_ =	shalt  }
0x86: {  	_ =	shalt  }
0x87: {  	_ =	shalt  }
.Lfunc_end0:
.L_simem_size_0:
called_computation_lowered:
.L_overlay_start_0:
0x88: {  	s2 =	sld [smem:$0x3FD9]  }
0x89: {  	s3 =	sld [smem:$0x3FFE];
	_ =	sdelay $0x1  }
0x8a: {  	s1 =	srdreg.scid  }
0x8b: {  	s0 =	sand.u32 $0x1, s1  }
0x8c: {  	s16 =	sshll.u32 s0, $0xA;
	s2 =	sadd.s32 s3, s2  }
0x8d: {  	s2 =	sadd.s32 s2, s16  }
0x8e: {  	[smem:$0x3FC4] =	sst s2  }
0x8f: {  	_ = 	snop  }
0x90: {  	(tm) =	ssettm $0x1  }
0x91: {  	s17 =	sld [smem:$0x3FFB];
	_ =	sdelay $0x3  }
0x92: {  	_ =	strace s17  }
0x93: {  	s2 =	sld [smem:$0x3FFC];
	_ =	sdelay $0x3  }
0x94: {  	_ =	strace s2  }
0x95: {  	s2 =	sld [smem:$0x3FFD];
	_ =	sdelay $0x3  }
0x96: {  	_ =	strace s2  }
0x97: {  	_ =	strace $0x8FFFFFFF  }
0x98: {  	s18 =	sld [smem:$0x3FDB];
	_ =	sdelay $0x1  }
0x99: {  	s19 =	simm.s32 $_scs_section_size  }
0x9a: {  	s4 =	simm.s32 $_size__tile_overlayer_lowered;
	s5 =	simm.s32 $_tile_overlayer_lowered  }
0x9b: {  	s22 =	simm.s32 $0x1BFF;
	s21 =	sshll.u32 s5, $0x1;
	s2 =	sadd.s32 s19, s18  }
0x9c: {  	s6 =	simm.s32 $0x0;
	s20 =	sshll.u32 s4, $0x1;
	s4 =	sadd.s32 s21, s2  }
0x9d: {  	[timem:s6], [sflag:s22] =	dma.local [hbm:s4], s20  }
0x9e: {  	_ =	swait.ge [sflag:s22], s20  }
0x9f: {  	s3 =	ssub.s32 $0x0, s20;
	[sflag:s22] =	ssyncset.done $0x0  }
0xa0: {  	[sflag:s22] =	ssyncadd.s32 s3;
	_ =	sdelay $0x1  }
0xa1: {  	s23 =	simm.s32 $0x1B8B  }
0xa2: {  	_ =	swait.ge [sflag:s23], $0x1  }
0xa3: {  	[sflag:s23] =	ssyncset.done $0x0  }
0xa4: {  	s25 =	simm.s32 $0x1B8E;
	s24 =	sld [smem:$0x3FFE];
	[sflag:s23] =	ssyncadd.s32 $0xFFFFFFFF  }
0xa5: {  	s26 =	simm.s32 $execute0_lowered;
	[smem:$0x3FD2] =	sst s25  }
0xa6: {  	s4 =	sshll.u32 s26, $0x1;
	_ =	strace $0x80000046;
	[dreg:$0x1] =	wrdreg $0xFFFFFFFF  }
0xa7: {  	s28 =	simm.s32 $_size_execute0_lowered;
	s2 =	sadd.s32 s2, s4;
	[dreg:$0x0] =	wrdreg $0x0  }
0xa8: {  	s4 =	sshll.u32 s28, $0x1;
	[dreg:$0x2] =	wrdreg s2  }
0xa9: {  	[dreg:$0x3] =	wrdreg s4  }
0xaa: {  	[dreg:$0x4] =	wrdreg $0xC0  }
0xab: {  	_ =	task [dreg:s6], $0x5FFFF  }
0xac: {  	[dreg:$0x1] =	wrdreg $0xFFFFFFFF  }
0xad: {  	[dreg:$0x0] =	wrdreg $0x60  }
0xae: {  	[dreg:$0x2] =	wrdreg s24  }
0xaf: {  	[dreg:$0x3] =	wrdreg $0x9  }
0xb0: {  	_ =	task.clear_ibuf [dreg:s6], $0x4FFFF;
	_ =	strace $0x90000046  }
0xb1: {  	s29 =	simm.s32 $0x9;
	_ =	strace $0x80000048  }
0xb2: {  	_ =	swait.ge [sflag:s29], $0x1  }
0xb3: {  	[sflag:s29] =	ssyncadd.s32 $0xFFFFFFFF  }
0xb4: {  	_ =	strace $0x90000048  }
0xb5: {  	_ =	sfence  }
0xb6: {  	s30 =	sld [smem:$0x0];
	_ =	sdelay $0x2  }
0xb7: {  	s31 =	sshll.u32 s1, $0xD;
	s1 =	sshrl.u32 s1, $0x2  }
0xb8: {  	s3 =	sand.u32 $0x4000, s31;
	s1 =	sadd.s32 s1, s30  }
0xb9: {  	s0 =	sor.u32 s3, s0;
	s1 =	sshll.u32 s1, $0x11  }
0xba: {  	s0 =	sor.u32 s1, s0  }
0xbb: {  	s0 =	sadd.s32 $0x8F2B, s0  }
0xbc: {  	[sflag:s0] =	ssyncadd.remote.s32 $0x1  }
0xbd: {  	_ =	sfence.sel $0xFFFF  }
0xbe: {  	[dreg:$0x0] =	wrdreg $0xFFFFFFFF;
	(pc) =	sbr.abs _section_cstart, $3  }
0xbf: {  	[dreg:$0x1] =	wrdreg $0xFFFFFFFF  }
0xc0: {  	_ =	task.clear_ibuf [dreg:s6], $0x2FFFF;
	_ =	strace $0x9FFFFFFF  }
0xc1: {  	(tm) =	ssettm $0x7FFFFFFF  }
tec
execute0_lowered:
.L_overlay_start_1:
0x0: {  	(tag) =	ssettag $0x1  }
0x1: {  	s5 =	stileid.u32  }
0x2: {  	s0 =	srdreg.scid;
	s3 =	rddreg [dreg:$0x0]  }
0x3: {  	s2 =	simm.s32 $0x0;
	s19 =	simm.s32 $0x1;
	s20 =	simm.s32 $0x3000  }
0x4: {  	s21 =	simm.s32 $0x6000;
	s22 =	simm.s32 $0x9000;
	s23 =	simm.s32 $0xC000  }
0x5: {  	s28 =	simm.s32 $0xCA00;
	s29 =	simm.s32 $0xCC00;
	s30 =	simm.s32 $0xFC00  }
0x6: {  	s31 =	simm.s32 $0x0;
	s1 =	sshll.u32 s5, $0x1;
	s0 =	sand.u32 $0x1, s0  }
0x7: {  	s5 =	sshrl.u32 s5, $0x1;
	[smem:$0x7FF] =	sst s2;
	s15 =	sadd.s32 $0x7E00, s3  }
0x8: {  	s1 =	sand.u32 $0x2, s1;
	s6 =	smul.u32 $0xC000, s5;
	_ =	strace $0x80000047  }
0x9: {  	v0 =	vlaneseq.u32;
	s24 =	sshll.u32 s5, $0x6;
	s10 =	smul.u32 $0x30000, s5;
	s1 =	sor.u32 s0, s1  }
0xa: {  	v2 =	vor.u32 $0x10, v0;
	s0 =	ssub.s32 $0x2, s0;
	s11 =	sadd.s32 s24, s3;
	s4 =	smul.u32 $0x600, s1  }
0xb: {  	v3 =	vor.u32 $0x20, v0;
	v4 =	vor.u32 $0x30, v0;
	v5 =	vor.u32 $0x40, v0;
	s24 =	simm.s32 $0xC200;
	s1 =	smul.u32 $0x3000, s1;
	s26 =	sshrl.u32 s0, $0x1  }
0xc: {  	v6 =	vor.u32 $0x50, v0;
	v7 =	vor.u32 $0x60, v0;
	v8 =	vor.u32 $0x70, v0;
	s8 =	sadd.s32 $0x7600, s11;
	s9 =	sadd.s32 $0x7800, s11;
	s0 =	ssub.s32 s0, s26  }
0xd: {  	v9 =	vor.u32 $0x80, v0;
	v10 =	vor.u32 $0x90, v0;
	v11 =	vor.u32 $0xA0, v0;
	s26 =	simm.s32 $0xC600;
	s7 =	sadd.s32 s4, s3;
	s6 =	sadd.s32 s6, s1  }
0xe: {  	v12 =	vor.u32 $0xB0, v0;
	v13 =	vor.u32 $0xC0, v0;
	v14 =	vor.u32 $0xD0, v0;
	s1 =	sor.u32 s10, s1;
	s10 =	sadd.s32 $0x7A00, s11;
	s18 =	smax.u32 s0, $0x1  }
0xf: {  	v15 =	vor.u32 $0xE0, v0;
	v16 =	vor.u32 $0xF0, v0;
	v17 =	vor.u32 $0x100, v0;
	s25 =	sshrl.u32 s6, $0x3;
	s4 =	sadd.s32 $0x2C00, s7;
	s5 =	sadd.s32 $0x4400, s7  }
0x10: {  	v18 =	vor.u32 $0x110, v0;
	v19 =	vor.u32 $0x120, v0;
	v20 =	vor.u32 $0x130, v0;
	s6 =	sadd.s32 $0x5C00, s7;
	s14 =	sadd.s32 $0xC000, s1;
	s1 =	sshrl.u32 s1, $0x3  }
0x11: {  	v21 =	vor.u32 $0x140, v0;
	v22 =	vor.u32 $0x150, v0;
	v23 =	vor.u32 $0x160, v0;
	s13 =	sadd.s32 s25, s3;
	s3 =	sadd.s32 $0x1400, s7;
	s7 =	sadd.s32 $0x7400, s11  }
0x12: {  	v24 =	vor.u32 $0x170, v0;
	v25 =	vor.u32 $0x180, v0;
	v26 =	vor.u32 $0x190, v0;
	s11 =	sadd.s32 $0x7C00, s11;
	s16 =	sshrl.u32 s14, $0x3;
	s14 =	sadd.s32 s15, s1  }
0x13: {  	v27 =	vor.u32 $0x1A0, v0;
	v28 =	vor.u32 $0x1B0, v0;
	v29 =	vor.u32 $0x1C0, v0;
	s25 =	simm.s32 $0xC400;
	s12 =	sadd.s32 $0x37E00, s13;
	s13 =	sadd.s32 $0x43E00, s13  }
0x14: {  	v30 =	vor.u32 $0x1D0, v0;
	v31 =	vor.u32 $0x1E0, v0;
	v32 =	vor.u32 $0x1F0, v0;
	s15 =	sadd.s32 s15, s16;
	s16 =	sadd.s32 $0x3000, s14;
	s17 =	sadd.s32 $0x4800, s14  }
.LBB2_1:
0x15: {  	[tilespmem:s2], [sflag:$0x1] =	stream.linear.gather [hbm4b:s3+s2], $0x3000, $0x38;
	[tilespmem:$0x12C00] =	vst v63  }
0x16: {  	_ =	swait.ge [sflag:s19], $0x3000  }
0x17: {  	[sflag:s19] =	ssyncset.done $0x0  }
0x18: {  	[sflag:s19] =	ssyncadd.s32 $0xFFFFD000  }
0x19: {  	[tilespmem:s20], [sflag:$0x1] =	stream.linear.gather [hbm4b:s4+s2], $0x3000, $0x38;
	[tilespmem:$0x12C00] =	vst v63  }
0x1a: {  	_ =	swait.ge [sflag:s19], $0x3000  }
0x1b: {  	[sflag:s19] =	ssyncset.done $0x0  }
0x1c: {  	[sflag:s19] =	ssyncadd.s32 $0xFFFFD000  }
0x1d: {  	[tilespmem:s21], [sflag:$0x1] =	stream.linear.gather [hbm4b:s5+s2], $0x3000, $0x38;
	[tilespmem:$0x12C00] =	vst v63  }
0x1e: {  	_ =	swait.ge [sflag:s19], $0x3000  }
0x1f: {  	[sflag:s19] =	ssyncset.done $0x0  }
0x20: {  	[sflag:s19] =	ssyncadd.s32 $0xFFFFD000  }
0x21: {  	[tilespmem:s22], [sflag:$0x1] =	stream.linear.gather [hbm4b:s6+s2], $0x3000, $0x38;
	[tilespmem:$0x12C00] =	vst v63  }
0x22: {  	_ =	swait.ge [sflag:s19], $0x3000  }
0x23: {  	[sflag:s19] =	ssyncset.done $0x0  }
0x24: {  	[sflag:s19] =	ssyncadd.s32 $0xFFFFD000  }
0x25: {  	[tilespmem:s23], [sflag:$0x1] =	stream.linear.gather [hbm4b:s7+s2], $0x200, $0x38;
	[tilespmem:$0x12C00] =	vst v63  }
0x26: {  	_ =	swait.ge [sflag:s19], $0x200  }
0x27: {  	[sflag:s19] =	ssyncset.done $0x0  }
0x28: {  	[sflag:s19] =	ssyncadd.s32 $0xFFFFFE00  }
0x29: {  	[tilespmem:s24], [sflag:$0x1] =	stream.linear.gather [hbm4b:s8+s2], $0x200, $0x38;
	[tilespmem:$0x12C00] =	vst v63  }
0x2a: {  	_ =	swait.ge [sflag:s19], $0x200  }
0x2b: {  	[sflag:s19] =	ssyncset.done $0x0  }
0x2c: {  	[sflag:s19] =	ssyncadd.s32 $0xFFFFFE00  }
0x2d: {  	[tilespmem:s25], [sflag:$0x1] =	stream.linear.gather [hbm4b:s9+s2], $0x200, $0x38;
	[tilespmem:$0x12C00] =	vst v63  }
0x2e: {  	_ =	swait.ge [sflag:s19], $0x200  }
0x2f: {  	[sflag:s19] =	ssyncset.done $0x0  }
0x30: {  	[sflag:s19] =	ssyncadd.s32 $0xFFFFFE00  }
0x31: {  	[tilespmem:s26], [sflag:$0x1] =	stream.linear.gather [hbm4b:s10+s2], $0x200, $0x38;
	[tilespmem:$0x12C00] =	vst v63  }
0x32: {  	_ =	swait.ge [sflag:s19], $0x200  }
0x33: {  	[sflag:s19] =	ssyncset.done $0x0  }
0x34: {  	[sflag:s19] =	ssyncadd.s32 $0xFFFFFE00  }
0x35: {  	[tilespmem:s28], [sflag:$0x1] =	stream.linear.gather [hbm4b:s11+s2], $0x200, $0x38;
	[tilespmem:$0x12C00] =	vst v63  }
0x36: {  	_ =	swait.ge [sflag:s19], $0x200  }
0x37: {  	[sflag:s19] =	ssyncset.done $0x0  }
0x38: {  	[sflag:s19] =	ssyncadd.s32 $0xFFFFFE00  }
0x39: {  	v61 =	vld [tilespmem:$0xC490];
	_ =	sdelay $0x4  }
0x3a: {  	[tilespmem:$0x1FBF0] =	vst v61;
	v61 =	vld [tilespmem:$0xC090];
	_ =	sdelay $0x4  }
0x3b: {  	[tilespmem:$0x1FC00] =	vst v61;
	v61 =	vld [tilespmem:$0xC690];
	_ =	sdelay $0x4  }
0x3c: {  	[tilespmem:$0x1FC10] =	vst v61;
	v61 =	vld [tilespmem:$0xC290];
	_ =	sdelay $0x4  }
0x3d: {  	[tilespmem:$0x1FC20] =	vst v61;
	v61 =	vld [tilespmem:$0xC4A0];
	_ =	sdelay $0x4  }
0x3e: {  	[tilespmem:$0x1FC30] =	vst v61;
	v61 =	vld [tilespmem:$0xC0A0];
	_ =	sdelay $0x4  }
0x3f: {  	[tilespmem:$0x1FC40] =	vst v61;
	v61 =	vld [tilespmem:$0xC6A0];
	_ =	sdelay $0x4  }
0x40: {  	[tilespmem:$0x1FC50] =	vst v61;
	v61 =	vld [tilespmem:$0xC2A0];
	_ =	sdelay $0x4  }
0x41: {  	[tilespmem:$0x1FC60] =	vst v61;
	v61 =	vld [tilespmem:$0xC4B0];
	_ =	sdelay $0x4  }
0x42: {  	[tilespmem:$0x1FC70] =	vst v61;
	v61 =	vld [tilespmem:$0xC0B0];
	_ =	sdelay $0x4  }
0x43: {  	[tilespmem:$0x1FC80] =	vst v61;
	v61 =	vld [tilespmem:$0xC6B0];
	_ =	sdelay $0x4  }
0x44: {  	[tilespmem:$0x1FC90] =	vst v61;
	v61 =	vld [tilespmem:$0xC2B0];
	_ =	sdelay $0x4  }
0x45: {  	[tilespmem:$0x1FCA0] =	vst v61;
	v61 =	vld [tilespmem:$0xC4C0];
	_ =	sdelay $0x4  }
0x46: {  	[tilespmem:$0x1FCB0] =	vst v61;
	v61 =	vld [tilespmem:$0xC0C0];
	_ =	sdelay $0x4  }
0x47: {  	[tilespmem:$0x1FCC0] =	vst v61;
	v61 =	vld [tilespmem:$0xC6C0];
	_ =	sdelay $0x4  }
0x48: {  	[tilespmem:$0x1FCD0] =	vst v61;
	v61 =	vld [tilespmem:$0xC2C0];
	_ =	sdelay $0x4  }
0x49: {  	[tilespmem:$0x1FCE0] =	vst v61;
	v61 =	vld [tilespmem:$0xC4D0];
	_ =	sdelay $0x4  }
0x4a: {  	[tilespmem:$0x1FCF0] =	vst v61;
	v61 =	vld [tilespmem:$0xC0D0];
	_ =	sdelay $0x4  }
0x4b: {  	[tilespmem:$0x1FD00] =	vst v61;
	v61 =	vld [tilespmem:$0xC6D0];
	_ =	sdelay $0x4  }
0x4c: {  	[tilespmem:$0x1FD10] =	vst v61;
	v61 =	vld [tilespmem:$0xC2D0];
	_ =	sdelay $0x4  }
0x4d: {  	[tilespmem:$0x1FD20] =	vst v61;
	v61 =	vld [tilespmem:$0xC4E0];
	_ =	sdelay $0x4  }
0x4e: {  	[tilespmem:$0x1FD30] =	vst v61;
	v61 =	vld [tilespmem:$0xC0E0];
	_ =	sdelay $0x4  }
0x4f: {  	[tilespmem:$0x1FD40] =	vst v61;
	v61 =	vld [tilespmem:$0xC6E0];
	_ =	sdelay $0x4  }
0x50: {  	[tilespmem:$0x1FD50] =	vst v61;
	v61 =	vld [tilespmem:$0xC2E0];
	_ =	sdelay $0x4  }
0x51: {  	[tilespmem:$0x1FD60] =	vst v61;
	v61 =	vld [tilespmem:$0xC4F0];
	_ =	sdelay $0x4  }
0x52: {  	[tilespmem:$0x1FD70] =	vst v61;
	v61 =	vld [tilespmem:$0xC0F0];
	_ =	sdelay $0x4  }
0x53: {  	[tilespmem:$0x1FD80] =	vst v61;
	v61 =	vld [tilespmem:$0xC6F0];
	_ =	sdelay $0x4  }
0x54: {  	[tilespmem:$0x1FD90] =	vst v61;
	v61 =	vld [tilespmem:$0xC2F0];
	_ =	sdelay $0x4  }
0x55: {  	[tilespmem:$0x1FDA0] =	vst v61;
	v61 =	vld [tilespmem:$0xC500];
	_ =	sdelay $0x4  }
0x56: {  	[tilespmem:$0x1FDB0] =	vst v61;
	v61 =	vld [tilespmem:$0xC100];
	_ =	sdelay $0x4  }
0x57: {  	[tilespmem:$0x1FDC0] =	vst v61;
	v61 =	vld [tilespmem:$0xC700];
	_ =	sdelay $0x4  }
0x58: {  	[tilespmem:$0x1FDD0] =	vst v61;
	v61 =	vld [tilespmem:$0xC300];
	_ =	sdelay $0x4  }
0x59: {  	[tilespmem:$0x1FDE0] =	vst v61;
	v61 =	vld [tilespmem:$0xC510];
	_ =	sdelay $0x4  }
0x5a: {  	[tilespmem:$0x1FDF0] =	vst v61;
	v61 =	vld [tilespmem:$0xC110];
	_ =	sdelay $0x4  }
0x5b: {  	[tilespmem:$0x1FE00] =	vst v61;
	v61 =	vld [tilespmem:$0xC710];
	_ =	sdelay $0x4  }
0x5c: {  	[tilespmem:$0x1FE10] =	vst v61;
	v61 =	vld [tilespmem:$0xC310];
	_ =	sdelay $0x4  }
0x5d: {  	[tilespmem:$0x1FE20] =	vst v61;
	v61 =	vld [tilespmem:$0xC520];
	_ =	sdelay $0x4  }
0x5e: {  	[tilespmem:$0x1FE30] =	vst v61;
	v61 =	vld [tilespmem:$0xC120];
	_ =	sdelay $0x4  }
0x5f: {  	[tilespmem:$0x1FE40] =	vst v61;
	v61 =	vld [tilespmem:$0xC720];
	_ =	sdelay $0x4  }
0x60: {  	[tilespmem:$0x1FE50] =	vst v61;
	v61 =	vld [tilespmem:$0xC320];
	_ =	sdelay $0x4  }
0x61: {  	[tilespmem:$0x1FE60] =	vst v61;
	v61 =	vld [tilespmem:$0xC530];
	_ =	sdelay $0x4  }
0x62: {  	[tilespmem:$0x1FE70] =	vst v61;
	v61 =	vld [tilespmem:$0xC130];
	_ =	sdelay $0x4  }
0x63: {  	[tilespmem:$0x1FE80] =	vst v61;
	v61 =	vld [tilespmem:$0xC730];
	_ =	sdelay $0x4  }
0x64: {  	[tilespmem:$0x1FE90] =	vst v61;
	v61 =	vld [tilespmem:$0xC330];
	_ =	sdelay $0x4  }
0x65: {  	[tilespmem:$0x1FEA0] =	vst v61;
	v61 =	vld [tilespmem:$0xC540];
	_ =	sdelay $0x4  }
0x66: {  	[tilespmem:$0x1FEB0] =	vst v61;
	v61 =	vld [tilespmem:$0xC140];
	_ =	sdelay $0x4  }
0x67: {  	[tilespmem:$0x1FEC0] =	vst v61;
	v61 =	vld [tilespmem:$0xC740];
	_ =	sdelay $0x4  }
0x68: {  	[tilespmem:$0x1FED0] =	vst v61;
	v61 =	vld [tilespmem:$0xC340];
	_ =	sdelay $0x4  }
0x69: {  	[tilespmem:$0x1FEE0] =	vst v61;
	v61 =	vld [tilespmem:$0xC550];
	_ =	sdelay $0x4  }
0x6a: {  	[tilespmem:$0x1FEF0] =	vst v61;
	v61 =	vld [tilespmem:$0xC150];
	_ =	sdelay $0x4  }
0x6b: {  	[tilespmem:$0x1FF00] =	vst v61;
	v61 =	vld [tilespmem:$0xC750];
	_ =	sdelay $0x4  }
0x6c: {  	[tilespmem:$0x1FF10] =	vst v61;
	v61 =	vld [tilespmem:$0xC350];
	_ =	sdelay $0x3  }
0x6d: {  	v33 =	vld [tilespmem:$0xC400]  }
0x6e: {  	[tilespmem:$0x1FF20] =	vst v61;
	v61 =	vld [tilespmem:$0xC560]  }
0x6f: {  	v34 =	vld [tilespmem:$0xC000]  }
0x70: {  	v35 =	vld [tilespmem:$0xC600]  }
0x71: {  	v36 =	vld [tilespmem:$0xC200]  }
0x72: {  	v37 =	vld [tilespmem:$0xC410]  }
0x73: {  	[tilespmem:$0x1FF30] =	vst v61;
	v61 =	vld [tilespmem:$0xC160]  }
0x74: {  	v38 =	vld [tilespmem:$0xC010]  }
0x75: {  	v39 =	vld [tilespmem:$0xC610]  }
0x76: {  	v40 =	vld [tilespmem:$0xC210]  }
0x77: {  	v41 =	vld [tilespmem:$0xC420]  }
0x78: {  	[tilespmem:$0x1FF40] =	vst v61;
	v61 =	vld [tilespmem:$0xC760]  }
0x79: {  	v42 =	vld [tilespmem:$0xC020]  }
0x7a: {  	v43 =	vld [tilespmem:$0xC620]  }
0x7b: {  	v44 =	vld [tilespmem:$0xC220]  }
0x7c: {  	v45 =	vld [tilespmem:$0xC430]  }
0x7d: {  	[tilespmem:$0x1FF50] =	vst v61;
	v61 =	vld [tilespmem:$0xC360]  }
0x7e: {  	v46 =	vld [tilespmem:$0xC030]  }
0x7f: {  	v47 =	vld [tilespmem:$0xC630]  }
0x80: {  	v48 =	vld [tilespmem:$0xC230]  }
0x81: {  	v49 =	vld [tilespmem:$0xC440]  }
0x82: {  	[tilespmem:$0x1FF60] =	vst v61;
	v61 =	vld [tilespmem:$0xC570]  }
0x83: {  	v50 =	vld [tilespmem:$0xC040]  }
0x84: {  	v51 =	vld [tilespmem:$0xC640]  }
0x85: {  	v52 =	vld [tilespmem:$0xC240]  }
0x86: {  	v53 =	vld [tilespmem:$0xC450]  }
0x87: {  	[tilespmem:$0x1FF70] =	vst v61;
	v61 =	vld [tilespmem:$0xC170]  }
0x88: {  	v54 =	vld [tilespmem:$0xC050]  }
0x89: {  	v55 =	vld [tilespmem:$0xC650]  }
0x8a: {  	v56 =	vld [tilespmem:$0xC250]  }
0x8b: {  	v57 =	vld [tilespmem:$0xC460]  }
0x8c: {  	[tilespmem:$0x1FF80] =	vst v61;
	v61 =	vld [tilespmem:$0xC770]  }
0x8d: {  	v0 =	vld [tilespmem:$0xC470]  }
0x8e: {  	v58 =	vld [tilespmem:$0xC060]  }
0x8f: {  	v59 =	vld [tilespmem:$0xC660]  }
0x90: {  	v60 =	vld [tilespmem:$0xC260]  }
0x91: {  	[tilespmem:$0x1FF90] =	vst v61;
	v61 =	vld [tilespmem:$0xC370]  }
0x92: {  	[tilespmem:$0x1FBB0] =	vst v0;
	v0 =	vld [tilespmem:$0xC480]  }
0x93: {  	v62 =	vld [tilespmem:$0xC070]  }
0x94: {  	v63 =	vld [tilespmem:$0xC670]  }
0x95: {  	v1 =	vld [tilespmem:$0xC270]  }
0x96: {  	[tilespmem:$0x1FFA0] =	vst v61;
	v61 =	vld [tilespmem:$0xC580]  }
0x97: {  	[tilespmem:$0x1FBC0] =	vst v0;
	v0 =	vld [tilespmem:$0xC080]  }
0x98: {  	v33 =	vsub.f32 v33, v34;
	v34 =	vsub.f32 v41, v42;
	v42 =	vld [tilespmem:$0xC5A0]  }
0x99: {  	v46 =	vsub.f32 v45, v46;
	v45 =	vld [tilespmem:$0xC3A0]  }
0x9a: {  	v41 =	vld [tilespmem:$0xC5B0]  }
0x9b: {  	[tilespmem:$0x1FFB0] =	vst v61;
	v61 =	vld [tilespmem:$0xC180]  }
0x9c: {  	[tilespmem:$0x1FBD0] =	vst v0;
	v0 =	vld [tilespmem:$0xC680]  }
0x9d: {  	v47 =	vsub.f32 v47, v48;
	v1 =	vsub.f32 v63, v1;
	v63 =	vld [tilespmem:$0x1FBC0]  }
0x9e: {  	v50 =	vsub.f32 v49, v50;
	v49 =	vld [tilespmem:$0x1FC00]  }
0x9f: {  	v51 =	vsub.f32 v51, v52;
	v52 =	vmul.f32 v47, v46;
	v46 =	vld [tilespmem:$0x1FBD0]  }
0xa0: {  	[tilespmem:$0x1FFC0] =	vst v61;
	v61 =	vld [tilespmem:$0xC780]  }
0xa1: {  	[tilespmem:$0x1FBE0] =	vst v0;
	v0 =	vld [tilespmem:$0xC280]  }
0xa2: {  	v47 =	vld [tilespmem:$0x1FBE0]  }
0xa3: {  	v55 =	vsub.f32 v55, v56;
	v56 =	vmul.f32 v51, v50;
	v50 =	vld [tilespmem:$0x1FC10]  }
0xa4: {  	v51 =	vld [tilespmem:$0x1FC20]  }
0xa5: {  	[tilespmem:$0x1FFD0] =	vst v61;
	v61 =	vld [tilespmem:$0xC380]  }
0xa6: {  	[tilespmem:$0xC830] =	vst v52;
	v52 =	vld [tilespmem:$0x1FC30]  }
0xa7: {  	v54 =	vsub.f32 v53, v54;
	v0 =	vsub.f32 v47, v0;
	v47 =	vld [tilespmem:$0xC3B0]  }
0xa8: {  	v53 =	vld [tilespmem:$0x1FC40]  }
0xa9: {  	v59 =	vsub.f32 v59, v60;
	v60 =	vmul.f32 v55, v54;
	v54 =	vld [tilespmem:$0x1FC50]  }
0xaa: {  	[tilespmem:$0x1FFE0] =	vst v61;
	v61 =	vld [tilespmem:$0xC590]  }
0xab: {  	v55 =	vld [tilespmem:$0x1FC60]  }
0xac: {  	[tilespmem:$0xC840] =	vst v56;
	v56 =	vld [tilespmem:$0x1FC70]  }
0xad: {  	v58 =	vsub.f32 v57, v58;
	v57 =	vld [tilespmem:$0x1FC80]  }
0xae: {  	[tilespmem:$0xC850] =	vst v60;
	v60 =	vld [tilespmem:$0x1FCB0]  }
0xaf: {  	[tilespmem:$0x1FFF0] =	vst v61;
	v61 =	vsub.f32 v35, v36;
	v35 =	vld [tilespmem:$0xC190]  }
0xb0: {  	v36 =	vsub.f32 v37, v38;
	v38 =	vld [tilespmem:$0xC790]  }
0xb1: {  	v37 =	vsub.f32 v39, v40;
	v40 =	vld [tilespmem:$0xC390]  }
0xb2: {  	v39 =	vld [tilespmem:$0xC1B0]  }
0xb3: {  	v33 =	vmul.f32 v61, v33;
	v61 =	vsub.f32 v43, v44;
	v43 =	vld [tilespmem:$0xC1A0]  }
0xb4: {  	v44 =	vld [tilespmem:$0xC7A0]  }
0xb5: {  	v48 =	vmul.f32 v61, v34;
	v61 =	vld [tilespmem:$0x1FBB0]  }
0xb6: {  	v34 =	vsub.f32 v63, v46;
	v46 =	vld [tilespmem:$0xC7B0]  }
0xb7: {  	v63 =	vld [tilespmem:$0x1FCE0]  }
0xb8: {  	[tilespmem:$0xC800] =	vst v33;
	v33 =	vsub.f32 v52, v53;
	v52 =	vld [tilespmem:$0x1FCF0]  }
0xb9: {  	v53 =	vld [tilespmem:$0x1FD00]  }
0xba: {  	[tilespmem:$0xC820] =	vst v48;
	v48 =	vld [tilespmem:$0x1FBF0]  }
0xbb: {  	v0 =	vmul.f32 v0, v34;
	v34 =	vsub.f32 v54, v55;
	v54 =	vld [tilespmem:$0x1FD10]  }
0xbc: {  	v55 =	vld [tilespmem:$0x1FD20]  }
0xbd: {  	v42 =	vsub.f32 v42, v43;
	v43 =	vsub.f32 v44, v45;
	v44 =	vld [tilespmem:$0xC3F0]  }
0xbe: {  	v36 =	vmul.f32 v37, v36;
	v37 =	vsub.f32 v61, v62;
	v62 =	vmul.f32 v59, v58;
	v58 =	vld [tilespmem:$0x1FC90]  }
0xbf: {  	v59 =	vld [tilespmem:$0x1FCA0]  }
0xc0: {  	[tilespmem:$0xC810] =	vst v36;
	v61 =	vld [tilespmem:$0x1FCC0];
	v1 =	vmul.f32 v1, v37;
	v36 =	vsub.f32 v48, v49;
	v37 =	vsub.f32 v50, v51  }
0xc1: {  	[tilespmem:$0xC860] =	vst v62;
	v62 =	vld [tilespmem:$0x1FCD0]  }
0xc2: {  	[tilespmem:$0xC870] =	vst v1;
	v1 =	vmul.f32 v37, v36;
	v36 =	vsub.f32 v56, v57;
	v56 =	vld [tilespmem:$0x1FD30]  }
0xc3: {  	v57 =	vld [tilespmem:$0x1FD40]  }
0xc4: {  	v37 =	vsub.f32 v58, v59;
	v58 =	vld [tilespmem:$0x1FD50]  }
0xc5: {  	v59 =	vld [tilespmem:$0x1FD60]  }
0xc6: {  	[tilespmem:$0xC880] =	vst v0;
	v0 =	vmul.f32 v34, v33;
	v33 =	vsub.f32 v60, v61;
	v60 =	vld [tilespmem:$0x1FD70]  }
0xc7: {  	v61 =	vld [tilespmem:$0x1FD80]  }
0xc8: {  	v34 =	vsub.f32 v62, v63;
	v62 =	vld [tilespmem:$0x1FD90]  }
0xc9: {  	[tilespmem:$0xC890] =	vst v1;
	v1 =	vmul.f32 v37, v36;
	v63 =	vld [tilespmem:$0x1FDA0]  }
0xca: {  	[tilespmem:$0xC8A0] =	vst v0;
	v36 =	vsub.f32 v52, v53;
	v0 =	vmul.f32 v34, v33;
	v33 =	vsub.f32 v56, v57;
	v56 =	vld [tilespmem:$0x1FDB0]  }
0xcb: {  	v37 =	vsub.f32 v54, v55;
	v34 =	vsub.f32 v58, v59;
	v58 =	vld [tilespmem:$0x1FDD0]  }
0xcc: {  	v59 =	vld [tilespmem:$0x1FDE0]  }
0xcd: {  	[tilespmem:$0xC8B0] =	vst v1;
	v1 =	vmul.f32 v37, v36;
	v36 =	vsub.f32 v60, v61;
	v60 =	vld [tilespmem:$0x1FDF0]  }
0xce: {  	v61 =	vld [tilespmem:$0x1FE00]  }
0xcf: {  	v37 =	vsub.f32 v62, v63;
	v62 =	vld [tilespmem:$0x1FE10]  }
0xd0: {  	v63 =	vld [tilespmem:$0x1FE20]  }
0xd1: {  	v57 =	vld [tilespmem:$0x1FDC0]  }
0xd2: {  	[tilespmem:$0xC8C0] =	vst v0;
	v0 =	vmul.f32 v34, v33;
	v34 =	vsub.f32 v58, v59;
	v59 =	vld [tilespmem:$0x1FE50]  }
0xd3: {  	[tilespmem:$0xC8D0] =	vst v1;
	v1 =	vmul.f32 v37, v36;
	v36 =	vsub.f32 v60, v61;
	v60 =	vld [tilespmem:$0x1FE60]  }
0xd4: {  	v61 =	vld [tilespmem:$0x1FE70]  }
0xd5: {  	v37 =	vsub.f32 v62, v63;
	v62 =	vld [tilespmem:$0x1FE80]  }
0xd6: {  	v33 =	vsub.f32 v56, v57;
	v57 =	vld [tilespmem:$0x1FE30]  }
0xd7: {  	v58 =	vld [tilespmem:$0x1FE40]  }
0xd8: {  	v63 =	vld [tilespmem:$0x1FE90]  }
0xd9: {  	[tilespmem:$0xC8E0] =	vst v0;
	v0 =	vmul.f32 v34, v33;
	v34 =	vsub.f32 v59, v60;
	v60 =	vld [tilespmem:$0x1FEA0]  }
0xda: {  	[tilespmem:$0xC8F0] =	vst v1;
	v1 =	vmul.f32 v37, v36;
	v36 =	vsub.f32 v61, v62;
	v61 =	vld [tilespmem:$0x1FEB0]  }
0xdb: {  	v62 =	vld [tilespmem:$0x1FEC0]  }
0xdc: {  	v48 =	vld [tilespmem:$0xC5C0]  }
0xdd: {  	v49 =	vld [tilespmem:$0xC1C0]  }
0xde: {  	v33 =	vsub.f32 v57, v58;
	v37 =	vsub.f32 v63, v60;
	v63 =	vld [tilespmem:$0x1FED0]  }
0xdf: {  	v60 =	vld [tilespmem:$0x1FEE0]  }
0xe0: {  	[tilespmem:$0xC900] =	vst v0;
	v0 =	vmul.f32 v34, v33;
	v33 =	vsub.f32 v61, v62;
	v61 =	vld [tilespmem:$0x1FEF0]  }
0xe1: {  	v62 =	vld [tilespmem:$0x1FF00]  }
0xe2: {  	v50 =	vld [tilespmem:$0xC7C0]  }
0xe3: {  	v51 =	vld [tilespmem:$0xC3C0]  }
0xe4: {  	v34 =	vsub.f32 v63, v60;
	v63 =	vld [tilespmem:$0x1FF10]  }
0xe5: {  	v60 =	vld [tilespmem:$0x1FF20]  }
0xe6: {  	[tilespmem:$0xC910] =	vst v1;
	v1 =	vmul.f32 v37, v36;
	v36 =	vsub.f32 v61, v62;
	v61 =	vld [tilespmem:$0x1FF30]  }
0xe7: {  	v62 =	vld [tilespmem:$0x1FF40]  }
0xe8: {  	v52 =	vld [tilespmem:$0xC5D0]  }
0xe9: {  	v53 =	vld [tilespmem:$0xC1D0]  }
0xea: {  	v37 =	vsub.f32 v63, v60;
	v63 =	vld [tilespmem:$0x1FF50]  }
0xeb: {  	v60 =	vld [tilespmem:$0x1FF60]  }
0xec: {  	[tilespmem:$0xC920] =	vst v0;
	v0 =	vmul.f32 v34, v33;
	v33 =	vsub.f32 v61, v62;
	v61 =	vld [tilespmem:$0x1FF70]  }
0xed: {  	v62 =	vld [tilespmem:$0x1FF80]  }
0xee: {  	v54 =	vld [tilespmem:$0xC7D0]  }
0xef: {  	v55 =	vld [tilespmem:$0xC3D0]  }
0xf0: {  	v56 =	vld [tilespmem:$0xC5E0]  }
0xf1: {  	v34 =	vsub.f32 v63, v60;
	v63 =	vld [tilespmem:$0x1FFB0]  }
0xf2: {  	[tilespmem:$0xC930] =	vst v1;
	v1 =	vmul.f32 v37, v36;
	v36 =	vsub.f32 v61, v62;
	v61 =	vld [tilespmem:$0x1FFC0]  }
0xf3: {  	v37 =	vld [tilespmem:$0x1FF90]  }
0xf4: {  	v60 =	vld [tilespmem:$0x1FFA0]  }
0xf5: {  	[tilespmem:$0xC940] =	vst v0;
	v0 =	vmul.f32 v34, v33;
	v34 =	vld [tilespmem:$0x1FFD0]  }
0xf6: {  	v62 =	vld [tilespmem:$0x1FFF0]  }
0xf7: {  	v33 =	vsub.f32 v63, v61;
	v61 =	vld [tilespmem:$0x1FFE0]  }
0xf8: {  	v57 =	vld [tilespmem:$0xC1E0]  }
0xf9: {  	v58 =	vld [tilespmem:$0xC7E0];
	v37 =	vsub.f32 v37, v60  }
0xfa: {  	v60 =	vld [tilespmem:$0xC5F0]  }
0xfb: {  	[tilespmem:$0xC950] =	vst v1;
	v1 =	vmul.f32 v37, v36;
	v35 =	vsub.f32 v62, v35;
	v63 =	vsub.f32 v38, v40;
	v40 =	vld [tilespmem:$0xC7F0]  }
0xfc: {  	v34 =	vsub.f32 v34, v61;
	v61 =	vld [tilespmem:$0xC1F0]  }
0xfd: {  	v45 =	vsub.f32 v41, v39;
	v47 =	vsub.f32 v46, v47;
	v59 =	vld [tilespmem:$0xC3E0];
	[tilespmem:$0xC970] =	vst v1;
	v1 =	vmul.f32 v63, v35  }
0xfe: {  	v50 =	vsub.f32 v50, v51;
	[tilespmem:$0xC960] =	vst v0;
	v0 =	vmul.f32 v34, v33  }
0xff: {  	v51 =	vsub.f32 v52, v53;
	v52 =	vsub.f32 v54, v55;
	[tilespmem:$0xC990] =	vst v1;
	v1 =	vmul.f32 v47, v45  }
0x100: {  	v49 =	vsub.f32 v48, v49;
	[tilespmem:$0xC980] =	vst v0;
	v0 =	vmul.f32 v43, v42  }
0x101: {  	v63 =	vsub.f32 v40, v44;
	[tilespmem:$0xC9B0] =	vst v1;
	v1 =	vmul.f32 v52, v51;
	v62 =	vsub.f32 v60, v61  }
0x102: {  	v53 =	vsub.f32 v56, v57;
	v59 =	vsub.f32 v58, v59;
	[tilespmem:$0xC9A0] =	vst v0;
	v0 =	vmul.f32 v50, v49  }
0x103: {  	[tilespmem:$0xC9D0] =	vst v1;
	v1 =	vmul.f32 v63, v62  }
0x104: {  	[tilespmem:$0xC9C0] =	vst v0;
	v0 =	vmul.f32 v59, v53  }
0x105: {  	[tilespmem:$0xC9F0] =	vst v1  }
0x106: {  	s1 =	simm.s32 $0x0;
	v57 =	vimm.f32 $0.0e+00;
	v56 =	vlaneseq.u32;
	[tilespmem:$0xC9E0] =	vst v0  }
.LBB2_2:
0x107: {  	v0 =	vld [tilespmem:$0xC400]  }
0x108: {  	v1 =	vld [tilespmem:$0xC000]  }
0x109: {  	v38 =	vld [tilespmem:$0xC600]  }
0x10a: {  	v40 =	vld [tilespmem:$0xC200]  }
0x10b: {  	v42 =	vld [tilespmem:$0xC410]  }
0x10c: {  	v43 =	vld [tilespmem:$0xC010]  }
0x10d: {  	s0 =	sshra.s32 s1, $0x2;
	v44 =	vld [tilespmem:$0xC610]  }
0x10e: {  	v34 =	vld [tilespmem:s0+$0x0]  }
0x10f: {  	v33 =	vld [tilespmem:s0+$0x3000]  }
0x110: {  	v39 =	vld [tilespmem:s0+$0x6000]  }
0x111: {  	v37 =	vld [tilespmem:s0+$0x9000]  }
0x112: {  	v45 =	vld [tilespmem:$0xC210]  }
0x113: {  	v46 =	vld [tilespmem:$0xC420]  }
0x114: {  	v47 =	vld [tilespmem:$0xC020]  }
0x115: {  	v49 =	vld [tilespmem:$0xC030]  }
0x116: {  	v41 =	vld [tilespmem:$0xC800];
	v35 =	vsub.f32 v39, v34;
	v36 =	vsub.f32 v37, v33  }
0x117: {  	v53 =	vld [tilespmem:$0xC220];
	v0 =	vmin.f32 v39, v0;
	v1 =	vmax.f32 v34, v1;
	v40 =	vmax.f32 v33, v40  }
0x118: {  	v50 =	vld [tilespmem:$0xC810];
	v42 =	vmin.f32 v39, v42;
	v43 =	vmax.f32 v34, v43;
	v44 =	vmin.f32 v37, v44  }
0x119: {  	v52 =	vld [tilespmem:$0xC620];
	v45 =	vmax.f32 v33, v45;
	v46 =	vmin.f32 v39, v46;
	v47 =	vmax.f32 v34, v47  }
0x11a: {  	v54 =	vld [tilespmem:$0xC820];
	v49 =	vmax.f32 v34, v49;
	v0 =	vsub.f32 v0, v1;
	v1 =	vmin.f32 v37, v38  }
0x11b: {  	v51 =	vsub.f32 v44, v45;
	v38 =	vmul.f32 v36, v35;
	v1 =	vsub.f32 v1, v40  }
0x11c: {  	v55 =	vld [tilespmem:$0xC430];
	v44 =	vmax.f32 v33, v53;
	v46 =	vsub.f32 v46, v47;
	v0 =	vmax.f32 v0, $0.0e+00  }
0x11d: {  	v1 =	vmax.f32 v1, $0.0e+00;
	v41 =	vadd.f32 v41, v38;
	v40 =	vadd.f32 v50, v38;
	v50 =	vld [tilespmem:$0xC230]  }
0x11e: {  	v0 =	vmul.f32 v1, v0;
	v1 =	vsub.f32 v42, v43;
	v43 =	vmin.f32 v37, v52  }
0x11f: {  	v58 =	vld [tilespmem:$0xC630];
	v46 =	vmax.f32 v46, $0.0e+00;
	v45 =	vadd.f32 v54, v38;
	v43 =	vsub.f32 v43, v44  }
0x120: {  	v61 =	vld [tilespmem:$0xC440];
	v42 =	vmax.f32 v51, $0.0e+00;
	v41 =	vsub.f32 v41, v0;
	v1 =	vmax.f32 v1, $0.0e+00  }
0x121: {  	v63 =	vld [tilespmem:$0xC640];
	v1 =	vmul.f32 v42, v1;
	v43 =	vmax.f32 v43, $0.0e+00;
	v42 =	vmin.f32 v39, v55  }
0x122: {  	v51 =	vld [tilespmem:$0xC830];
	v48 =	vxor.u32 $0x80000000, v41;
	v43 =	vmul.f32 v43, v46;
	v50 =	vmax.f32 v33, v50  }
0x123: {  	v52 =	vld [tilespmem:$0xC040];
	v42 =	vsub.f32 v42, v49;
	vm0 =	vgt.f32 v0, v48;
	v40 =	vsub.f32 v40, v1  }
0x124: {  	v54 =	vld [tilespmem:$0xC240];
	v48 =	vmin.f32 v37, v58;
	v41 =	vnsel vm0, $0x3F800000, v41;
	v0 =	vnsel vm0, $0xBF800000, v0  }
0x125: {  	v46 =	vld [tilespmem:$0xC650];
	v62 =	vsub.f32 v48, v50;
	v59 =	vmul.f32 v1, v41;
	v60 =	vmul.f32 v40, v0  }
0x126: {  	v61 =	vmin.f32 v39, v61;
	v47 =	vmin.f32 v37, v63  }
0x127: {  	v42 =	vmax.f32 v42, $0.0e+00;
	v48 =	vld [tilespmem:$0xC840];
	v44 =	vmax.f32 v62, $0.0e+00;
	vm0 =	vgt.f32 v59, v60  }
0x128: {  	v62 =	vmax.f32 v34, v52;
	v59 =	vadd.f32 v51, v38;
	v60 =	vld [tilespmem:$0xC450];
	v0 =	vsel vm0, v1, v0  }
0x129: {  	v51 =	vld [tilespmem:$0xC050];
	v1 =	vsel vm0, v40, v41;
	v40 =	vsub.f32 v45, v43;
	v41 =	vmax.f32 v33, v54  }
0x12a: {  	v63 =	vld [tilespmem:$0xC250];
	v42 =	vmul.f32 v44, v42;
	v46 =	vmin.f32 v37, v46;
	v41 =	vsub.f32 v47, v41  }
0x12b: {  	v49 =	vld [tilespmem:$0xC460];
	v45 =	vimm.s32 $0x0;
	v55 =	vmul.f32 v43, v1;
	v58 =	vmul.f32 v40, v0  }
0x12c: {  	v44 =	vsub.f32 v59, v42;
	v59 =	vadd.f32 v48, v38;
	v41 =	vmax.f32 v41, $0.0e+00  }
0x12d: {  	v54 =	vld [tilespmem:$0xC660];
	vm2 =	vgt.f32 v55, v58;
	v55 =	vsub.f32 v61, v62;
	v60 =	vmin.f32 v39, v60  }
0x12e: {  	v47 =	vld [tilespmem:$0xC850];
	v61 =	vmax.f32 v34, v51;
	v1 =	vsel vm2, v40, v1;
	v0 =	vsel vm2, v43, v0  }
0x12f: {  	v62 =	vmax.f32 v33, v63;
	v63 =	vld [tilespmem:$0xC060];
	v43 =	vmul.f32 v42, v1;
	v58 =	vmul.f32 v44, v0  }
0x130: {  	v50 =	vsub.f32 v60, v61;
	v61 =	vmin.f32 v39, v49;
	v49 =	vld [tilespmem:$0xC670];
	v40 =	vmax.f32 v55, $0.0e+00  }
0x131: {  	v53 =	vsub.f32 v46, v62;
	v55 =	vld [tilespmem:$0xC260];
	v40 =	vmul.f32 v41, v40;
	vm1 =	vgt.f32 v43, v58  }
0x132: {  	v51 =	vld [tilespmem:$0xC070];
	v60 =	vimm.s32 $0x0;
	v46 =	vmin.f32 v37, v54;
	v43 =	vsel vm1, $0xFFFFFFFF, v45  }
0x133: {  	v0 =	vsel vm1, v42, v0;
	v1 =	vsel vm1, v44, v1;
	v41 =	vsub.f32 v59, v40  }
0x134: {  	v48 =	vld [tilespmem:$0xC860];
	v45 =	vmax.f32 v53, $0.0e+00;
	v59 =	vadd.f32 v47, v38;
	v62 =	vmax.f32 v34, v63  }
0x135: {  	v63 =	vld [tilespmem:$0xC270];
	[tilespmem:$0x1FB90] =	vst v43;
	v44 =	vmul.f32 v40, v1;
	v43 =	vmax.f32 v50, $0.0e+00;
	v58 =	vmul.f32 v41, v0  }
0x136: {  	v47 =	vld [tilespmem:$0xC470];
	v49 =	vmin.f32 v37, v49;
	v43 =	vmul.f32 v45, v43;
	v42 =	vmax.f32 v33, v55  }
0x137: {  	v55 =	vsub.f32 v61, v62;
	v61 =	vmax.f32 v34, v51;
	v51 =	vld [tilespmem:$0xC090];
	vm13 =	vgt.f32 v44, v58  }
0x138: {  	v42 =	vsub.f32 v46, v42;
	v46 =	vld [tilespmem:$0xC870];
	v44 =	vsel vm13, $0xFFFFFFFF, v60;
	v1 =	vsel vm13, v41, v1  }
0x139: {  	v0 =	vsel vm13, v40, v0;
	v41 =	vmax.f32 v55, $0.0e+00;
	v60 =	vadd.f32 v48, v38;
	v48 =	vld [tilespmem:$0xC480]  }
0x13a: {  	v42 =	vmax.f32 v42, $0.0e+00;
	v62 =	vmax.f32 v33, v63;
	v63 =	vld [tilespmem:$0xC080];
	[tilespmem:$0x1FBA0] =	vst v44;
	v44 =	vsub.f32 v59, v43  }
0x13b: {  	v47 =	vmin.f32 v39, v47;
	v55 =	vld [tilespmem:$0xC680];
	v58 =	vmul.f32 v43, v1;
	v41 =	vmul.f32 v42, v41  }
0x13c: {  	v53 =	vsub.f32 v47, v61;
	v54 =	vsub.f32 v49, v62;
	v49 =	vld [tilespmem:$0xC880];
	v59 =	vmul.f32 v44, v0  }
0x13d: {  	v42 =	vsub.f32 v60, v41;
	v60 =	vadd.f32 v46, v38;
	v46 =	vld [tilespmem:$0xC490]  }
0x13e: {  	v40 =	vmax.f32 v53, $0.0e+00;
	v45 =	vmax.f32 v54, $0.0e+00;
	vm4 =	vgt.f32 v58, v59;
	v58 =	vld [tilespmem:$0xC280]  }
0x13f: {  	v40 =	vmul.f32 v45, v40;
	v62 =	vmax.f32 v34, v63;
	v63 =	vld [tilespmem:$0xC290]  }
0x140: {  	v61 =	vmin.f32 v39, v48;
	v0 =	vsel vm4, v43, v0;
	v1 =	vsel vm4, v44, v1  }
0x141: {  	v48 =	vld [tilespmem:$0xC690];
	v47 =	vmin.f32 v37, v55;
	v44 =	vmul.f32 v41, v1;
	v59 =	vmul.f32 v42, v0  }
0x142: {  	v55 =	vsub.f32 v61, v62;
	v61 =	vmax.f32 v34, v51;
	v51 =	vld [tilespmem:$0xC0B0];
	v46 =	vmin.f32 v39, v46  }
0x143: {  	vm5 =	vgt.f32 v44, v59;
	v44 =	vsub.f32 v60, v40;
	v60 =	vadd.f32 v49, v38;
	v49 =	vld [tilespmem:$0xC4A0]  }
0x144: {  	v43 =	vmax.f32 v33, v58;
	v1 =	vsel vm5, v42, v1;
	v62 =	vmax.f32 v33, v63;
	v63 =	vld [tilespmem:$0xC0A0]  }
0x145: {  	v0 =	vsel vm5, v41, v0;
	v42 =	vmax.f32 v55, $0.0e+00;
	v55 =	vld [tilespmem:$0xC6A0];
	v43 =	vsub.f32 v47, v43  }
0x146: {  	v48 =	vmin.f32 v37, v48;
	v58 =	vmul.f32 v40, v1;
	v59 =	vmul.f32 v44, v0;
	v47 =	vld [tilespmem:$0xC890]  }
0x147: {  	v53 =	vsub.f32 v46, v61;
	v54 =	vsub.f32 v48, v62;
	v48 =	vld [tilespmem:$0xC8A0];
	v43 =	vmax.f32 v43, $0.0e+00  }
0x148: {  	vm6 =	vgt.f32 v58, v59;
	v58 =	vld [tilespmem:$0xC2A0];
	v42 =	vmul.f32 v43, v42  }
0x149: {  	v41 =	vmax.f32 v53, $0.0e+00;
	v45 =	vmax.f32 v54, $0.0e+00;
	v61 =	vmin.f32 v39, v49;
	v49 =	vld [tilespmem:$0xC6B0]  }
0x14a: {  	v0 =	vsel vm6, v40, v0;
	v62 =	vmax.f32 v34, v63;
	v63 =	vld [tilespmem:$0xC2B0];
	v40 =	vsub.f32 v60, v42  }
0x14b: {  	v1 =	vsel vm6, v44, v1;
	v41 =	vmul.f32 v45, v41;
	v46 =	vmin.f32 v37, v55  }
0x14c: {  	v44 =	vmul.f32 v42, v1;
	v60 =	vadd.f32 v47, v38;
	v59 =	vmul.f32 v40, v0  }
0x14d: {  	v47 =	vld [tilespmem:$0xC4B0];
	v55 =	vsub.f32 v61, v62;
	v61 =	vmax.f32 v34, v51;
	v43 =	vmax.f32 v33, v58  }
0x14e: {  	v51 =	vld [tilespmem:$0xC0D0];
	v43 =	vsub.f32 v46, v43;
	v49 =	vmin.f32 v37, v49;
	vm7 =	vgt.f32 v44, v59  }
0x14f: {  	v46 =	vld [tilespmem:$0xC8B0];
	v44 =	vsub.f32 v60, v41;
	v60 =	vadd.f32 v48, v38;
	v62 =	vmax.f32 v33, v63  }
0x150: {  	v48 =	vld [tilespmem:$0xC4C0];
	v1 =	vsel vm7, v40, v1;
	v0 =	vsel vm7, v42, v0;
	v40 =	vmax.f32 v55, $0.0e+00  }
0x151: {  	v63 =	vld [tilespmem:$0xC0C0];
	v43 =	vmax.f32 v43, $0.0e+00;
	v58 =	vmul.f32 v41, v1;
	v59 =	vmul.f32 v44, v0  }
0x152: {  	v47 =	vmin.f32 v39, v47;
	v54 =	vsub.f32 v49, v62;
	v55 =	vld [tilespmem:$0xC6C0];
	v40 =	vmul.f32 v43, v40  }
0x153: {  	v49 =	vld [tilespmem:$0xC8C0];
	v53 =	vsub.f32 v47, v61;
	vm8 =	vgt.f32 v58, v59  }
0x154: {  	v45 =	vmax.f32 v54, $0.0e+00;
	v58 =	vld [tilespmem:$0xC2C0];
	v0 =	vsel vm8, v41, v0;
	v41 =	vsub.f32 v60, v40  }
0x155: {  	v42 =	vmax.f32 v53, $0.0e+00;
	v1 =	vsel vm8, v44, v1;
	v60 =	vadd.f32 v46, v38;
	v46 =	vld [tilespmem:$0xC4D0]  }
0x156: {  	v61 =	vmin.f32 v39, v48;
	v48 =	vld [tilespmem:$0xC6D0];
	v44 =	vmul.f32 v40, v1;
	v59 =	vmul.f32 v41, v0  }
0x157: {  	v42 =	vmul.f32 v45, v42;
	v62 =	vmax.f32 v34, v63;
	v63 =	vld [tilespmem:$0xC2D0];
	v47 =	vmin.f32 v37, v55  }
0x158: {  	v55 =	vsub.f32 v61, v62;
	v61 =	vmax.f32 v34, v51;
	vm9 =	vgt.f32 v44, v59  }
0x159: {  	v44 =	vsub.f32 v60, v42;
	v43 =	vmax.f32 v33, v58;
	v60 =	vadd.f32 v49, v38  }
0x15a: {  	v51 =	vld [tilespmem:$0xC0F0];
	v1 =	vsel vm9, v41, v1;
	v43 =	vsub.f32 v47, v43;
	v0 =	vsel vm9, v40, v0  }
0x15b: {  	v49 =	vld [tilespmem:$0xC4E0];
	v41 =	vmax.f32 v55, $0.0e+00;
	v46 =	vmin.f32 v39, v46;
	v48 =	vmin.f32 v37, v48  }
0x15c: {  	v47 =	vld [tilespmem:$0xC8D0];
	v62 =	vmax.f32 v33, v63;
	v58 =	vmul.f32 v42, v1;
	v59 =	vmul.f32 v44, v0  }
0x15d: {  	v63 =	vld [tilespmem:$0xC0E0];
	v53 =	vsub.f32 v46, v61;
	v54 =	vsub.f32 v48, v62;
	v43 =	vmax.f32 v43, $0.0e+00  }
0x15e: {  	v55 =	vld [tilespmem:$0xC6E0];
	v41 =	vmul.f32 v43, v41  }
0x15f: {  	vm10 =	vgt.f32 v58, v59;
	v58 =	vld [tilespmem:$0xC2E0];
	v40 =	vmax.f32 v53, $0.0e+00;
	v45 =	vmax.f32 v54, $0.0e+00  }
0x160: {  	v48 =	vld [tilespmem:$0xC8E0];
	v0 =	vsel vm10, v42, v0;
	v1 =	vsel vm10, v44, v1;
	v42 =	vsub.f32 v60, v41  }
0x161: {  	v50 =	vld [tilespmem:$0xC740];
	v40 =	vmul.f32 v45, v40;
	v61 =	vmin.f32 v39, v49;
	v44 =	vmul.f32 v41, v1  }
0x162: {  	v60 =	vadd.f32 v47, v38;
	v47 =	vld [tilespmem:$0xC4F0];
	v62 =	vmax.f32 v34, v63;
	v59 =	vmul.f32 v42, v0  }
0x163: {  	v46 =	vmin.f32 v37, v55;
	v63 =	vld [tilespmem:$0xC2F0];
	v55 =	vsub.f32 v61, v62  }
0x164: {  	v49 =	vld [tilespmem:$0xC6F0];
	v43 =	vmax.f32 v33, v58;
	vm11 =	vgt.f32 v44, v59;
	v44 =	vsub.f32 v60, v40  }
0x165: {  	v61 =	vmax.f32 v34, v51;
	v51 =	vld [tilespmem:$0xC110];
	v43 =	vsub.f32 v46, v43;
	v60 =	vadd.f32 v48, v38  }
0x166: {  	v46 =	vld [tilespmem:$0xC8F0];
	v1 =	vsel vm11, v42, v1;
	v0 =	vsel vm11, v41, v0;
	v42 =	vmax.f32 v55, $0.0e+00  }
0x167: {  	v48 =	vld [tilespmem:$0xC500];
	v58 =	vmul.f32 v40, v1;
	v59 =	vmul.f32 v44, v0;
	v43 =	vmax.f32 v43, $0.0e+00  }
0x168: {  	v47 =	vmin.f32 v39, v47;
	v62 =	vmax.f32 v33, v63;
	v63 =	vld [tilespmem:$0xC100];
	v42 =	vmul.f32 v43, v42  }
0x169: {  	v49 =	vmin.f32 v37, v49;
	v54 =	vsub.f32 v47, v61;
	vm12 =	vgt.f32 v58, v59;
	v58 =	vld [tilespmem:$0xC700]  }
0x16a: {  	v55 =	vsub.f32 v49, v62;
	v59 =	vld [tilespmem:$0xC300];
	v0 =	vsel vm12, v40, v0;
	v40 =	vsub.f32 v60, v42  }
0x16b: {  	v49 =	vld [tilespmem:$0xC900];
	v41 =	vmax.f32 v54, $0.0e+00;
	v1 =	vsel vm12, v44, v1  }
0x16c: {  	v52 =	vld [tilespmem:$0xC120];
	v45 =	vmax.f32 v55, $0.0e+00;
	v44 =	vmul.f32 v42, v1;
	v60 =	vmul.f32 v40, v0  }
0x16d: {  	v50 =	vmin.f32 v37, v50;
	v41 =	vmul.f32 v45, v41;
	v61 =	vadd.f32 v46, v38;
	v46 =	vld [tilespmem:$0xC510]  }
0x16e: {  	v62 =	vmin.f32 v39, v48;
	v48 =	vld [tilespmem:$0xC710];
	v63 =	vmax.f32 v34, v63;
	vm13 =	vgt.f32 v44, v60  }
0x16f: {  	v44 =	vsub.f32 v61, v41;
	v47 =	vmin.f32 v37, v58;
	v43 =	vmax.f32 v33, v59;
	v58 =	vld [tilespmem:$0xC310]  }
0x170: {  	v59 =	vsub.f32 v62, v63;
	v62 =	vadd.f32 v49, v38;
	v49 =	vld [tilespmem:$0xC520];
	v63 =	vmax.f32 v34, v51  }
0x171: {  	v51 =	vld [tilespmem:$0xC130];
	v1 =	vsel vm13, v40, v1;
	v43 =	vsub.f32 v47, v43;
	v0 =	vsel vm13, v42, v0  }
0x172: {  	v47 =	vld [tilespmem:$0xC910];
	v46 =	vmin.f32 v39, v46;
	v60 =	vmul.f32 v41, v1;
	v61 =	vmul.f32 v44, v0  }
0x173: {  	v40 =	vmax.f32 v59, $0.0e+00;
	v59 =	vsub.f32 v46, v63;
	v63 =	vld [tilespmem:$0xC320];
	v43 =	vmax.f32 v43, $0.0e+00  }
0x174: {  	v48 =	vmin.f32 v37, v48;
	v40 =	vmul.f32 v43, v40;
	vm14 =	vgt.f32 v60, v61;
	v61 =	vld [tilespmem:$0xC720]  }
0x175: {  	v42 =	vmax.f32 v59, $0.0e+00;
	v59 =	vmax.f32 v34, v52;
	v52 =	vld [tilespmem:$0xC330];
	v58 =	vmax.f32 v33, v58  }
0x176: {  	v1 =	vsel vm14, v44, v1;
	v60 =	vsub.f32 v48, v58;
	v62 =	vsub.f32 v62, v40;
	v48 =	vld [tilespmem:$0xC920]  }
0x177: {  	v0 =	vsel vm14, v41, v0;
	v44 =	vmul.f32 v40, v1;
	v55 =	vadd.f32 v47, v38;
	v47 =	vld [tilespmem:$0xC530]  }
0x178: {  	v58 =	vmin.f32 v39, v49;
	v49 =	vld [tilespmem:$0xC730];
	v43 =	vmax.f32 v33, v63;
	v54 =	vmul.f32 v62, v0  }
0x179: {  	v45 =	vmax.f32 v60, $0.0e+00;
	v60 =	vsub.f32 v58, v59;
	v59 =	vmax.f32 v34, v51  }
0x17a: {  	v42 =	vmul.f32 v45, v42;
	v46 =	vmin.f32 v37, v61;
	vm15 =	vgt.f32 v44, v54  }
0x17b: {  	v63 =	vld [tilespmem:$0xC930];
	v43 =	vsub.f32 v46, v43;
	v41 =	vmax.f32 v60, $0.0e+00;
	v60 =	vmax.f32 v33, v52  }
0x17c: {  	v53 =	vld [tilespmem:$0xC150];
	v44 =	vsub.f32 v55, v42;
	v1 =	vsel vm15, v62, v1;
	v0 =	vsel vm15, v40, v0  }
0x17d: {  	v52 =	vld [tilespmem:$0xC140];
	v58 =	vadd.f32 v48, v38;
	v47 =	vmin.f32 v39, v47;
	v49 =	vmin.f32 v37, v49  }
0x17e: {  	v48 =	vld [tilespmem:$0xC540];
	v61 =	vmul.f32 v42, v1;
	v43 =	vmax.f32 v43, $0.0e+00;
	v47 =	vsub.f32 v47, v59  }
0x17f: {  	v40 =	vld [tilespmem:$0xC340];
	v49 =	vsub.f32 v49, v60;
	v59 =	vsel vm0, v2, v56;
	v62 =	vmul.f32 v44, v0  }
0x180: {  	v55 =	vld [tilespmem:$0xC350];
	v63 =	vadd.f32 v63, v38;
	v41 =	vmul.f32 v43, v41;
	v46 =	vsel vm2, v3, v59  }
0x181: {  	v51 =	vld [tilespmem:$0xC170];
	vm1 =	vgt.f32 v61, v62;
	v61 =	vmax.f32 v47, $0.0e+00;
	v62 =	vmax.f32 v49, $0.0e+00  }
0x182: {  	v54 =	vld [tilespmem:$0xC750];
	v52 =	vmax.f32 v34, v52;
	v0 =	vsel vm1, v42, v0;
	v42 =	vsub.f32 v58, v41  }
0x183: {  	v1 =	vsel vm1, v44, v1;
	v43 =	vmul.f32 v62, v61;
	v58 =	vld [tilespmem:$0xC550];
	v48 =	vmin.f32 v39, v48  }
0x184: {  	v47 =	vld [tilespmem:$0xC940];
	v40 =	vmax.f32 v33, v40;
	v60 =	vmul.f32 v41, v1;
	v61 =	vmul.f32 v42, v0  }
0x185: {  	v59 =	vmax.f32 v33, v55;
	v62 =	vsub.f32 v48, v52;
	v40 =	vsub.f32 v50, v40;
	v48 =	vld [tilespmem:$0xC950]  }
0x186: {  	v50 =	vld [tilespmem:$0xC560];
	v44 =	vsub.f32 v63, v43;
	v63 =	vmax.f32 v34, v53;
	vm0 =	vgt.f32 v60, v61  }
0x187: {  	v40 =	vmax.f32 v40, $0.0e+00;
	v60 =	vld [tilespmem:$0xC760];
	v1 =	vsel vm0, v42, v1;
	v0 =	vsel vm0, v41, v0  }
0x188: {  	v42 =	vmax.f32 v62, $0.0e+00;
	v45 =	vmin.f32 v39, v58;
	v58 =	vmin.f32 v37, v54;
	v62 =	vld [tilespmem:$0xC360]  }
0x189: {  	v40 =	vmul.f32 v40, v42;
	v42 =	vadd.f32 v47, v38;
	v47 =	vld [tilespmem:$0xC160];
	v45 =	vsub.f32 v45, v63  }
0x18a: {  	v41 =	vmul.f32 v43, v1;
	v49 =	vmul.f32 v44, v0;
	v61 =	vsub.f32 v58, v59;
	v58 =	vld [tilespmem:$0x1FB90]  }
0x18b: {  	v53 =	vmax.f32 v45, $0.0e+00;
	v45 =	vld [tilespmem:$0xC960]  }
0x18c: {  	vm2 =	vgt.f32 v41, v49;
	v55 =	vmax.f32 v61, $0.0e+00;
	v61 =	vld [tilespmem:$0xC770]  }
0x18d: {  	v1 =	vsel vm2, v44, v1;
	v44 =	vld [tilespmem:$0xC570]  }
0x18e: {  	v51 =	vmax.f32 v34, v51;
	v48 =	vadd.f32 v48, v38;
	v52 =	vmax.f32 v33, v62;
	v62 =	vld [tilespmem:$0x1FBA0]  }
0x18f: {  	v50 =	vmin.f32 v39, v50;
	v41 =	vsub.f32 v42, v40;
	v0 =	vsel vm2, v43, v0  }
0x190: {  	v43 =	vmul.f32 v55, v53;
	v60 =	vmin.f32 v37, v60;
	vm3 =	vnez.u8 v58;
	v58 =	vld [tilespmem:$0xC370]  }
0x191: {  	v63 =	vmul.f32 v40, v1;
	v59 =	vmul.f32 v41, v0;
	v47 =	vmax.f32 v34, v47  }
0x192: {  	v55 =	vsub.f32 v60, v52;
	v52 =	vld [tilespmem:$0xC180];
	v46 =	vsel vm3, v4, v46;
	v45 =	vadd.f32 v45, v38  }
0x193: {  	v61 =	vmin.f32 v37, v61;
	v44 =	vmin.f32 v39, v44;
	vm3 =	vnez.u8 v62  }
0x194: {  	v46 =	vsel vm3, v5, v46;
	vm3 =	vgt.f32 v63, v59;
	v63 =	vsub.f32 v50, v47  }
0x195: {  	v59 =	vsub.f32 v48, v43;
	v47 =	vmax.f32 v55, $0.0e+00;
	v49 =	vmax.f32 v33, v58  }
0x196: {  	v62 =	vld [tilespmem:$0xC780];
	v0 =	vsel vm3, v40, v0;
	v1 =	vsel vm3, v41, v1;
	v46 =	vsel vm4, v6, v46  }
0x197: {  	v48 =	vld [tilespmem:$0xC970];
	v55 =	vsub.f32 v61, v49;
	v61 =	vmax.f32 v34, v52;
	v41 =	vmul.f32 v43, v1  }
0x198: {  	v58 =	vld [tilespmem:$0xC380];
	v42 =	vmax.f32 v63, $0.0e+00;
	v60 =	vmul.f32 v59, v0;
	v63 =	vsub.f32 v44, v51  }
0x199: {  	v46 =	vsel vm5, v7, v46;
	v42 =	vmul.f32 v47, v42;
	v44 =	vmax.f32 v55, $0.0e+00  }
0x19a: {  	v52 =	vld [tilespmem:$0xC190];
	v46 =	vsel vm6, v8, v46;
	vm4 =	vgt.f32 v41, v60;
	v41 =	vmax.f32 v63, $0.0e+00  }
0x19b: {  	v47 =	vld [tilespmem:$0xC580];
	v62 =	vmin.f32 v37, v62;
	v46 =	vsel vm7, v9, v46;
	v0 =	vsel vm4, v43, v0  }
0x19c: {  	v63 =	vld [tilespmem:$0xC790];
	v1 =	vsel vm4, v59, v1;
	v40 =	vsub.f32 v45, v42;
	v41 =	vmul.f32 v44, v41  }
0x19d: {  	v45 =	vld [tilespmem:$0xC980];
	v48 =	vadd.f32 v48, v38;
	v49 =	vmax.f32 v33, v58;
	v46 =	vsel vm8, v10, v46  }
0x19e: {  	v44 =	vld [tilespmem:$0xC590];
	v59 =	vmul.f32 v42, v1;
	v46 =	vsel vm9, v11, v46;
	v60 =	vmul.f32 v40, v0  }
0x19f: {  	v58 =	vsub.f32 v62, v49;
	v62 =	vmax.f32 v34, v52;
	v46 =	vsel vm10, v12, v46  }
0x1a0: {  	v47 =	vmin.f32 v39, v47;
	v46 =	vsel vm11, v13, v46;
	vm5 =	vgt.f32 v59, v60  }
0x1a1: {  	v54 =	vld [tilespmem:$0xC7A0];
	v55 =	vsub.f32 v47, v61;
	v47 =	vmax.f32 v58, $0.0e+00;
	v63 =	vmin.f32 v37, v63  }
0x1a2: {  	v59 =	vld [tilespmem:$0xC390];
	v46 =	vsel vm12, v14, v46;
	v0 =	vsel vm5, v42, v0;
	v1 =	vsel vm5, v40, v1  }
0x1a3: {  	v40 =	vsub.f32 v48, v41;
	v45 =	vadd.f32 v45, v38;
	v44 =	vmin.f32 v39, v44  }
0x1a4: {  	v52 =	vld [tilespmem:$0xC1A0];
	v46 =	vsel vm13, v15, v46;
	v60 =	vmul.f32 v41, v1;
	v58 =	vsub.f32 v44, v62  }
0x1a5: {  	v48 =	vld [tilespmem:$0xC990];
	v43 =	vmax.f32 v55, $0.0e+00;
	v46 =	vsel vm14, v16, v46;
	v61 =	vmul.f32 v40, v0  }
0x1a6: {  	v43 =	vmul.f32 v47, v43;
	v46 =	vsel vm15, v17, v46;
	v42 =	vmax.f32 v58, $0.0e+00  }
0x1a7: {  	v47 =	vld [tilespmem:$0xC5A0];
	v58 =	vmin.f32 v37, v54;
	v46 =	vsel vm1, v18, v46;
	v49 =	vmax.f32 v33, v59  }
0x1a8: {  	vm6 =	vgt.f32 v60, v61;
	v60 =	vld [tilespmem:$0xC3A0];
	v46 =	vsel vm0, v19, v46;
	v59 =	vsub.f32 v63, v49  }
0x1a9: {  	v0 =	vsel vm6, v41, v0;
	v1 =	vsel vm6, v40, v1;
	v40 =	vsub.f32 v45, v43;
	v45 =	vld [tilespmem:$0xC9A0]  }
0x1aa: {  	v48 =	vadd.f32 v48, v38;
	v63 =	vmax.f32 v34, v52;
	v52 =	vld [tilespmem:$0xC1B0];
	v46 =	vsel vm2, v20, v46  }
0x1ab: {  	v61 =	vmul.f32 v43, v1;
	v44 =	vmax.f32 v59, $0.0e+00;
	v62 =	vmul.f32 v40, v0;
	v59 =	vld [tilespmem:$0xC7B0]  }
0x1ac: {  	v46 =	vsel vm3, v21, v46;
	v47 =	vmin.f32 v39, v47;
	v42 =	vmul.f32 v44, v42;
	v44 =	vld [tilespmem:$0xC5B0]  }
0x1ad: {  	v46 =	vsel vm4, v22, v46;
	v49 =	vmax.f32 v33, v60;
	vm7 =	vgt.f32 v61, v62;
	v62 =	vld [tilespmem:$0xC3B0]  }
0x1ae: {  	v60 =	vsub.f32 v47, v63;
	v61 =	vsub.f32 v58, v49;
	v0 =	vsel vm7, v43, v0  }
0x1af: {  	v53 =	vld [tilespmem:$0xC1C0];
	v1 =	vsel vm7, v40, v1;
	v40 =	vsub.f32 v48, v42;
	v45 =	vadd.f32 v45, v38  }
0x1b0: {  	v51 =	vld [tilespmem:$0xC5C0];
	v63 =	vmul.f32 v42, v1;
	v41 =	vmax.f32 v60, $0.0e+00;
	v47 =	vmax.f32 v61, $0.0e+00  }
0x1b1: {  	v58 =	vmax.f32 v34, v52;
	v48 =	vmul.f32 v40, v0;
	v41 =	vmul.f32 v47, v41;
	v47 =	vld [tilespmem:$0xC9B0]  }
0x1b2: {  	v52 =	vld [tilespmem:$0xC3C0];
	v59 =	vmin.f32 v37, v59;
	v44 =	vmin.f32 v39, v44;
	v49 =	vmax.f32 v33, v62  }
0x1b3: {  	vm8 =	vgt.f32 v63, v48;
	v60 =	vsub.f32 v44, v58;
	v62 =	vld [tilespmem:$0xC7C0];
	v61 =	vsub.f32 v59, v49  }
0x1b4: {  	v0 =	vsel vm8, v42, v0;
	v1 =	vsel vm8, v40, v1;
	v63 =	vsub.f32 v45, v41  }
0x1b5: {  	v54 =	vmul.f32 v41, v1;
	v43 =	vmax.f32 v60, $0.0e+00;
	v44 =	vmax.f32 v61, $0.0e+00  }
0x1b6: {  	v50 =	vld [tilespmem:$0xC7D0];
	v55 =	vmul.f32 v63, v0;
	v43 =	vmul.f32 v44, v43;
	v58 =	vadd.f32 v47, v38  }
0x1b7: {  	v59 =	vmin.f32 v39, v51;
	v42 =	vmax.f32 v33, v52;
	v60 =	vld [tilespmem:$0xC9C0];
	v61 =	vmax.f32 v34, v53  }
0x1b8: {  	vm14 =	vgt.f32 v54, v55;
	v48 =	vmin.f32 v37, v62;
	v54 =	vld [tilespmem:$0xC1D0];
	v44 =	vsub.f32 v58, v43  }
0x1b9: {  	v62 =	vsub.f32 v59, v61;
	v1 =	vsel vm14, v63, v1;
	v63 =	vld [tilespmem:$0xC5D0];
	v0 =	vsel vm14, v41, v0  }
0x1ba: {  	v59 =	vld [tilespmem:$0xC3D0];
	v42 =	vsub.f32 v48, v42;
	v53 =	vmul.f32 v43, v1;
	v55 =	vmul.f32 v44, v0  }
0x1bb: {  	v46 =	vsel vm5, v23, v46;
	v61 =	vld [tilespmem:$0xC7E0]  }
0x1bc: {  	v41 =	vld [tilespmem:$0xC5E0];
	v40 =	vmax.f32 v62, $0.0e+00;
	v42 =	vmax.f32 v42, $0.0e+00;
	vm11 =	vgt.f32 v53, v55  }
0x1bd: {  	v58 =	vadd.f32 v60, v38;
	v40 =	vmul.f32 v42, v40;
	v1 =	vsel vm11, v44, v1;
	v44 =	vld [tilespmem:$0xC1E0]  }
0x1be: {  	v46 =	vsel vm6, v24, v46;
	v48 =	vmax.f32 v34, v54;
	v45 =	vmin.f32 v39, v63;
	v63 =	vld [tilespmem:$0xC3E0]  }
0x1bf: {  	v55 =	vmin.f32 v37, v50;
	v47 =	vmax.f32 v33, v59;
	v42 =	vsub.f32 v58, v40;
	v58 =	vld [tilespmem:$0xC9D0]  }
0x1c0: {  	v54 =	vld [tilespmem:$0xC3F0];
	v0 =	vsel vm11, v43, v0;
	v47 =	vsub.f32 v55, v47;
	v45 =	vsub.f32 v45, v48  }
0x1c1: {  	v46 =	vsel vm7, v25, v46;
	v51 =	vld [tilespmem:$0xC1F0];
	v60 =	vmul.f32 v40, v1;
	v62 =	vmul.f32 v42, v0  }
0x1c2: {  	v61 =	vmin.f32 v37, v61;
	v48 =	vld [tilespmem:$0xC9E0];
	v47 =	vmax.f32 v47, $0.0e+00;
	v59 =	vmax.f32 v45, $0.0e+00  }
0x1c3: {  	v41 =	vmin.f32 v39, v41;
	vm12 =	vgt.f32 v60, v62;
	v60 =	vld [tilespmem:$0xC5F0];
	v43 =	vmul.f32 v47, v59  }
0x1c4: {  	v44 =	vmax.f32 v34, v44;
	v62 =	vmax.f32 v33, v63;
	v63 =	vld [tilespmem:$0xC7F0];
	v53 =	vadd.f32 v58, v38  }
0x1c5: {  	v49 =	vmax.f32 v33, v54;
	v0 =	vsel vm12, v40, v0;
	v41 =	vsub.f32 v41, v44  }
0x1c6: {  	v1 =	vsel vm12, v42, v1;
	v44 =	vsub.f32 v61, v62;
	v55 =	vsub.f32 v53, v43  }
0x1c7: {  	v59 =	vmul.f32 v43, v1;
	v61 =	vadd.f32 v48, v38;
	v41 =	vmax.f32 v41, $0.0e+00  }
0x1c8: {  	v62 =	vld [tilespmem:$0xC9F0];
	v58 =	vmax.f32 v44, $0.0e+00;
	v39 =	vmin.f32 v39, v60;
	v60 =	vmul.f32 v55, v0  }
0x1c9: {  	v41 =	vmul.f32 v58, v41;
	v37 =	vmin.f32 v37, v63;
	v63 =	vmax.f32 v34, v51  }
0x1ca: {  	vm13 =	vgt.f32 v59, v60;
	v39 =	vsub.f32 v39, v63;
	v37 =	vsub.f32 v37, v49  }
0x1cb: {  	v45 =	vsub.f32 v61, v41;
	v0 =	vsel vm13, v43, v0;
	v1 =	vsel vm13, v55, v1  }
0x1cc: {  	v48 =	vmul.f32 v41, v1;
	v39 =	vmax.f32 v39, $0.0e+00;
	v37 =	vmax.f32 v37, $0.0e+00  }
0x1cd: {  	v38 =	vadd.f32 v62, v38;
	v43 =	vmul.f32 v45, v0;
	v37 =	vmul.f32 v37, v39  }
0x1ce: {  	v49 =	vsel vm8, v26, v46  }
0x1cf: {  	v39 =	vsel vm14, v27, v49;
	vm14 =	vgt.f32 v48, v43;
	v38 =	vsub.f32 v38, v37  }
0x1d0: {  	v39 =	vsel vm11, v28, v39;
	v0 =	vsel vm14, v41, v0;
	v1 =	vsel vm14, v45, v1  }
0x1d1: {  	v39 =	vsel vm12, v29, v39;
	v40 =	vmul.f32 v37, v1;
	v41 =	vmul.f32 v38, v0  }
0x1d2: {  	v39 =	vsel vm13, v30, v39  }
0x1d3: {  	v39 =	vsel vm14, v31, v39;
	vm15 =	vgt.f32 v40, v41  }
0x1d4: {  	v39 =	vsel vm15, v32, v39;
	_ =	sdelay $0x4  }
0x1d5: {  	v50 =	vld.idx.msk [tilespmem:v39+s23+$0x0], $0xffff  }
0x1d6: {  	v51 =	vld.idx.msk [tilespmem:v39+s24+$0x0], $0xffff  }
0x1d7: {  	v52 =	vld.idx.msk [tilespmem:v39+s25+$0x0], $0xffff  }
0x1d8: {  	v53 =	vld.idx.msk [tilespmem:v39+s26+$0x0], $0xffff;
	_ =	sdelay $0x1  }
0x1d9: {  	(erf) = vrcp.f32 v35  }
0x1da: {  	(erf) = vrcp.f32 v36  }
0x1db: {  	v42 =	vsub.f32 v52, v50  }
0x1dc: {  	v43 =	vsub.f32 v53, v51  }
0x1dd: {  	v35 =	vmul.f32 $5.000000000e-01, v35;
	v54 =	vmul.f32 $5.000000000e-01, v42  }
0x1de: {  	v36 =	vmul.f32 $5.000000000e-01, v36;
	v1 =	vsel vm15, v38, v1;
	v55 =	vmul.f32 $5.000000000e-01, v43  }
0x1df: {  	v34 =	vadd.f32 v35, v34;
	v1 =	vmul.f32 $5.000000000e-01, v1;
	v40 =	vadd.f32 v54, v50  }
0x1e0: {  	v33 =	vadd.f32 v36, v33;
	v59 =	vld.idx.msk [tilespmem:v39+s28+$0x0], $0xffff;
	v58 =	vadd.f32 v55, v51  }
0x1e1: {  	v0 =	vsel vm15, v37, v0;
	v34 =	vsub.f32 v40, v34  }
0x1e2: {  	v60 =	vpop (erf);
	vm0 =	vge.f32 v0, v1;
	v33 =	vsub.f32 v58, v33  }
0x1e3: {  	v61 =	vsel vm0, $0x3F800000, v57;
	v1 =	vpop (erf);
	v62 =	vmax.f32 v42, $1.000000000e+00;
	v0 =	vmul.f32 v34, v60  }
0x1e4: {  	p0 =	sne.s32 s1, $0xBFC0;
	[tilespmem:s0+$0xCC00] =	vst v61;
	v33 =	vmul.f32 v33, v1;
	v34 =	vmul.f32 v62, v60  }
.Ltmp0:
0x1e5: {  	[tilespmem:s0+$0xFC00] =	vst v59;
	v0 =	vmul.f32 $1.000000000e+01, v0;
	(pc) =	sbr.rel @p0 .LBB2_2-.Ltmp0, $4  }
0x1e6: {  	v63 =	vmax.f32 v43, $1.000000000e+00;
	v33 =	vmul.f32 $1.000000000e+01, v33;
	[tilespmem:s0+$0x6000] =	vst v34  }
0x1e7: {  	[tilespmem:s0+$0x0] =	vst v0;
	v0 =	vmul.f32 v63, v1  }
0x1e8: {  	[tilespmem:s0+$0x3000] =	vst v33  }
0x1e9: {  	s1 =	sadd.s32 $0x40, s1;
	[tilespmem:s0+$0x9000] =	vst v0  }
0x1ea: {  	[hbm4b:s12+s2] =	stream.linear.scatter [tilespmem:s29], [sflag:$0x1], $0x3000, $0x38;
	[tilespmem:$0x12C00] =	vst v63  }
0x1eb: {  	_ =	swait.ge [sflag:s19], $0x3000  }
0x1ec: {  	[sflag:s19] =	ssyncset.done $0x0  }
0x1ed: {  	[sflag:s19] =	ssyncadd.s32 $0xFFFFD000  }
0x1ee: {  	[hbm4b:s13+s2] =	stream.linear.scatter [tilespmem:s30], [sflag:$0x1], $0x3000, $0x38;
	[tilespmem:$0x12C00] =	vst v63  }
0x1ef: {  	_ =	swait.ge [sflag:s19], $0x3000  }
0x1f0: {  	[sflag:s19] =	ssyncset.done $0x0  }
0x1f1: {  	[sflag:s19] =	ssyncadd.s32 $0xFFFFD000  }
0x1f2: {  	[hbm4b:s14+s2] =	stream.linear.scatter [tilespmem:s2], [sflag:$0x1], $0x3000, $0x38;
	[tilespmem:$0x12C00] =	vst v63  }
0x1f3: {  	_ =	swait.ge [sflag:s19], $0x3000  }
0x1f4: {  	[sflag:s19] =	ssyncset.done $0x0  }
0x1f5: {  	[sflag:s19] =	ssyncadd.s32 $0xFFFFD000  }
0x1f6: {  	[hbm4b:s15+s2] =	stream.linear.scatter [tilespmem:s20], [sflag:$0x1], $0x3000, $0x38;
	[tilespmem:$0x12C00] =	vst v63  }
0x1f7: {  	_ =	swait.ge [sflag:s19], $0x3000  }
0x1f8: {  	[sflag:s19] =	ssyncset.done $0x0  }
0x1f9: {  	[sflag:s19] =	ssyncadd.s32 $0xFFFFD000  }
0x1fa: {  	[hbm4b:s16+s2] =	stream.linear.scatter [tilespmem:s21], [sflag:$0x1], $0x3000, $0x38;
	[tilespmem:$0x12C00] =	vst v63  }
0x1fb: {  	s31 =	sadd.s32 $0x1, s31;
	_ =	swait.ge [sflag:s19], $0x3000  }
0x1fc: {  	p0 =	sne.s32 s31, s18;
	[sflag:s19] =	ssyncset.done $0x0  }
.Ltmp1:
0x1fd: {  	[sflag:s19] =	ssyncadd.s32 $0xFFFFD000;
	(pc) =	sbr.rel @p0 .LBB2_1-.Ltmp1, $4  }
0x1fe: {  	[hbm4b:s17+s2] =	stream.linear.scatter [tilespmem:s22], [sflag:$0x1], $0x3000, $0x38;
	[tilespmem:$0x12C00] =	vst v63  }
0x1ff: {  	_ =	swait.ge [sflag:s19], $0x3000  }
0x200: {  	[sflag:s19] =	ssyncset.done $0x0  }
0x201: {  	[sflag:s19] =	ssyncadd.s32 $0xFFFFD000  }
0x202: {  	_ =	sfence.sel $0x180000  }
0x203: {  	[bflag:$0x0] =	sbarrier.arrive $0xFFFF  }
0x204: {  	_ =	strace $0x90000047  }
0x205: {  	s0 =	stileid.u32;
	[bflag:$0x2] =	sbarrier.arrive $0xFFFF  }
0x206: {  	p0 =	sne.s32 s0, $0x0;
	s0 =	rddreg [dreg:$0x1]  }
0x207: {  	s0 =	sadd.s32 @!p0 $0x100000, s0  }
0x208: {  	[sflag:s0] =	ssyncadd.tile.s32 @!p0 $0x1;
	_ =	shalt  }
.Lfunc_end2:
_tile_overlayer_lowered:
.L_overlay_start_2:
0x209: {  	(tag) =	ssettag $0x2  }
0x20a: {  	s0 =	rddreg [dreg:$0x0];
	s2 =	stileid.u32  }
0x20b: {  	s1 =	rddreg [dreg:$0x1];
	p0 =	sne.s32 s2, $0x0  }
0x20c: {  	s3 =	rddreg [dreg:$0x2];
	[bflag:$0x3] =	sbarrier.arrive $0xFFFF;
	s2 =	simm.s32 @!p0 $0x1C01  }
0x20d: {  	[timem:s3], [sflag:s2] =	dma.local @!p0 [hbm:s0], s1  }
0x20e: {  	s0 =	simm.s32 @!p0 $0x1  }
0x20f: {  	_ =	swait.ge @!p0 [sflag:s0], s1  }
0x210: {  	s1 =	ssub.s32 @!p0 $0x0, s1;
	[sflag:s0] =	ssyncset.done @!p0 $0x0  }
0x211: {  	[sflag:s0] =	ssyncadd.s32 @!p0 s1  }
0x212: {  	[bflag:$0x3] =	sbarrier.arrive $0xFFFF  }
0x213: {  	_ =	shalt  }

</sc_bundles>
